<compile_context>
chip_gen: v7x
topology: tpu7x:2x2x1
jax: 0.10.2.dev20260603
libtpu: 0.0.44.dev20260713+nightly
codegen_flags: <defaults>
</compile_context>

<pallas_src>
import functools

import jax
import jax.numpy as jnp
from jax import lax
from jax.experimental import pallas as pl
from jax.experimental.pallas import tpu as pltpu
from jax.experimental.pallas import tpu_sc as plsc

N = 10000
E = 320000
D = 128
H = 128
C = 40

NC, NS = 2, 16
NP = 10240
TS = NP // NS
E2 = E // 2
ET = E + E2
CB = 80
G = 8
T1 = 250
T2 = 126
EP1 = NS * T1 * CB
EP2 = NS * T2 * CB
ET2 = EP1 + EP2
CHUNKS_SC = ET2 // CB
ZSRC = 2 * NP + N
ZDST = N
CA = 2000
RB = 512
GI = NP // RB

_mesh = plsc.VectorSubcoreMesh(core_axis_name="c", subcore_axis_name="s",
                               num_cores=NC, num_subcores=NS)


@functools.partial(
    pl.kernel, mesh=_mesh,
    out_type=jax.ShapeDtypeStruct((4 * NS, 1, TS), jnp.float32),
    compiler_params=pltpu.CompilerParams(needs_layout_passes=False),
    scratch_types=[
        pltpu.VMEM((NS, 1, TS), jnp.float32),
        pltpu.VMEM((NS, 1, TS), jnp.float32),
        pltpu.VMEM((CA,), jnp.int32),
        pltpu.VMEM((1, TS), jnp.float32),
        pltpu.VMEM((16,), jnp.int32),
        pltpu.VMEM((16,), jnp.int32),
        pltpu.VMEM_SHARED((2 * NS, 1, TS), jnp.float32),
    ],
)
def _deg_kernel(dst_hbm, zvec_hbm, deg_hbm, cnt_p, cnt_t, idxb, stage,
                ridx0, ridx1, shared):
    cid = lax.axis_index("c")
    sid = lax.axis_index("s")
    lane = jnp.arange(16, dtype=jnp.int32)
    zero16 = jnp.zeros((16,), jnp.int32)
    ridx0[pl.ds(0, 16)] = lane
    ridx1[pl.ds(0, 16)] = lane + 16
    pltpu.sync_copy(zvec_hbm, cnt_p)
    pltpu.sync_copy(zvec_hbm, cnt_t)
    pltpu.sync_copy(zvec_hbm.at[0], stage)
    pltpu.sync_copy(stage, shared.at[sid])
    pltpu.sync_copy(stage, shared.at[NS + sid])
    plsc.subcore_barrier()

    ones = jnp.ones((16,), jnp.float32)
    mask = jnp.full((16,), 0xFFFF, jnp.int32)

    def count(cnt_ref, estart, ecount):
        per_tile = ecount // NS
        base = estart + sid * per_tile

        def chunk(ci, _):
            pltpu.sync_copy(dst_hbm.at[pl.ds(cid * ET + base + ci * CA, CA)],
                            idxb)

            def vec(j, _):
                iv = plsc.load_gather(idxb, [j * 16 + lane])
                plsc.addupdate_scatter(
                    cnt_ref,
                    [lax.shift_right_logical(iv, 16), zero16, iv & mask],
                    ones)
                return 0

            lax.fori_loop(0, CA // 16, vec, 0, unroll=4)
            return 0

        lax.fori_loop(0, per_tile // CA, chunk, 0)

    count(cnt_p, 0, E)
    count(cnt_t, E, E2)
    pltpu.sync_copy(cnt_p, shared.at[ridx0], add=True)
    pltpu.sync_copy(cnt_t, shared.at[ridx1], add=True)
    plsc.subcore_barrier()
    pltpu.sync_copy(shared.at[sid], stage)
    pltpu.sync_copy(stage, deg_hbm.at[cid * NS + sid])
    pltpu.sync_copy(shared.at[NS + sid], stage)
    pltpu.sync_copy(stage, deg_hbm.at[(2 + cid) * NS + sid])


def _gtable_body(x_ref, w_ref, degt_ref, g_ref, dinv_ref):
    k = pl.program_id(0)
    d4 = degt_ref[...]
    dsel = jnp.where(k == 0, d4[:, 0],
                     jnp.where(k == 1, d4[:, 1], d4[:, 2] + d4[:, 3])) + 1.0
    dinv = lax.rsqrt(dsel)
    h = jnp.dot(x_ref[...], w_ref[0], preferred_element_type=jnp.float32)
    g_ref[0] = h * dinv[:, None]
    dinv_ref[0] = dinv[:, None]


_gtable = pl.pallas_call(
    _gtable_body,
    grid=(3, GI),
    in_specs=[
        pl.BlockSpec((RB, D), lambda k, i: (i, 0)),
        pl.BlockSpec((1, D, H), lambda k, i: (k, 0, 0)),
        pl.BlockSpec((RB, 4), lambda k, i: (i, 0)),
    ],
    out_specs=[
        pl.BlockSpec((1, RB, H), lambda k, i: (k, i, 0)),
        pl.BlockSpec((1, RB, 1), lambda k, i: (k, i, 0)),
    ],
    out_shape=[
        jax.ShapeDtypeStruct((3, NP, H), jnp.float32),
        jax.ShapeDtypeStruct((3, NP, 1), jnp.float32),
    ],
)


@functools.partial(
    pl.kernel, mesh=_mesh,
    out_type=jax.ShapeDtypeStruct((4, NP, D), jnp.float32),
    scratch_types=[
        pltpu.VMEM((CB,), jnp.int32),
        pltpu.VMEM((CB,), jnp.int32),
        pltpu.VMEM((CB,), jnp.int32),
        pltpu.VMEM((CB,), jnp.int32),
        pltpu.VMEM((CB, D), jnp.float32),
        pltpu.VMEM((CB, D), jnp.float32),
        pltpu.VMEM_SHARED((NP, D), jnp.float32),
        pltpu.SemaphoreType.DMA,
        pltpu.SemaphoreType.DMA,
        pltpu.SemaphoreType.DMA,
        pltpu.SemaphoreType.DMA,
    ],
)
def _agg_kernel(g_hbm, src_hbm, dst_hbm, zrow_hbm, acc_hbm,
                sidx0, sidx1, didx0, didx1, rows0, rows1, acc_sh,
                semi0, semi1, semg0, semg1):
    cid = lax.axis_index("c")
    sid = lax.axis_index("s")
    sidx = (sidx0, sidx1)
    didx = (didx0, didx1)
    rows = (rows0, rows1)
    semi = (semi0, semi1)
    semg = (semg0, semg1)

    def fire_idx(chunk, b):
        pltpu.async_copy(src_hbm.at[pl.ds(chunk * CB, CB)], sidx[b], semi[b])
        pltpu.async_copy(dst_hbm.at[pl.ds(chunk * CB, CB)], didx[b], semi[b])

    def wait_idx(b):
        pltpu.make_async_copy(src_hbm.at[pl.ds(0, CB)], sidx[b],
                              semi[b]).wait()
        pltpu.make_async_copy(dst_hbm.at[pl.ds(0, CB)], didx[b],
                              semi[b]).wait()

    def fire_gather(b):
        pltpu.async_copy(g_hbm.at[sidx[b]], rows[b], semg[b])

    def wait_gather(b):
        pltpu.make_async_copy(g_hbm.at[sidx[b]], rows[b], semg[b]).wait()

    def zero_own_slice():
        pltpu.sync_copy(zrow_hbm, rows0)
        for b in range(TS // CB):
            pltpu.sync_copy(rows0, acc_sh.at[pl.ds(sid * TS + b * CB, CB)])

    def phase(chunk_base, ntrips, outrow):
        tile_c0 = chunk_base + sid * ntrips
        last = tile_c0 + ntrips - 1

        def trip(t, p):
            q = 1 - p
            fire_idx(jnp.minimum(t + 1, last), q)
            wait_gather(p)
            wait_idx(q)
            fire_gather(q)
            pltpu.sync_copy(rows[p], acc_sh.at[didx[p]], add=True)

        fire_idx(tile_c0, 0)
        wait_idx(0)
        fire_gather(0)

        def pair(pp, _):
            t = tile_c0 + 2 * pp
            trip(t, 0)
            trip(t + 1, 1)
            return 0

        lax.fori_loop(0, ntrips // 2, pair, 0)
        wait_gather(0)
        plsc.subcore_barrier()
        pltpu.sync_copy(acc_sh.at[pl.ds(sid * TS, CB)], rows1)
        plsc.subcore_barrier()
        for b in range(TS // CB):
            r0 = sid * TS + b * CB
            pltpu.sync_copy(acc_sh.at[pl.ds(r0, CB)], rows0)
            pltpu.sync_copy(rows0, acc_hbm.at[outrow, pl.ds(r0, CB)])

    def settle():
        plsc.subcore_barrier()
        pltpu.sync_copy(acc_sh.at[pl.ds(sid * TS, CB)], rows1)
        plsc.subcore_barrier()

    zero_own_slice()
    settle()
    phase(cid * CHUNKS_SC, T1, cid)
    zero_own_slice()
    settle()
    phase(cid * CHUNKS_SC + EP1 // CB, T2, 2 + cid)


def _head_body(acc_ref, g_ref, dinv_ref, bs_ref, lw_ref, lb_ref, out_ref):
    acc = acc_ref[...]
    g = g_ref[...]
    dv = dinv_ref[...]
    bs = bs_ref[...]
    x1 = jnp.maximum(dv[0] * (acc[0] + g[0]) + bs[0][None, :], 0.0)
    x2 = jnp.maximum(dv[1] * (acc[1] + g[1]) + bs[1][None, :], 0.0)
    x3 = jnp.maximum(dv[2] * (acc[2] + acc[3] + g[2]) + bs[2][None, :], 0.0)
    hs = jnp.maximum(x1 + x2 + x3, 0.0)
    o = jnp.dot(hs, lw_ref[...], preferred_element_type=jnp.float32)
    o = o + lb_ref[...][None, :]
    m = jnp.max(o, axis=1, keepdims=True)
    s = jnp.sum(jnp.exp(o - m), axis=1, keepdims=True)
    out_ref[...] = (o - m) - jnp.log(s)


_head = pl.pallas_call(
    _head_body,
    grid=(GI,),
    in_specs=[
        pl.BlockSpec((4, RB, D), lambda i: (0, i, 0)),
        pl.BlockSpec((3, RB, H), lambda i: (0, i, 0)),
        pl.BlockSpec((3, RB, 1), lambda i: (0, i, 0)),
        pl.BlockSpec((3, H), lambda i: (0, 0)),
        pl.BlockSpec((H, C), lambda i: (0, 0)),
        pl.BlockSpec((C,), lambda i: (0,)),
    ],
    out_specs=pl.BlockSpec((RB, C), lambda i: (i, 0)),
    out_shape=jax.ShapeDtypeStruct((NP, C), jnp.float32),
)


def kernel(x, edge_index1, edge_index2, edge_index_id, W1, b1, W2, b2, W3, b3,
           lin_W, lin_b):
    x_pad = jnp.zeros((NP, D), jnp.float32).at[:N].set(x)
    Ws = jnp.stack([W1, W2, W3])
    bs = jnp.stack([b1, b2, b3])

    pad1s = jnp.full((EP1 - E,), ZSRC, jnp.int32)
    pad2s = jnp.full((EP2 - E2,), ZSRC, jnp.int32)
    pad1d = jnp.full((EP1 - E,), ZDST, jnp.int32)
    pad2d = jnp.full((EP2 - E2,), ZDST, jnp.int32)
    src_c = jnp.concatenate([
        edge_index1[0], pad1s, edge_index_id[0, :E2] + 2 * NP, pad2s,
        edge_index2[0] + NP, pad1s, edge_index_id[0, E2:] + 2 * NP, pad2s,
    ])
    dst_c = jnp.concatenate([
        edge_index1[1], pad1d, edge_index_id[1, :E2], pad2d,
        edge_index2[1], pad1d, edge_index_id[1, E2:], pad2d,
    ])

    dst_a = jnp.concatenate([
        edge_index1[1], edge_index_id[1, :E2],
        edge_index2[1], edge_index_id[1, E2:],
    ])
    dst_a = ((dst_a // TS) << 16) | (dst_a % TS)

    zvec = jnp.zeros((NS, 1, TS), jnp.float32)
    zrow = jnp.zeros((CB, D), jnp.float32)

    deg = _deg_kernel(dst_a, zvec).reshape(4, NP)
    g_all, dinv3 = _gtable(x_pad, Ws, deg.T)
    acc = _agg_kernel(g_all.reshape(3 * NP, H), src_c, dst_c, zrow)
    out = _head(acc, g_all, dinv3, bs, lin_W, lin_b)
    return out[:N]

# --- scband reference (transcript-rebuilt; emitter-appended) ---
"""Pipeline reference for scband-mimognn1-70162585747788 (READ-ONLY COPY).

The authoritative reference and input builder live on the scoring server;
editing this copy changes nothing except your own understanding.
"""

import jax, jax.numpy as jnp
import numpy as np

N = 10000
E = 320000
D = 128
H = 128
C = 40


def setup_inputs(seed: int = 0) -> dict:
    key = jax.random.key(seed)
    ks = jax.random.split(key, 12)
    x = jax.random.normal(ks[0], (N, D), dtype=jnp.float32)
    ei1 = jax.random.randint(ks[1], (2, E), 0, N, dtype=jnp.int32)
    ei2 = jax.random.randint(ks[2], (2, E), 0, N, dtype=jnp.int32)
    ei_id = jax.random.randint(ks[3], (2, E), 0, N, dtype=jnp.int32)
    s_in = 1.0 / np.sqrt(D)
    s_h = 1.0 / np.sqrt(H)
    W1 = jax.random.uniform(ks[4], (D, H), dtype=jnp.float32, minval=-s_in, maxval=s_in)
    b1 = jnp.zeros((H,), dtype=jnp.float32)
    W2 = jax.random.uniform(ks[5], (D, H), dtype=jnp.float32, minval=-s_in, maxval=s_in)
    b2 = jnp.zeros((H,), dtype=jnp.float32)
    W3 = jax.random.uniform(ks[6], (D, H), dtype=jnp.float32, minval=-s_in, maxval=s_in)
    b3 = jnp.zeros((H,), dtype=jnp.float32)
    lin_W = jax.random.uniform(ks[7], (H, C), dtype=jnp.float32, minval=-s_h, maxval=s_h)
    lin_b = jax.random.uniform(ks[8], (C,), dtype=jnp.float32, minval=-s_h, maxval=s_h)
    return {"x": x, "edge_index1": ei1, "edge_index2": ei2, "edge_index_id": ei_id,
            "W1": W1, "b1": b1, "W2": W2, "b2": b2, "W3": W3, "b3": b3,
            "lin_W": lin_W, "lin_b": lin_b}


def _gcn_conv(x, edge_index, W, b):
    # GCNConv: add self loops, symmetric normalization D^-1/2 (A+I) D^-1/2, linear, bias
    src = edge_index[0]
    dst = edge_index[1]
    loop = jnp.arange(N, dtype=src.dtype)
    src = jnp.concatenate([src, loop])
    dst = jnp.concatenate([dst, loop])
    deg = jax.ops.segment_sum(jnp.ones(src.shape, dtype=jnp.float32), dst, num_segments=N)
    dinv = jax.lax.rsqrt(jnp.maximum(deg, 1e-12))
    dinv = jnp.where(deg > 0, dinv, 0.0)
    norm = dinv[src] * dinv[dst]
    h = x @ W
    msgs = h[src] * norm[:, None]
    out = jax.ops.segment_sum(msgs, dst, num_segments=N)
    return out + b


def reference(x, edge_index1, edge_index2, edge_index_id, W1, b1, W2, b2, W3, b3, lin_W, lin_b):
    # OneLayerGCN branches: GCNConv -> relu -> dropout (identity in eval mode)
    x1 = jax.nn.relu(_gcn_conv(x, edge_index1, W1, b1))
    x2 = jax.nn.relu(_gcn_conv(x, edge_index2, W2, b2))
    x3 = jax.nn.relu(_gcn_conv(x, edge_index_id, W3, b3))
    h = jax.nn.relu(x1 + x2 + x3)
    # dropout identity in eval mode
    out = h @ lin_W + lin_b
    return jax.nn.log_softmax(out, axis=1)

if __name__ == "__main__":
    import jax
    _d = setup_inputs()
    print(jax.jit(kernel)(*tuple(_d.values())))

</pallas_src>

<mosaic_0001>
#map = affine_map<(d0, d1) -> (0)>
#map1 = affine_map<(d0, d1) -> (0, 0, 0)>
module attributes {stable_mosaic.version = 14 : i64} {
  func.func @_deg_kernel(%arg0: i32, %arg1: i32, %arg2: memref<960000xi32, #tpu.memory_space<hbm>>, %arg3: memref<16x1x640xf32, #tpu.memory_space<hbm>>, %arg4: memref<64x1x640xf32, #tpu.memory_space<hbm>>, %arg5: memref<16x1x640xf32, #tpu.memory_space<vmem>>, %arg6: memref<16x1x640xf32, #tpu.memory_space<vmem>>, %arg7: memref<2000xi32, #tpu.memory_space<vmem>>, %arg8: memref<1x640xf32, #tpu.memory_space<vmem>>, %arg9: memref<16xi32, #tpu.memory_space<vmem>>, %arg10: memref<16xi32, #tpu.memory_space<vmem>>, %arg11: memref<32x1x640xf32, #tpu.memory_space<vmem_shared>>) attributes {dimension_semantics = [#tpu.dimension_semantics<core_parallel>, #tpu.dimension_semantics<subcore_parallel>], iteration_bounds = array<i64: 2, 16>, scalar_prefetch = 0 : i64, scratch_operands = 7 : i64, tpu.core_type = #tpu.core_type<sc_vector_subcore>, window_params = [{transform_indices = #map}, {transform_indices = #map1}, {transform_indices = #map1}]} {
    %iota3A = tpu.iota {dimensions = array<i32: 0>} : vector<16xi32>
    %broadcast_in_dim3A = arith.constant 0 : i32
    %broadcast_in_dim3A_0 = vector.broadcast %broadcast_in_dim3A : i32 to vector<16xi32>
    %swap3A = arith.constant 0 : index
    %swap3A_1 = tpu.vector_load %arg9[%swap3A] {strides = array<i32>} : memref<16xi32, #tpu.memory_space<vmem>>, vector<16xi32>,
    tpu.vector_store %arg9[%swap3A], %iota3A {strides = array<i32>} : memref<16xi32, #tpu.memory_space<vmem>>, vector<16xi32>,
    %add3A = arith.constant 16 : i32
    %add3A_2 = vector.broadcast %add3A : i32 to vector<16xi32>
    %add3A_3 = arith.addi %iota3A, %add3A_2 : vector<16xi32>
    %swap3A_4 = arith.constant 0 : index
    %swap3A_5 = tpu.vector_load %arg10[%swap3A_4] {strides = array<i32>} : memref<16xi32, #tpu.memory_space<vmem>>, vector<16xi32>,
    tpu.vector_store %arg10[%swap3A_4], %add3A_3 {strides = array<i32>} : memref<16xi32, #tpu.memory_space<vmem>>, vector<16xi32>,
    "tpu.region"() ({
      %run_scoped3A_43 = tpu.sem_alloc : memref<!tpu.dma_semaphore, #tpu.memory_space<semaphore_mem>>
      tpu.enqueue_dma source(%arg3 : memref<16x1x640xf32, #tpu.memory_space<hbm>>) target(%arg5 : memref<16x1x640xf32, #tpu.memory_space<vmem>>) target_semaphore(%run_scoped3A_43 : memref<!tpu.dma_semaphore, #tpu.memory_space<semaphore_mem>>)
      tpu.wait_dma2 semaphore(%run_scoped3A_43 : memref<!tpu.dma_semaphore, #tpu.memory_space<semaphore_mem>>) src(%arg3 : memref<16x1x640xf32, #tpu.memory_space<hbm>>) dst(%arg5 : memref<16x1x640xf32, #tpu.memory_space<vmem>>)
      tpu.yield
    }) : () -> ()
    "tpu.region"() ({
      %run_scoped3A_43 = tpu.sem_alloc : memref<!tpu.dma_semaphore, #tpu.memory_space<semaphore_mem>>
      tpu.enqueue_dma source(%arg3 : memref<16x1x640xf32, #tpu.memory_space<hbm>>) target(%arg6 : memref<16x1x640xf32, #tpu.memory_space<vmem>>) target_semaphore(%run_scoped3A_43 : memref<!tpu.dma_semaphore, #tpu.memory_space<semaphore_mem>>)
      tpu.wait_dma2 semaphore(%run_scoped3A_43 : memref<!tpu.dma_semaphore, #tpu.memory_space<semaphore_mem>>) src(%arg3 : memref<16x1x640xf32, #tpu.memory_space<hbm>>) dst(%arg6 : memref<16x1x640xf32, #tpu.memory_space<vmem>>)
      tpu.yield
    }) : () -> ()
    %run_scoped3A = arith.constant 0 : i32
    "tpu.region"() ({
      %run_scoped3A_43 = tpu.sem_alloc : memref<!tpu.dma_semaphore, #tpu.memory_space<semaphore_mem>>
      %dma_start3A = arith.constant 0 : i32
      %dma_start3A_44 = arith.constant 0 : i32
      %dma_start3A_45 = tpu.memref_slice %arg3[%run_scoped3A, %dma_start3A, %dma_start3A_44] : memref<16x1x640xf32, #tpu.memory_space<hbm>> -> memref<1x1x640xf32, #tpu.memory_space<hbm>>
      %dma_start3A_46 = tpu.memref_squeeze %dma_start3A_45 : memref<1x1x640xf32, #tpu.memory_space<hbm>> -> memref<1x640xf32, #tpu.memory_space<hbm>>
      %dma_start3A_47 = arith.constant 0 : i32
      %dma_start3A_48 = arith.constant 0 : i32
      %dma_start3A_49 = tpu.memref_slice %arg3[%run_scoped3A, %dma_start3A_47, %dma_start3A_48] : memref<16x1x640xf32, #tpu.memory_space<hbm>> -> memref<1x1x640xf32, #tpu.memory_space<hbm>>
      %dma_start3A_50 = tpu.memref_squeeze %dma_start3A_49 : memref<1x1x640xf32, #tpu.memory_space<hbm>> -> memref<1x640xf32, #tpu.memory_space<hbm>>
      tpu.enqueue_dma source(%dma_start3A_50 : memref<1x640xf32, #tpu.memory_space<hbm>>) target(%arg8 : memref<1x640xf32, #tpu.memory_space<vmem>>) target_semaphore(%run_scoped3A_43 : memref<!tpu.dma_semaphore, #tpu.memory_space<semaphore_mem>>)
      %dma_wait3A = arith.constant 0 : i32
      %dma_wait3A_51 = arith.constant 0 : i32
      %dma_wait3A_52 = tpu.memref_slice %arg3[%run_scoped3A, %dma_wait3A, %dma_wait3A_51] : memref<16x1x640xf32, #tpu.memory_space<hbm>> -> memref<1x1x640xf32, #tpu.memory_space<hbm>>
      %dma_wait3A_53 = tpu.memref_squeeze %dma_wait3A_52 : memref<1x1x640xf32, #tpu.memory_space<hbm>> -> memref<1x640xf32, #tpu.memory_space<hbm>>
      %dma_wait3A_54 = arith.constant 0 : i32
      %dma_wait3A_55 = arith.constant 0 : i32
      %dma_wait3A_56 = tpu.memref_slice %arg3[%run_scoped3A, %dma_wait3A_54, %dma_wait3A_55] : memref<16x1x640xf32, #tpu.memory_space<hbm>> -> memref<1x1x640xf32, #tpu.memory_space<hbm>>
      %dma_wait3A_57 = tpu.memref_squeeze %dma_wait3A_56 : memref<1x1x640xf32, #tpu.memory_space<hbm>> -> memref<1x640xf32, #tpu.memory_space<hbm>>
      tpu.wait_dma2 semaphore(%run_scoped3A_43 : memref<!tpu.dma_semaphore, #tpu.memory_space<semaphore_mem>>) src(%dma_wait3A_57 : memref<1x640xf32, #tpu.memory_space<hbm>>) dst(%arg8 : memref<1x640xf32, #tpu.memory_space<vmem>>)
      tpu.yield
    }) : () -> ()
    "tpu.region"() ({
      %run_scoped3A_43 = tpu.sem_alloc : memref<!tpu.dma_semaphore, #tpu.memory_space<semaphore_mem>>
      %dma_start3A = arith.constant 0 : i32
      %dma_start3A_44 = arith.constant 0 : i32
      %dma_start3A_45 = tpu.memref_slice %arg11[%arg1, %dma_start3A, %dma_start3A_44] : memref<32x1x640xf32, #tpu.memory_space<vmem_shared>> -> memref<1x1x640xf32, #tpu.memory_space<vmem_shared>>
      %dma_start3A_46 = tpu.memref_squeeze %dma_start3A_45 : memref<1x1x640xf32, #tpu.memory_space<vmem_shared>> -> memref<1x640xf32, #tpu.memory_space<vmem_shared>>
      %dma_start3A_47 = arith.constant 0 : i32
      %dma_start3A_48 = arith.constant 0 : i32
      %dma_start3A_49 = tpu.memref_slice %arg11[%arg1, %dma_start3A_47, %dma_start3A_48] : memref<32x1x640xf32, #tpu.memory_space<vmem_shared>> -> memref<1x1x640xf32, #tpu.memory_space<vmem_shared>>
      %dma_start3A_50 = tpu.memref_squeeze %dma_start3A_49 : memref<1x1x640xf32, #tpu.memory_space<vmem_shared>> -> memref<1x640xf32, #tpu.memory_space<vmem_shared>>
      tpu.enqueue_dma source(%arg8 : memref<1x640xf32, #tpu.memory_space<vmem>>) target(%dma_start3A_50 : memref<1x640xf32, #tpu.memory_space<vmem_shared>>) target_semaphore(%run_scoped3A_43 : memref<!tpu.dma_semaphore, #tpu.memory_space<semaphore_mem>>)
      %dma_wait3A = arith.constant 0 : i32
      %dma_wait3A_51 = arith.constant 0 : i32
      %dma_wait3A_52 = tpu.memref_slice %arg11[%arg1, %dma_wait3A, %dma_wait3A_51] : memref<32x1x640xf32, #tpu.memory_space<vmem_shared>> -> memref<1x1x640xf32, #tpu.memory_space<vmem_shared>>
      %dma_wait3A_53 = tpu.memref_squeeze %dma_wait3A_52 : memref<1x1x640xf32, #tpu.memory_space<vmem_shared>> -> memref<1x640xf32, #tpu.memory_space<vmem_shared>>
      %dma_wait3A_54 = arith.constant 0 : i32
      %dma_wait3A_55 = arith.constant 0 : i32
      %dma_wait3A_56 = tpu.memref_slice %arg11[%arg1, %dma_wait3A_54, %dma_wait3A_55] : memref<32x1x640xf32, #tpu.memory_space<vmem_shared>> -> memref<1x1x640xf32, #tpu.memory_space<vmem_shared>>
      %dma_wait3A_57 = tpu.memref_squeeze %dma_wait3A_56 : memref<1x1x640xf32, #tpu.memory_space<vmem_shared>> -> memref<1x640xf32, #tpu.memory_space<vmem_shared>>
      tpu.wait_dma2 semaphore(%run_scoped3A_43 : memref<!tpu.dma_semaphore, #tpu.memory_space<semaphore_mem>>) src(%arg8 : memref<1x640xf32, #tpu.memory_space<vmem>>) dst(%dma_wait3A_57 : memref<1x640xf32, #tpu.memory_space<vmem_shared>>)
      tpu.yield
    }) : () -> ()
    %add3A_6 = arith.constant 16 : i32
    %add3A_7 = arith.addi %add3A_6, %arg1 : i32
    "tpu.region"() ({
      %run_scoped3A_43 = tpu.sem_alloc : memref<!tpu.dma_semaphore, #tpu.memory_space<semaphore_mem>>
      %dma_start3A = arith.constant 0 : i32
      %dma_start3A_44 = arith.constant 0 : i32
      %dma_start3A_45 = tpu.memref_slice %arg11[%add3A_7, %dma_start3A, %dma_start3A_44] : memref<32x1x640xf32, #tpu.memory_space<vmem_shared>> -> memref<1x1x640xf32, #tpu.memory_space<vmem_shared>>
      %dma_start3A_46 = tpu.memref_squeeze %dma_start3A_45 : memref<1x1x640xf32, #tpu.memory_space<vmem_shared>> -> memref<1x640xf32, #tpu.memory_space<vmem_shared>>
      %dma_start3A_47 = arith.constant 0 : i32
      %dma_start3A_48 = arith.constant 0 : i32
      %dma_start3A_49 = tpu.memref_slice %arg11[%add3A_7, %dma_start3A_47, %dma_start3A_48] : memref<32x1x640xf32, #tpu.memory_space<vmem_shared>> -> memref<1x1x640xf32, #tpu.memory_space<vmem_shared>>
      %dma_start3A_50 = tpu.memref_squeeze %dma_start3A_49 : memref<1x1x640xf32, #tpu.memory_space<vmem_shared>> -> memref<1x640xf32, #tpu.memory_space<vmem_shared>>
      tpu.enqueue_dma source(%arg8 : memref<1x640xf32, #tpu.memory_space<vmem>>) target(%dma_start3A_50 : memref<1x640xf32, #tpu.memory_space<vmem_shared>>) target_semaphore(%run_scoped3A_43 : memref<!tpu.dma_semaphore, #tpu.memory_space<semaphore_mem>>)
      %dma_wait3A = arith.constant 0 : i32
      %dma_wait3A_51 = arith.constant 0 : i32
      %dma_wait3A_52 = tpu.memref_slice %arg11[%add3A_7, %dma_wait3A, %dma_wait3A_51] : memref<32x1x640xf32, #tpu.memory_space<vmem_shared>> -> memref<1x1x640xf32, #tpu.memory_space<vmem_shared>>
      %dma_wait3A_53 = tpu.memref_squeeze %dma_wait3A_52 : memref<1x1x640xf32, #tpu.memory_space<vmem_shared>> -> memref<1x640xf32, #tpu.memory_space<vmem_shared>>
      %dma_wait3A_54 = arith.constant 0 : i32
      %dma_wait3A_55 = arith.constant 0 : i32
      %dma_wait3A_56 = tpu.memref_slice %arg11[%add3A_7, %dma_wait3A_54, %dma_wait3A_55] : memref<32x1x640xf32, #tpu.memory_space<vmem_shared>> -> memref<1x1x640xf32, #tpu.memory_space<vmem_shared>>
      %dma_wait3A_57 = tpu.memref_squeeze %dma_wait3A_56 : memref<1x1x640xf32, #tpu.memory_space<vmem_shared>> -> memref<1x640xf32, #tpu.memory_space<vmem_shared>>
      tpu.wait_dma2 semaphore(%run_scoped3A_43 : memref<!tpu.dma_semaphore, #tpu.memory_space<semaphore_mem>>) src(%arg8 : memref<1x640xf32, #tpu.memory_space<vmem>>) dst(%dma_wait3A_57 : memref<1x640xf32, #tpu.memory_space<vmem_shared>>)
      tpu.yield
    }) : () -> ()
    %barrier3A = arith.constant 0 : index
    tpu.barrier barrier_id(%barrier3A)
    %broadcast_in_dim3A_8 = arith.constant 1.000000e+00 : f32
    %broadcast_in_dim3A_9 = vector.broadcast %broadcast_in_dim3A_8 : f32 to vector<16xf32>
    %broadcast_in_dim3A_10 = arith.constant 65535 : i32
    %broadcast_in_dim3A_11 = vector.broadcast %broadcast_in_dim3A_10 : i32 to vector<16xi32>
    %mul3A = arith.constant 20000 : i32
    %mul3A_12 = arith.muli %arg1, %mul3A : i32
    %add3A_13 = arith.constant 0 : i32
    %add3A_14 = arith.addi %add3A_13, %mul3A_12 : i32
    %scan3A = arith.constant 0 : i32
    %scan3A_15 = arith.constant 0 : i32
    %scan3A_16 = arith.constant 10 : i32
    %scan3A_17 = arith.addi %scan3A_15, %scan3A_16 : i32
    %scan3A_18 = arith.constant 1 : i32
    %scan3A_19 = scf.for %scan3A_43 = %scan3A_15 to %scan3A_17 step %scan3A_18 iter_args(%scan3A_44 = %scan3A) -> (i32)  : i32 {
      %mul3A_45 = arith.constant 480000 : i32
      %mul3A_46 = arith.muli %arg0, %mul3A_45 : i32
      %add3A_47 = arith.addi %mul3A_46, %add3A_14 : i32
      %mul3A_48 = arith.constant 2000 : i32
      %mul3A_49 = arith.muli %scan3A_43, %mul3A_48 : i32
      %add3A_50 = arith.addi %add3A_47, %mul3A_49 : i32
      "tpu.region"() ({
        %run_scoped3A_68 = tpu.sem_alloc : memref<!tpu.dma_semaphore, #tpu.memory_space<semaphore_mem>>
        %dma_start3A = tpu.memref_slice %arg2[%add3A_50] : memref<960000xi32, #tpu.memory_space<hbm>> -> memref<2000xi32, #tpu.memory_space<hbm>>
        %dma_start3A_69 = tpu.memref_slice %arg2[%add3A_50] : memref<960000xi32, #tpu.memory_space<hbm>> -> memref<2000xi32, #tpu.memory_space<hbm>>
        tpu.enqueue_dma source(%dma_start3A_69 : memref<2000xi32, #tpu.memory_space<hbm>>) target(%arg7 : memref<2000xi32, #tpu.memory_space<vmem>>) target_semaphore(%run_scoped3A_68 : memref<!tpu.dma_semaphore, #tpu.memory_space<semaphore_mem>>)
        %dma_wait3A = tpu.memref_slice %arg2[%add3A_50] : memref<960000xi32, #tpu.memory_space<hbm>> -> memref<2000xi32, #tpu.memory_space<hbm>>
        %dma_wait3A_70 = tpu.memref_slice %arg2[%add3A_50] : memref<960000xi32, #tpu.memory_space<hbm>> -> memref<2000xi32, #tpu.memory_space<hbm>>
        tpu.wait_dma2 semaphore(%run_scoped3A_68 : memref<!tpu.dma_semaphore, #tpu.memory_space<semaphore_mem>>) src(%dma_wait3A_70 : memref<2000xi32, #tpu.memory_space<hbm>>) dst(%arg7 : memref<2000xi32, #tpu.memory_space<vmem>>)
        tpu.yield
      }) : () -> ()
      %scan3A_51 = arith.constant 0 : i32
      %scan3A_52 = arith.constant 0 : i32
      %scan3A_53 = arith.constant 124 : i32
      %scan3A_54 = arith.addi %scan3A_52, %scan3A_53 : i32
      %scan3A_55 = arith.constant 4 : i32
      %scan3A_56 = scf.for %scan3A_68 = %scan3A_52 to %scan3A_54 step %scan3A_55 iter_args(%scan3A_69 = %scan3A_51) -> (i32)  : i32 {
        %mul3A_70 = arith.constant 16 : i32
        %mul3A_71 = arith.muli %scan3A_68, %mul3A_70 : i32
        %add3A_72 = vector.broadcast %mul3A_71 : i32 to vector<16xi32>
        %add3A_73 = arith.addi %add3A_72, %iota3A : vector<16xi32>
        %gather3A_74 = tpu.vector_load_idx %arg7[%add3A_73] : memref<2000xi32, #tpu.memory_space<vmem>>[vector<16xi32>], vector<16xi32>,
        %shift_right_logical3A_75 = arith.constant 16 : i32
        %shift_right_logical3A_76 = vector.broadcast %shift_right_logical3A_75 : i32 to vector<16xi32>
        %shift_right_logical3A_77 = arith.shrui %gather3A_74, %shift_right_logical3A_76 : vector<16xi32>
        %and3A_78 = arith.andi %gather3A_74, %broadcast_in_dim3A_11 : vector<16xi32>
        tpu.vector_store_idx %arg5[%shift_right_logical3A_77, %broadcast_in_dim3A_0, %and3A_78], %broadcast_in_dim3A_9 {add = true} : memref<16x1x640xf32, #tpu.memory_space<vmem>>[vector<16xi32>, vector<16xi32>, vector<16xi32>], vector<16xf32>,
        %scan3A_79 = arith.constant 0 : i32
        %scan3A_80 = arith.constant 1 : i32
        %scan3A_81 = arith.addi %scan3A_68, %scan3A_80 : i32
        %mul3A_82 = arith.constant 16 : i32
        %mul3A_83 = arith.muli %scan3A_81, %mul3A_82 : i32
        %add3A_84 = vector.broadcast %mul3A_83 : i32 to vector<16xi32>
        %add3A_85 = arith.addi %add3A_84, %iota3A : vector<16xi32>
        %gather3A_86 = tpu.vector_load_idx %arg7[%add3A_85] : memref<2000xi32, #tpu.memory_space<vmem>>[vector<16xi32>], vector<16xi32>,
        %shift_right_logical3A_87 = arith.constant 16 : i32
        %shift_right_logical3A_88 = vector.broadcast %shift_right_logical3A_87 : i32 to vector<16xi32>
        %shift_right_logical3A_89 = arith.shrui %gather3A_86, %shift_right_logical3A_88 : vector<16xi32>
        %and3A_90 = arith.andi %gather3A_86, %broadcast_in_dim3A_11 : vector<16xi32>
        tpu.vector_store_idx %arg5[%shift_right_logical3A_89, %broadcast_in_dim3A_0, %and3A_90], %broadcast_in_dim3A_9 {add = true} : memref<16x1x640xf32, #tpu.memory_space<vmem>>[vector<16xi32>, vector<16xi32>, vector<16xi32>], vector<16xf32>,
        %scan3A_91 = arith.constant 0 : i32
        %scan3A_92 = arith.constant 2 : i32
        %scan3A_93 = arith.addi %scan3A_68, %scan3A_92 : i32
        %mul3A_94 = arith.constant 16 : i32
        %mul3A_95 = arith.muli %scan3A_93, %mul3A_94 : i32
        %add3A_96 = vector.broadcast %mul3A_95 : i32 to vector<16xi32>
        %add3A_97 = arith.addi %add3A_96, %iota3A : vector<16xi32>
        %gather3A_98 = tpu.vector_load_idx %arg7[%add3A_97] : memref<2000xi32, #tpu.memory_space<vmem>>[vector<16xi32>], vector<16xi32>,
        %shift_right_logical3A_99 = arith.constant 16 : i32
        %shift_right_logical3A_100 = vector.broadcast %shift_right_logical3A_99 : i32 to vector<16xi32>
        %shift_right_logical3A_101 = arith.shrui %gather3A_98, %shift_right_logical3A_100 : vector<16xi32>
        %and3A_102 = arith.andi %gather3A_98, %broadcast_in_dim3A_11 : vector<16xi32>
        tpu.vector_store_idx %arg5[%shift_right_logical3A_101, %broadcast_in_dim3A_0, %and3A_102], %broadcast_in_dim3A_9 {add = true} : memref<16x1x640xf32, #tpu.memory_space<vmem>>[vector<16xi32>, vector<16xi32>, vector<16xi32>], vector<16xf32>,
        %scan3A_103 = arith.constant 0 : i32
        %scan3A_104 = arith.constant 3 : i32
        %scan3A_105 = arith.addi %scan3A_68, %scan3A_104 : i32
        %mul3A_106 = arith.constant 16 : i32
        %mul3A_107 = arith.muli %scan3A_105, %mul3A_106 : i32
        %add3A_108 = vector.broadcast %mul3A_107 : i32 to vector<16xi32>
        %add3A_109 = arith.addi %add3A_108, %iota3A : vector<16xi32>
        %gather3A_110 = tpu.vector_load_idx %arg7[%add3A_109] : memref<2000xi32, #tpu.memory_space<vmem>>[vector<16xi32>], vector<16xi32>,
        %shift_right_logical3A_111 = arith.constant 16 : i32
        %shift_right_logical3A_112 = vector.broadcast %shift_right_logical3A_111 : i32 to vector<16xi32>
        %shift_right_logical3A_113 = arith.shrui %gather3A_110, %shift_right_logical3A_112 : vector<16xi32>
        %and3A_114 = arith.andi %gather3A_110, %broadcast_in_dim3A_11 : vector<16xi32>
        tpu.vector_store_idx %arg5[%shift_right_logical3A_113, %broadcast_in_dim3A_0, %and3A_114], %broadcast_in_dim3A_9 {add = true} : memref<16x1x640xf32, #tpu.memory_space<vmem>>[vector<16xi32>, vector<16xi32>, vector<16xi32>], vector<16xf32>,
        %scan3A_115 = arith.constant 0 : i32
        scf.yield %scan3A_115 : i32
      }
      %scan3A_57 = arith.constant 124 : i32
      %scan3A_58 = arith.addi %scan3A_52, %scan3A_57 : i32
      %mul3A_59 = arith.constant 16 : i32
      %mul3A_60 = arith.muli %scan3A_58, %mul3A_59 : i32
      %add3A_61 = vector.broadcast %mul3A_60 : i32 to vector<16xi32>
      %add3A_62 = arith.addi %add3A_61, %iota3A : vector<16xi32>
      %gather3A = tpu.vector_load_idx %arg7[%add3A_62] : memref<2000xi32, #tpu.memory_space<vmem>>[vector<16xi32>], vector<16xi32>,
      %shift_right_logical3A = arith.constant 16 : i32
      %shift_right_logical3A_63 = vector.broadcast %shift_right_logical3A : i32 to vector<16xi32>
      %shift_right_logical3A_64 = arith.shrui %gather3A, %shift_right_logical3A_63 : vector<16xi32>
      %and3A = arith.andi %gather3A, %broadcast_in_dim3A_11 : vector<16xi32>
      tpu.vector_store_idx %arg5[%shift_right_logical3A_64, %broadcast_in_dim3A_0, %and3A], %broadcast_in_dim3A_9 {add = true} : memref<16x1x640xf32, #tpu.memory_space<vmem>>[vector<16xi32>, vector<16xi32>, vector<16xi32>], vector<16xf32>,
      %scan3A_65 = arith.constant 0 : i32
      %scan3A_66 = arith.constant 125 : i32
      %scan3A_67 = arith.constant 0 : i32
      scf.yield %scan3A_67 : i32
    }
    %scan3A_20 = arith.constant 10 : i32
    %mul3A_21 = arith.constant 10000 : i32
    %mul3A_22 = arith.muli %arg1, %mul3A_21 : i32
    %add3A_23 = arith.constant 320000 : i32
    %add3A_24 = arith.addi %add3A_23, %mul3A_22 : i32
    %scan3A_25 = arith.constant 0 : i32
    %scan3A_26 = arith.constant 0 : i32
    %scan3A_27 = arith.constant 5 : i32
    %scan3A_28 = arith.addi %scan3A_26, %scan3A_27 : i32
    %scan3A_29 = arith.constant 1 : i32
    %scan3A_30 = scf.for %scan3A_43 = %scan3A_26 to %scan3A_28 step %scan3A_29 iter_args(%scan3A_44 = %scan3A_25) -> (i32)  : i32 {
      %mul3A_45 = arith.constant 480000 : i32
      %mul3A_46 = arith.muli %arg0, %mul3A_45 : i32
      %add3A_47 = arith.addi %mul3A_46, %add3A_24 : i32
      %mul3A_48 = arith.constant 2000 : i32
      %mul3A_49 = arith.muli %scan3A_43, %mul3A_48 : i32
      %add3A_50 = arith.addi %add3A_47, %mul3A_49 : i32
      "tpu.region"() ({
        %run_scoped3A_68 = tpu.sem_alloc : memref<!tpu.dma_semaphore, #tpu.memory_space<semaphore_mem>>
        %dma_start3A = tpu.memref_slice %arg2[%add3A_50] : memref<960000xi32, #tpu.memory_space<hbm>> -> memref<2000xi32, #tpu.memory_space<hbm>>
        %dma_start3A_69 = tpu.memref_slice %arg2[%add3A_50] : memref<960000xi32, #tpu.memory_space<hbm>> -> memref<2000xi32, #tpu.memory_space<hbm>>
        tpu.enqueue_dma source(%dma_start3A_69 : memref<2000xi32, #tpu.memory_space<hbm>>) target(%arg7 : memref<2000xi32, #tpu.memory_space<vmem>>) target_semaphore(%run_scoped3A_68 : memref<!tpu.dma_semaphore, #tpu.memory_space<semaphore_mem>>)
        %dma_wait3A = tpu.memref_slice %arg2[%add3A_50] : memref<960000xi32, #tpu.memory_space<hbm>> -> memref<2000xi32, #tpu.memory_space<hbm>>
        %dma_wait3A_70 = tpu.memref_slice %arg2[%add3A_50] : memref<960000xi32, #tpu.memory_space<hbm>> -> memref<2000xi32, #tpu.memory_space<hbm>>
        tpu.wait_dma2 semaphore(%run_scoped3A_68 : memref<!tpu.dma_semaphore, #tpu.memory_space<semaphore_mem>>) src(%dma_wait3A_70 : memref<2000xi32, #tpu.memory_space<hbm>>) dst(%arg7 : memref<2000xi32, #tpu.memory_space<vmem>>)
        tpu.yield
      }) : () -> ()
      %scan3A_51 = arith.constant 0 : i32
      %scan3A_52 = arith.constant 0 : i32
      %scan3A_53 = arith.constant 124 : i32
      %scan3A_54 = arith.addi %scan3A_52, %scan3A_53 : i32
      %scan3A_55 = arith.constant 4 : i32
      %scan3A_56 = scf.for %scan3A_68 = %scan3A_52 to %scan3A_54 step %scan3A_55 iter_args(%scan3A_69 = %scan3A_51) -> (i32)  : i32 {
        %mul3A_70 = arith.constant 16 : i32
        %mul3A_71 = arith.muli %scan3A_68, %mul3A_70 : i32
        %add3A_72 = vector.broadcast %mul3A_71 : i32 to vector<16xi32>
        %add3A_73 = arith.addi %add3A_72, %iota3A : vector<16xi32>
        %gather3A_74 = tpu.vector_load_idx %arg7[%add3A_73] : memref<2000xi32, #tpu.memory_space<vmem>>[vector<16xi32>], vector<16xi32>,
        %shift_right_logical3A_75 = arith.constant 16 : i32
        %shift_right_logical3A_76 = vector.broadcast %shift_right_logical3A_75 : i32 to vector<16xi32>
        %shift_right_logical3A_77 = arith.shrui %gather3A_74, %shift_right_logical3A_76 : vector<16xi32>
        %and3A_78 = arith.andi %gather3A_74, %broadcast_in_dim3A_11 : vector<16xi32>
        tpu.vector_store_idx %arg6[%shift_right_logical3A_77, %broadcast_in_dim3A_0, %and3A_78], %broadcast_in_dim3A_9 {add = true} : memref<16x1x640xf32, #tpu.memory_space<vmem>>[vector<16xi32>, vector<16xi32>, vector<16xi32>], vector<16xf32>,
        %scan3A_79 = arith.constant 0 : i32
        %scan3A_80 = arith.constant 1 : i32
        %scan3A_81 = arith.addi %scan3A_68, %scan3A_80 : i32
        %mul3A_82 = arith.constant 16 : i32
        %mul3A_83 = arith.muli %scan3A_81, %mul3A_82 : i32
        %add3A_84 = vector.broadcast %mul3A_83 : i32 to vector<16xi32>
        %add3A_85 = arith.addi %add3A_84, %iota3A : vector<16xi32>
        %gather3A_86 = tpu.vector_load_idx %arg7[%add3A_85] : memref<2000xi32, #tpu.memory_space<vmem>>[vector<16xi32>], vector<16xi32>,
        %shift_right_logical3A_87 = arith.constant 16 : i32
        %shift_right_logical3A_88 = vector.broadcast %shift_right_logical3A_87 : i32 to vector<16xi32>
        %shift_right_logical3A_89 = arith.shrui %gather3A_86, %shift_right_logical3A_88 : vector<16xi32>
        %and3A_90 = arith.andi %gather3A_86, %broadcast_in_dim3A_11 : vector<16xi32>
        tpu.vector_store_idx %arg6[%shift_right_logical3A_89, %broadcast_in_dim3A_0, %and3A_90], %broadcast_in_dim3A_9 {add = true} : memref<16x1x640xf32, #tpu.memory_space<vmem>>[vector<16xi32>, vector<16xi32>, vector<16xi32>], vector<16xf32>,
        %scan3A_91 = arith.constant 0 : i32
        %scan3A_92 = arith.constant 2 : i32
        %scan3A_93 = arith.addi %scan3A_68, %scan3A_92 : i32
        %mul3A_94 = arith.constant 16 : i32
        %mul3A_95 = arith.muli %scan3A_93, %mul3A_94 : i32
        %add3A_96 = vector.broadcast %mul3A_95 : i32 to vector<16xi32>
        %add3A_97 = arith.addi %add3A_96, %iota3A : vector<16xi32>
        %gather3A_98 = tpu.vector_load_idx %arg7[%add3A_97] : memref<2000xi32, #tpu.memory_space<vmem>>[vector<16xi32>], vector<16xi32>,
        %shift_right_logical3A_99 = arith.constant 16 : i32
        %shift_right_logical3A_100 = vector.broadcast %shift_right_logical3A_99 : i32 to vector<16xi32>
        %shift_right_logical3A_101 = arith.shrui %gather3A_98, %shift_right_logical3A_100 : vector<16xi32>
        %and3A_102 = arith.andi %gather3A_98, %broadcast_in_dim3A_11 : vector<16xi32>
        tpu.vector_store_idx %arg6[%shift_right_logical3A_101, %broadcast_in_dim3A_0, %and3A_102], %broadcast_in_dim3A_9 {add = true} : memref<16x1x640xf32, #tpu.memory_space<vmem>>[vector<16xi32>, vector<16xi32>, vector<16xi32>], vector<16xf32>,
        %scan3A_103 = arith.constant 0 : i32
        %scan3A_104 = arith.constant 3 : i32
        %scan3A_105 = arith.addi %scan3A_68, %scan3A_104 : i32
        %mul3A_106 = arith.constant 16 : i32
        %mul3A_107 = arith.muli %scan3A_105, %mul3A_106 : i32
        %add3A_108 = vector.broadcast %mul3A_107 : i32 to vector<16xi32>
        %add3A_109 = arith.addi %add3A_108, %iota3A : vector<16xi32>
        %gather3A_110 = tpu.vector_load_idx %arg7[%add3A_109] : memref<2000xi32, #tpu.memory_space<vmem>>[vector<16xi32>], vector<16xi32>,
        %shift_right_logical3A_111 = arith.constant 16 : i32
        %shift_right_logical3A_112 = vector.broadcast %shift_right_logical3A_111 : i32 to vector<16xi32>
        %shift_right_logical3A_113 = arith.shrui %gather3A_110, %shift_right_logical3A_112 : vector<16xi32>
        %and3A_114 = arith.andi %gather3A_110, %broadcast_in_dim3A_11 : vector<16xi32>
        tpu.vector_store_idx %arg6[%shift_right_logical3A_113, %broadcast_in_dim3A_0, %and3A_114], %broadcast_in_dim3A_9 {add = true} : memref<16x1x640xf32, #tpu.memory_space<vmem>>[vector<16xi32>, vector<16xi32>, vector<16xi32>], vector<16xf32>,
        %scan3A_115 = arith.constant 0 : i32
        scf.yield %scan3A_115 : i32
      }
      %scan3A_57 = arith.constant 124 : i32
      %scan3A_58 = arith.addi %scan3A_52, %scan3A_57 : i32
      %mul3A_59 = arith.constant 16 : i32
      %mul3A_60 = arith.muli %scan3A_58, %mul3A_59 : i32
      %add3A_61 = vector.broadcast %mul3A_60 : i32 to vector<16xi32>
      %add3A_62 = arith.addi %add3A_61, %iota3A : vector<16xi32>
      %gather3A = tpu.vector_load_idx %arg7[%add3A_62] : memref<2000xi32, #tpu.memory_space<vmem>>[vector<16xi32>], vector<16xi32>,
      %shift_right_logical3A = arith.constant 16 : i32
      %shift_right_logical3A_63 = vector.broadcast %shift_right_logical3A : i32 to vector<16xi32>
      %shift_right_logical3A_64 = arith.shrui %gather3A, %shift_right_logical3A_63 : vector<16xi32>
      %and3A = arith.andi %gather3A, %broadcast_in_dim3A_11 : vector<16xi32>
      tpu.vector_store_idx %arg6[%shift_right_logical3A_64, %broadcast_in_dim3A_0, %and3A], %broadcast_in_dim3A_9 {add = true} : memref<16x1x640xf32, #tpu.memory_space<vmem>>[vector<16xi32>, vector<16xi32>, vector<16xi32>], vector<16xf32>,
      %scan3A_65 = arith.constant 0 : i32
      %scan3A_66 = arith.constant 125 : i32
      %scan3A_67 = arith.constant 0 : i32
      scf.yield %scan3A_67 : i32
    }
    %scan3A_31 = arith.constant 5 : i32
    "tpu.region"() ({
      %run_scoped3A_43 = tpu.sem_alloc : memref<!tpu.dma_semaphore, #tpu.memory_space<semaphore_mem>>
      %dma_start3A = arith.constant 0 : i32
      %dma_start3A_44 = arith.constant 0 : i32
      %dma_start3A_45 = arith.constant 0 : i32
      %dma_start3A_46 = tpu.memref_slice %arg11[%dma_start3A, %dma_start3A_44, %dma_start3A_45] : memref<32x1x640xf32, #tpu.memory_space<vmem_shared>> -> memref<32x1x640xf32, #tpu.memory_space<vmem_shared>>
      tpu.enqueue_indirect_dma source(%arg5 : memref<16x1x640xf32, #tpu.memory_space<vmem>>) target(%dma_start3A_46 : memref<32x1x640xf32, #tpu.memory_space<vmem_shared>>) offsets(%arg9 : memref<16xi32, #tpu.memory_space<vmem>>) semaphore(%run_scoped3A_43 : memref<!tpu.dma_semaphore, #tpu.memory_space<semaphore_mem>>) {add = true}
      %dma_wait3A = arith.constant 0 : i32
      %dma_wait3A_47 = arith.constant 0 : i32
      %dma_wait3A_48 = arith.constant 0 : i32
      %dma_wait3A_49 = tpu.memref_slice %arg11[%dma_wait3A, %dma_wait3A_47, %dma_wait3A_48] : memref<32x1x640xf32, #tpu.memory_space<vmem_shared>> -> memref<32x1x640xf32, #tpu.memory_space<vmem_shared>>
      tpu.wait_indirect_dma semaphore(%run_scoped3A_43 : memref<!tpu.dma_semaphore, #tpu.memory_space<semaphore_mem>>) src(%arg5 : memref<16x1x640xf32, #tpu.memory_space<vmem>>) dst(%dma_wait3A_49 : memref<32x1x640xf32, #tpu.memory_space<vmem_shared>>)
      tpu.yield
    }) : () -> ()
    "tpu.region"() ({
      %run_scoped3A_43 = tpu.sem_alloc : memref<!tpu.dma_semaphore, #tpu.memory_space<semaphore_mem>>
      %dma_start3A = arith.constant 0 : i32
      %dma_start3A_44 = arith.constant 0 : i32
      %dma_start3A_45 = arith.constant 0 : i32
      %dma_start3A_46 = tpu.memref_slice %arg11[%dma_start3A, %dma_start3A_44, %dma_start3A_45] : memref<32x1x640xf32, #tpu.memory_space<vmem_shared>> -> memref<32x1x640xf32, #tpu.memory_space<vmem_shared>>
      tpu.enqueue_indirect_dma source(%arg6 : memref<16x1x640xf32, #tpu.memory_space<vmem>>) target(%dma_start3A_46 : memref<32x1x640xf32, #tpu.memory_space<vmem_shared>>) offsets(%arg10 : memref<16xi32, #tpu.memory_space<vmem>>) semaphore(%run_scoped3A_43 : memref<!tpu.dma_semaphore, #tpu.memory_space<semaphore_mem>>) {add = true}
      %dma_wait3A = arith.constant 0 : i32
      %dma_wait3A_47 = arith.constant 0 : i32
      %dma_wait3A_48 = arith.constant 0 : i32
      %dma_wait3A_49 = tpu.memref_slice %arg11[%dma_wait3A, %dma_wait3A_47, %dma_wait3A_48] : memref<32x1x640xf32, #tpu.memory_space<vmem_shared>> -> memref<32x1x640xf32, #tpu.memory_space<vmem_shared>>
      tpu.wait_indirect_dma semaphore(%run_scoped3A_43 : memref<!tpu.dma_semaphore, #tpu.memory_space<semaphore_mem>>) src(%arg6 : memref<16x1x640xf32, #tpu.memory_space<vmem>>) dst(%dma_wait3A_49 : memref<32x1x640xf32, #tpu.memory_space<vmem_shared>>)
      tpu.yield
    }) : () -> ()
    %barrier3A_32 = arith.constant 0 : index
    tpu.barrier barrier_id(%barrier3A_32)
    "tpu.region"() ({
      %run_scoped3A_43 = tpu.sem_alloc : memref<!tpu.dma_semaphore, #tpu.memory_space<semaphore_mem>>
      %dma_start3A = arith.constant 0 : i32
      %dma_start3A_44 = arith.constant 0 : i32
      %dma_start3A_45 = tpu.memref_slice %arg11[%arg1, %dma_start3A, %dma_start3A_44] : memref<32x1x640xf32, #tpu.memory_space<vmem_shared>> -> memref<1x1x640xf32, #tpu.memory_space<vmem_shared>>
      %dma_start3A_46 = tpu.memref_squeeze %dma_start3A_45 : memref<1x1x640xf32, #tpu.memory_space<vmem_shared>> -> memref<1x640xf32, #tpu.memory_space<vmem_shared>>
      %dma_start3A_47 = arith.constant 0 : i32
      %dma_start3A_48 = arith.constant 0 : i32
      %dma_start3A_49 = tpu.memref_slice %arg11[%arg1, %dma_start3A_47, %dma_start3A_48] : memref<32x1x640xf32, #tpu.memory_space<vmem_shared>> -> memref<1x1x640xf32, #tpu.memory_space<vmem_shared>>
      %dma_start3A_50 = tpu.memref_squeeze %dma_start3A_49 : memref<1x1x640xf32, #tpu.memory_space<vmem_shared>> -> memref<1x640xf32, #tpu.memory_space<vmem_shared>>
      tpu.enqueue_dma source(%dma_start3A_50 : memref<1x640xf32, #tpu.memory_space<vmem_shared>>) target(%arg8 : memref<1x640xf32, #tpu.memory_space<vmem>>) target_semaphore(%run_scoped3A_43 : memref<!tpu.dma_semaphore, #tpu.memory_space<semaphore_mem>>)
      %dma_wait3A = arith.constant 0 : i32
      %dma_wait3A_51 = arith.constant 0 : i32
      %dma_wait3A_52 = tpu.memref_slice %arg11[%arg1, %dma_wait3A, %dma_wait3A_51] : memref<32x1x640xf32, #tpu.memory_space<vmem_shared>> -> memref<1x1x640xf32, #tpu.memory_space<vmem_shared>>
      %dma_wait3A_53 = tpu.memref_squeeze %dma_wait3A_52 : memref<1x1x640xf32, #tpu.memory_space<vmem_shared>> -> memref<1x640xf32, #tpu.memory_space<vmem_shared>>
      %dma_wait3A_54 = arith.constant 0 : i32
      %dma_wait3A_55 = arith.constant 0 : i32
      %dma_wait3A_56 = tpu.memref_slice %arg11[%arg1, %dma_wait3A_54, %dma_wait3A_55] : memref<32x1x640xf32, #tpu.memory_space<vmem_shared>> -> memref<1x1x640xf32, #tpu.memory_space<vmem_shared>>
      %dma_wait3A_57 = tpu.memref_squeeze %dma_wait3A_56 : memref<1x1x640xf32, #tpu.memory_space<vmem_shared>> -> memref<1x640xf32, #tpu.memory_space<vmem_shared>>
      tpu.wait_dma2 semaphore(%run_scoped3A_43 : memref<!tpu.dma_semaphore, #tpu.memory_space<semaphore_mem>>) src(%dma_wait3A_57 : memref<1x640xf32, #tpu.memory_space<vmem_shared>>) dst(%arg8 : memref<1x640xf32, #tpu.memory_space<vmem>>)
      tpu.yield
    }) : () -> ()
    %mul3A_33 = arith.constant 16 : i32
    %mul3A_34 = arith.muli %arg0, %mul3A_33 : i32
    %add3A_35 = arith.addi %mul3A_34, %arg1 : i32
    "tpu.region"() ({
      %run_scoped3A_43 = tpu.sem_alloc : memref<!tpu.dma_semaphore, #tpu.memory_space<semaphore_mem>>
      %dma_start3A = arith.constant 0 : i32
      %dma_start3A_44 = arith.constant 0 : i32
      %dma_start3A_45 = tpu.memref_slice %arg4[%add3A_35, %dma_start3A, %dma_start3A_44] : memref<64x1x640xf32, #tpu.memory_space<hbm>> -> memref<1x1x640xf32, #tpu.memory_space<hbm>>
      %dma_start3A_46 = tpu.memref_squeeze %dma_start3A_45 : memref<1x1x640xf32, #tpu.memory_space<hbm>> -> memref<1x640xf32, #tpu.memory_space<hbm>>
      %dma_start3A_47 = arith.constant 0 : i32
      %dma_start3A_48 = arith.constant 0 : i32
      %dma_start3A_49 = tpu.memref_slice %arg4[%add3A_35, %dma_start3A_47, %dma_start3A_48] : memref<64x1x640xf32, #tpu.memory_space<hbm>> -> memref<1x1x640xf32, #tpu.memory_space<hbm>>
      %dma_start3A_50 = tpu.memref_squeeze %dma_start3A_49 : memref<1x1x640xf32, #tpu.memory_space<hbm>> -> memref<1x640xf32, #tpu.memory_space<hbm>>
      tpu.enqueue_dma source(%arg8 : memref<1x640xf32, #tpu.memory_space<vmem>>) target(%dma_start3A_50 : memref<1x640xf32, #tpu.memory_space<hbm>>) target_semaphore(%run_scoped3A_43 : memref<!tpu.dma_semaphore, #tpu.memory_space<semaphore_mem>>)
      %dma_wait3A = arith.constant 0 : i32
      %dma_wait3A_51 = arith.constant 0 : i32
      %dma_wait3A_52 = tpu.memref_slice %arg4[%add3A_35, %dma_wait3A, %dma_wait3A_51] : memref<64x1x640xf32, #tpu.memory_space<hbm>> -> memref<1x1x640xf32, #tpu.memory_space<hbm>>
      %dma_wait3A_53 = tpu.memref_squeeze %dma_wait3A_52 : memref<1x1x640xf32, #tpu.memory_space<hbm>> -> memref<1x640xf32, #tpu.memory_space<hbm>>
      %dma_wait3A_54 = arith.constant 0 : i32
      %dma_wait3A_55 = arith.constant 0 : i32
      %dma_wait3A_56 = tpu.memref_slice %arg4[%add3A_35, %dma_wait3A_54, %dma_wait3A_55] : memref<64x1x640xf32, #tpu.memory_space<hbm>> -> memref<1x1x640xf32, #tpu.memory_space<hbm>>
      %dma_wait3A_57 = tpu.memref_squeeze %dma_wait3A_56 : memref<1x1x640xf32, #tpu.memory_space<hbm>> -> memref<1x640xf32, #tpu.memory_space<hbm>>
      tpu.wait_dma2 semaphore(%run_scoped3A_43 : memref<!tpu.dma_semaphore, #tpu.memory_space<semaphore_mem>>) src(%arg8 : memref<1x640xf32, #tpu.memory_space<vmem>>) dst(%dma_wait3A_57 : memref<1x640xf32, #tpu.memory_space<hbm>>)
      tpu.yield
    }) : () -> ()
    %add3A_36 = arith.constant 16 : i32
    %add3A_37 = arith.addi %add3A_36, %arg1 : i32
    "tpu.region"() ({
      %run_scoped3A_43 = tpu.sem_alloc : memref<!tpu.dma_semaphore, #tpu.memory_space<semaphore_mem>>
      %dma_start3A = arith.constant 0 : i32
      %dma_start3A_44 = arith.constant 0 : i32
      %dma_start3A_45 = tpu.memref_slice %arg11[%add3A_37, %dma_start3A, %dma_start3A_44] : memref<32x1x640xf32, #tpu.memory_space<vmem_shared>> -> memref<1x1x640xf32, #tpu.memory_space<vmem_shared>>
      %dma_start3A_46 = tpu.memref_squeeze %dma_start3A_45 : memref<1x1x640xf32, #tpu.memory_space<vmem_shared>> -> memref<1x640xf32, #tpu.memory_space<vmem_shared>>
      %dma_start3A_47 = arith.constant 0 : i32
      %dma_start3A_48 = arith.constant 0 : i32
      %dma_start3A_49 = tpu.memref_slice %arg11[%add3A_37, %dma_start3A_47, %dma_start3A_48] : memref<32x1x640xf32, #tpu.memory_space<vmem_shared>> -> memref<1x1x640xf32, #tpu.memory_space<vmem_shared>>
      %dma_start3A_50 = tpu.memref_squeeze %dma_start3A_49 : memref<1x1x640xf32, #tpu.memory_space<vmem_shared>> -> memref<1x640xf32, #tpu.memory_space<vmem_shared>>
      tpu.enqueue_dma source(%dma_start3A_50 : memref<1x640xf32, #tpu.memory_space<vmem_shared>>) target(%arg8 : memref<1x640xf32, #tpu.memory_space<vmem>>) target_semaphore(%run_scoped3A_43 : memref<!tpu.dma_semaphore, #tpu.memory_space<semaphore_mem>>)
      %dma_wait3A = arith.constant 0 : i32
      %dma_wait3A_51 = arith.constant 0 : i32
      %dma_wait3A_52 = tpu.memref_slice %arg11[%add3A_37, %dma_wait3A, %dma_wait3A_51] : memref<32x1x640xf32, #tpu.memory_space<vmem_shared>> -> memref<1x1x640xf32, #tpu.memory_space<vmem_shared>>
      %dma_wait3A_53 = tpu.memref_squeeze %dma_wait3A_52 : memref<1x1x640xf32, #tpu.memory_space<vmem_shared>> -> memref<1x640xf32, #tpu.memory_space<vmem_shared>>
      %dma_wait3A_54 = arith.constant 0 : i32
      %dma_wait3A_55 = arith.constant 0 : i32
      %dma_wait3A_56 = tpu.memref_slice %arg11[%add3A_37, %dma_wait3A_54, %dma_wait3A_55] : memref<32x1x640xf32, #tpu.memory_space<vmem_shared>> -> memref<1x1x640xf32, #tpu.memory_space<vmem_shared>>
      %dma_wait3A_57 = tpu.memref_squeeze %dma_wait3A_56 : memref<1x1x640xf32, #tpu.memory_space<vmem_shared>> -> memref<1x640xf32, #tpu.memory_space<vmem_shared>>
      tpu.wait_dma2 semaphore(%run_scoped3A_43 : memref<!tpu.dma_semaphore, #tpu.memory_space<semaphore_mem>>) src(%dma_wait3A_57 : memref<1x640xf32, #tpu.memory_space<vmem_shared>>) dst(%arg8 : memref<1x640xf32, #tpu.memory_space<vmem>>)
      tpu.yield
    }) : () -> ()
    %add3A_38 = arith.constant 2 : i32
    %add3A_39 = arith.addi %add3A_38, %arg0 : i32
    %mul3A_40 = arith.constant 16 : i32
    %mul3A_41 = arith.muli %add3A_39, %mul3A_40 : i32
    %add3A_42 = arith.addi %mul3A_41, %arg1 : i32
    "tpu.region"() ({
      %run_scoped3A_43 = tpu.sem_alloc : memref<!tpu.dma_semaphore, #tpu.memory_space<semaphore_mem>>
      %dma_start3A = arith.constant 0 : i32
      %dma_start3A_44 = arith.constant 0 : i32
      %dma_start3A_45 = tpu.memref_slice %arg4[%add3A_42, %dma_start3A, %dma_start3A_44] : memref<64x1x640xf32, #tpu.memory_space<hbm>> -> memref<1x1x640xf32, #tpu.memory_space<hbm>>
      %dma_start3A_46 = tpu.memref_squeeze %dma_start3A_45 : memref<1x1x640xf32, #tpu.memory_space<hbm>> -> memref<1x640xf32, #tpu.memory_space<hbm>>
      %dma_start3A_47 = arith.constant 0 : i32
      %dma_start3A_48 = arith.constant 0 : i32
      %dma_start3A_49 = tpu.memref_slice %arg4[%add3A_42, %dma_start3A_47, %dma_start3A_48] : memref<64x1x640xf32, #tpu.memory_space<hbm>> -> memref<1x1x640xf32, #tpu.memory_space<hbm>>
      %dma_start3A_50 = tpu.memref_squeeze %dma_start3A_49 : memref<1x1x640xf32, #tpu.memory_space<hbm>> -> memref<1x640xf32, #tpu.memory_space<hbm>>
      tpu.enqueue_dma source(%arg8 : memref<1x640xf32, #tpu.memory_space<vmem>>) target(%dma_start3A_50 : memref<1x640xf32, #tpu.memory_space<hbm>>) target_semaphore(%run_scoped3A_43 : memref<!tpu.dma_semaphore, #tpu.memory_space<semaphore_mem>>)
      %dma_wait3A = arith.constant 0 : i32
      %dma_wait3A_51 = arith.constant 0 : i32
      %dma_wait3A_52 = tpu.memref_slice %arg4[%add3A_42, %dma_wait3A, %dma_wait3A_51] : memref<64x1x640xf32, #tpu.memory_space<hbm>> -> memref<1x1x640xf32, #tpu.memory_space<hbm>>
      %dma_wait3A_53 = tpu.memref_squeeze %dma_wait3A_52 : memref<1x1x640xf32, #tpu.memory_space<hbm>> -> memref<1x640xf32, #tpu.memory_space<hbm>>
      %dma_wait3A_54 = arith.constant 0 : i32
      %dma_wait3A_55 = arith.constant 0 : i32
      %dma_wait3A_56 = tpu.memref_slice %arg4[%add3A_42, %dma_wait3A_54, %dma_wait3A_55] : memref<64x1x640xf32, #tpu.memory_space<hbm>> -> memref<1x1x640xf32, #tpu.memory_space<hbm>>
      %dma_wait3A_57 = tpu.memref_squeeze %dma_wait3A_56 : memref<1x1x640xf32, #tpu.memory_space<hbm>> -> memref<1x640xf32, #tpu.memory_space<hbm>>
      tpu.wait_dma2 semaphore(%run_scoped3A_43 : memref<!tpu.dma_semaphore, #tpu.memory_space<semaphore_mem>>) src(%arg8 : memref<1x640xf32, #tpu.memory_space<vmem>>) dst(%dma_wait3A_57 : memref<1x640xf32, #tpu.memory_space<hbm>>)
      tpu.yield
    }) : () -> ()
    return
  }
}

#map = affine_map<(d0, d1) -> (0, 0)>
#map1 = affine_map<(d0, d1) -> (0)>
#map2 = affine_map<(d0, d1) -> (0, 0, 0)>
module attributes {stable_mosaic.version = 14 : i64} {
  func.func @_agg_kernel(%arg0: i32, %arg1: i32, %arg2: memref<30720x128xf32, #tpu.memory_space<hbm>>, %arg3: memref<962560xi32, #tpu.memory_space<hbm>>, %arg4: memref<962560xi32, #tpu.memory_space<hbm>>, %arg5: memref<80x128xf32, #tpu.memory_space<hbm>>, %arg6: memref<4x10240x128xf32, #tpu.memory_space<hbm>>, %arg7: memref<80xi32, #tpu.memory_space<vmem>>, %arg8: memref<80xi32, #tpu.memory_space<vmem>>, %arg9: memref<80xi32, #tpu.memory_space<vmem>>, %arg10: memref<80xi32, #tpu.memory_space<vmem>>, %arg11: memref<80x128xf32, #tpu.memory_space<vmem>>, %arg12: memref<80x128xf32, #tpu.memory_space<vmem>>, %arg13: memref<10240x128xf32, #tpu.memory_space<vmem_shared>>, %arg14: memref<!tpu.dma_semaphore, #tpu.memory_space<semaphore_mem>>, %arg15: memref<!tpu.dma_semaphore, #tpu.memory_space<semaphore_mem>>, %arg16: memref<!tpu.dma_semaphore, #tpu.memory_space<semaphore_mem>>, %arg17: memref<!tpu.dma_semaphore, #tpu.memory_space<semaphore_mem>>) attributes {dimension_semantics = [#tpu.dimension_semantics<core_parallel>, #tpu.dimension_semantics<subcore_parallel>], iteration_bounds = array<i64: 2, 16>, scalar_prefetch = 0 : i64, scratch_operands = 11 : i64, tpu.core_type = #tpu.core_type<sc_vector_subcore>, window_params = [{transform_indices = #map}, {transform_indices = #map1}, {transform_indices = #map1}, {transform_indices = #map}, {transform_indices = #map2}]} {
    "tpu.region"() ({
      %run_scoped3A = tpu.sem_alloc : memref<!tpu.dma_semaphore, #tpu.memory_space<semaphore_mem>>
      tpu.enqueue_dma source(%arg5 : memref<80x128xf32, #tpu.memory_space<hbm>>) target(%arg11 : memref<80x128xf32, #tpu.memory_space<vmem>>) target_semaphore(%run_scoped3A : memref<!tpu.dma_semaphore, #tpu.memory_space<semaphore_mem>>)
      tpu.wait_dma2 semaphore(%run_scoped3A : memref<!tpu.dma_semaphore, #tpu.memory_space<semaphore_mem>>) src(%arg5 : memref<80x128xf32, #tpu.memory_space<hbm>>) dst(%arg11 : memref<80x128xf32, #tpu.memory_space<vmem>>)
      tpu.yield
    }) : () -> ()
    %mul3A = arith.constant 640 : i32
    %mul3A_0 = arith.muli %arg1, %mul3A : i32
    %add3A = arith.constant 0 : i32
    %add3A_1 = arith.addi %mul3A_0, %add3A : i32
    "tpu.region"() ({
      %run_scoped3A = tpu.sem_alloc : memref<!tpu.dma_semaphore, #tpu.memory_space<semaphore_mem>>
      %dma_start3A_217 = arith.constant 0 : i32
      %dma_start3A_218 = tpu.memref_slice %arg13[%add3A_1, %dma_start3A_217] : memref<10240x128xf32, #tpu.memory_space<vmem_shared>> -> memref<80x128xf32, #tpu.memory_space<vmem_shared>>
      %dma_start3A_219 = arith.constant 0 : i32
      %dma_start3A_220 = tpu.memref_slice %arg13[%add3A_1, %dma_start3A_219] : memref<10240x128xf32, #tpu.memory_space<vmem_shared>> -> memref<80x128xf32, #tpu.memory_space<vmem_shared>>
      tpu.enqueue_dma source(%arg11 : memref<80x128xf32, #tpu.memory_space<vmem>>) target(%dma_start3A_220 : memref<80x128xf32, #tpu.memory_space<vmem_shared>>) target_semaphore(%run_scoped3A : memref<!tpu.dma_semaphore, #tpu.memory_space<semaphore_mem>>)
      %dma_wait3A_221 = arith.constant 0 : i32
      %dma_wait3A_222 = tpu.memref_slice %arg13[%add3A_1, %dma_wait3A_221] : memref<10240x128xf32, #tpu.memory_space<vmem_shared>> -> memref<80x128xf32, #tpu.memory_space<vmem_shared>>
      %dma_wait3A_223 = arith.constant 0 : i32
      %dma_wait3A_224 = tpu.memref_slice %arg13[%add3A_1, %dma_wait3A_223] : memref<10240x128xf32, #tpu.memory_space<vmem_shared>> -> memref<80x128xf32, #tpu.memory_space<vmem_shared>>
      tpu.wait_dma2 semaphore(%run_scoped3A : memref<!tpu.dma_semaphore, #tpu.memory_space<semaphore_mem>>) src(%arg11 : memref<80x128xf32, #tpu.memory_space<vmem>>) dst(%dma_wait3A_224 : memref<80x128xf32, #tpu.memory_space<vmem_shared>>)
      tpu.yield
    }) : () -> ()
    %mul3A_2 = arith.constant 640 : i32
    %mul3A_3 = arith.muli %arg1, %mul3A_2 : i32
    %add3A_4 = arith.constant 80 : i32
    %add3A_5 = arith.addi %mul3A_3, %add3A_4 : i32
    "tpu.region"() ({
      %run_scoped3A = tpu.sem_alloc : memref<!tpu.dma_semaphore, #tpu.memory_space<semaphore_mem>>
      %dma_start3A_217 = arith.constant 0 : i32
      %dma_start3A_218 = tpu.memref_slice %arg13[%add3A_5, %dma_start3A_217] : memref<10240x128xf32, #tpu.memory_space<vmem_shared>> -> memref<80x128xf32, #tpu.memory_space<vmem_shared>>
      %dma_start3A_219 = arith.constant 0 : i32
      %dma_start3A_220 = tpu.memref_slice %arg13[%add3A_5, %dma_start3A_219] : memref<10240x128xf32, #tpu.memory_space<vmem_shared>> -> memref<80x128xf32, #tpu.memory_space<vmem_shared>>
      tpu.enqueue_dma source(%arg11 : memref<80x128xf32, #tpu.memory_space<vmem>>) target(%dma_start3A_220 : memref<80x128xf32, #tpu.memory_space<vmem_shared>>) target_semaphore(%run_scoped3A : memref<!tpu.dma_semaphore, #tpu.memory_space<semaphore_mem>>)
      %dma_wait3A_221 = arith.constant 0 : i32
      %dma_wait3A_222 = tpu.memref_slice %arg13[%add3A_5, %dma_wait3A_221] : memref<10240x128xf32, #tpu.memory_space<vmem_shared>> -> memref<80x128xf32, #tpu.memory_space<vmem_shared>>
      %dma_wait3A_223 = arith.constant 0 : i32
      %dma_wait3A_224 = tpu.memref_slice %arg13[%add3A_5, %dma_wait3A_223] : memref<10240x128xf32, #tpu.memory_space<vmem_shared>> -> memref<80x128xf32, #tpu.memory_space<vmem_shared>>
      tpu.wait_dma2 semaphore(%run_scoped3A : memref<!tpu.dma_semaphore, #tpu.memory_space<semaphore_mem>>) src(%arg11 : memref<80x128xf32, #tpu.memory_space<vmem>>) dst(%dma_wait3A_224 : memref<80x128xf32, #tpu.memory_space<vmem_shared>>)
      tpu.yield
    }) : () -> ()
    %mul3A_6 = arith.constant 640 : i32
    %mul3A_7 = arith.muli %arg1, %mul3A_6 : i32
    %add3A_8 = arith.constant 160 : i32
    %add3A_9 = arith.addi %mul3A_7, %add3A_8 : i32
    "tpu.region"() ({
      %run_scoped3A = tpu.sem_alloc : memref<!tpu.dma_semaphore, #tpu.memory_space<semaphore_mem>>
      %dma_start3A_217 = arith.constant 0 : i32
      %dma_start3A_218 = tpu.memref_slice %arg13[%add3A_9, %dma_start3A_217] : memref<10240x128xf32, #tpu.memory_space<vmem_shared>> -> memref<80x128xf32, #tpu.memory_space<vmem_shared>>
      %dma_start3A_219 = arith.constant 0 : i32
      %dma_start3A_220 = tpu.memref_slice %arg13[%add3A_9, %dma_start3A_219] : memref<10240x128xf32, #tpu.memory_space<vmem_shared>> -> memref<80x128xf32, #tpu.memory_space<vmem_shared>>
      tpu.enqueue_dma source(%arg11 : memref<80x128xf32, #tpu.memory_space<vmem>>) target(%dma_start3A_220 : memref<80x128xf32, #tpu.memory_space<vmem_shared>>) target_semaphore(%run_scoped3A : memref<!tpu.dma_semaphore, #tpu.memory_space<semaphore_mem>>)
      %dma_wait3A_221 = arith.constant 0 : i32
      %dma_wait3A_222 = tpu.memref_slice %arg13[%add3A_9, %dma_wait3A_221] : memref<10240x128xf32, #tpu.memory_space<vmem_shared>> -> memref<80x128xf32, #tpu.memory_space<vmem_shared>>
      %dma_wait3A_223 = arith.constant 0 : i32
      %dma_wait3A_224 = tpu.memref_slice %arg13[%add3A_9, %dma_wait3A_223] : memref<10240x128xf32, #tpu.memory_space<vmem_shared>> -> memref<80x128xf32, #tpu.memory_space<vmem_shared>>
      tpu.wait_dma2 semaphore(%run_scoped3A : memref<!tpu.dma_semaphore, #tpu.memory_space<semaphore_mem>>) src(%arg11 : memref<80x128xf32, #tpu.memory_space<vmem>>) dst(%dma_wait3A_224 : memref<80x128xf32, #tpu.memory_space<vmem_shared>>)
      tpu.yield
    }) : () -> ()
    %mul3A_10 = arith.constant 640 : i32
    %mul3A_11 = arith.muli %arg1, %mul3A_10 : i32
    %add3A_12 = arith.constant 240 : i32
    %add3A_13 = arith.addi %mul3A_11, %add3A_12 : i32
    "tpu.region"() ({
      %run_scoped3A = tpu.sem_alloc : memref<!tpu.dma_semaphore, #tpu.memory_space<semaphore_mem>>
      %dma_start3A_217 = arith.constant 0 : i32
      %dma_start3A_218 = tpu.memref_slice %arg13[%add3A_13, %dma_start3A_217] : memref<10240x128xf32, #tpu.memory_space<vmem_shared>> -> memref<80x128xf32, #tpu.memory_space<vmem_shared>>
      %dma_start3A_219 = arith.constant 0 : i32
      %dma_start3A_220 = tpu.memref_slice %arg13[%add3A_13, %dma_start3A_219] : memref<10240x128xf32, #tpu.memory_space<vmem_shared>> -> memref<80x128xf32, #tpu.memory_space<vmem_shared>>
      tpu.enqueue_dma source(%arg11 : memref<80x128xf32, #tpu.memory_space<vmem>>) target(%dma_start3A_220 : memref<80x128xf32, #tpu.memory_space<vmem_shared>>) target_semaphore(%run_scoped3A : memref<!tpu.dma_semaphore, #tpu.memory_space<semaphore_mem>>)
      %dma_wait3A_221 = arith.constant 0 : i32
      %dma_wait3A_222 = tpu.memref_slice %arg13[%add3A_13, %dma_wait3A_221] : memref<10240x128xf32, #tpu.memory_space<vmem_shared>> -> memref<80x128xf32, #tpu.memory_space<vmem_shared>>
      %dma_wait3A_223 = arith.constant 0 : i32
      %dma_wait3A_224 = tpu.memref_slice %arg13[%add3A_13, %dma_wait3A_223] : memref<10240x128xf32, #tpu.memory_space<vmem_shared>> -> memref<80x128xf32, #tpu.memory_space<vmem_shared>>
      tpu.wait_dma2 semaphore(%run_scoped3A : memref<!tpu.dma_semaphore, #tpu.memory_space<semaphore_mem>>) src(%arg11 : memref<80x128xf32, #tpu.memory_space<vmem>>) dst(%dma_wait3A_224 : memref<80x128xf32, #tpu.memory_space<vmem_shared>>)
      tpu.yield
    }) : () -> ()
    %mul3A_14 = arith.constant 640 : i32
    %mul3A_15 = arith.muli %arg1, %mul3A_14 : i32
    %add3A_16 = arith.constant 320 : i32
    %add3A_17 = arith.addi %mul3A_15, %add3A_16 : i32
    "tpu.region"() ({
      %run_scoped3A = tpu.sem_alloc : memref<!tpu.dma_semaphore, #tpu.memory_space<semaphore_mem>>
      %dma_start3A_217 = arith.constant 0 : i32
      %dma_start3A_218 = tpu.memref_slice %arg13[%add3A_17, %dma_start3A_217] : memref<10240x128xf32, #tpu.memory_space<vmem_shared>> -> memref<80x128xf32, #tpu.memory_space<vmem_shared>>
      %dma_start3A_219 = arith.constant 0 : i32
      %dma_start3A_220 = tpu.memref_slice %arg13[%add3A_17, %dma_start3A_219] : memref<10240x128xf32, #tpu.memory_space<vmem_shared>> -> memref<80x128xf32, #tpu.memory_space<vmem_shared>>
      tpu.enqueue_dma source(%arg11 : memref<80x128xf32, #tpu.memory_space<vmem>>) target(%dma_start3A_220 : memref<80x128xf32, #tpu.memory_space<vmem_shared>>) target_semaphore(%run_scoped3A : memref<!tpu.dma_semaphore, #tpu.memory_space<semaphore_mem>>)
      %dma_wait3A_221 = arith.constant 0 : i32
      %dma_wait3A_222 = tpu.memref_slice %arg13[%add3A_17, %dma_wait3A_221] : memref<10240x128xf32, #tpu.memory_space<vmem_shared>> -> memref<80x128xf32, #tpu.memory_space<vmem_shared>>
      %dma_wait3A_223 = arith.constant 0 : i32
      %dma_wait3A_224 = tpu.memref_slice %arg13[%add3A_17, %dma_wait3A_223] : memref<10240x128xf32, #tpu.memory_space<vmem_shared>> -> memref<80x128xf32, #tpu.memory_space<vmem_shared>>
      tpu.wait_dma2 semaphore(%run_scoped3A : memref<!tpu.dma_semaphore, #tpu.memory_space<semaphore_mem>>) src(%arg11 : memref<80x128xf32, #tpu.memory_space<vmem>>) dst(%dma_wait3A_224 : memref<80x128xf32, #tpu.memory_space<vmem_shared>>)
      tpu.yield
    }) : () -> ()
    %mul3A_18 = arith.constant 640 : i32
    %mul3A_19 = arith.muli %arg1, %mul3A_18 : i32
    %add3A_20 = arith.constant 400 : i32
    %add3A_21 = arith.addi %mul3A_19, %add3A_20 : i32
    "tpu.region"() ({
      %run_scoped3A = tpu.sem_alloc : memref<!tpu.dma_semaphore, #tpu.memory_space<semaphore_mem>>
      %dma_start3A_217 = arith.constant 0 : i32
      %dma_start3A_218 = tpu.memref_slice %arg13[%add3A_21, %dma_start3A_217] : memref<10240x128xf32, #tpu.memory_space<vmem_shared>> -> memref<80x128xf32, #tpu.memory_space<vmem_shared>>
      %dma_start3A_219 = arith.constant 0 : i32
      %dma_start3A_220 = tpu.memref_slice %arg13[%add3A_21, %dma_start3A_219] : memref<10240x128xf32, #tpu.memory_space<vmem_shared>> -> memref<80x128xf32, #tpu.memory_space<vmem_shared>>
      tpu.enqueue_dma source(%arg11 : memref<80x128xf32, #tpu.memory_space<vmem>>) target(%dma_start3A_220 : memref<80x128xf32, #tpu.memory_space<vmem_shared>>) target_semaphore(%run_scoped3A : memref<!tpu.dma_semaphore, #tpu.memory_space<semaphore_mem>>)
      %dma_wait3A_221 = arith.constant 0 : i32
      %dma_wait3A_222 = tpu.memref_slice %arg13[%add3A_21, %dma_wait3A_221] : memref<10240x128xf32, #tpu.memory_space<vmem_shared>> -> memref<80x128xf32, #tpu.memory_space<vmem_shared>>
      %dma_wait3A_223 = arith.constant 0 : i32
      %dma_wait3A_224 = tpu.memref_slice %arg13[%add3A_21, %dma_wait3A_223] : memref<10240x128xf32, #tpu.memory_space<vmem_shared>> -> memref<80x128xf32, #tpu.memory_space<vmem_shared>>
      tpu.wait_dma2 semaphore(%run_scoped3A : memref<!tpu.dma_semaphore, #tpu.memory_space<semaphore_mem>>) src(%arg11 : memref<80x128xf32, #tpu.memory_space<vmem>>) dst(%dma_wait3A_224 : memref<80x128xf32, #tpu.memory_space<vmem_shared>>)
      tpu.yield
    }) : () -> ()
    %mul3A_22 = arith.constant 640 : i32
    %mul3A_23 = arith.muli %arg1, %mul3A_22 : i32
    %add3A_24 = arith.constant 480 : i32
    %add3A_25 = arith.addi %mul3A_23, %add3A_24 : i32
    "tpu.region"() ({
      %run_scoped3A = tpu.sem_alloc : memref<!tpu.dma_semaphore, #tpu.memory_space<semaphore_mem>>
      %dma_start3A_217 = arith.constant 0 : i32
      %dma_start3A_218 = tpu.memref_slice %arg13[%add3A_25, %dma_start3A_217] : memref<10240x128xf32, #tpu.memory_space<vmem_shared>> -> memref<80x128xf32, #tpu.memory_space<vmem_shared>>
      %dma_start3A_219 = arith.constant 0 : i32
      %dma_start3A_220 = tpu.memref_slice %arg13[%add3A_25, %dma_start3A_219] : memref<10240x128xf32, #tpu.memory_space<vmem_shared>> -> memref<80x128xf32, #tpu.memory_space<vmem_shared>>
      tpu.enqueue_dma source(%arg11 : memref<80x128xf32, #tpu.memory_space<vmem>>) target(%dma_start3A_220 : memref<80x128xf32, #tpu.memory_space<vmem_shared>>) target_semaphore(%run_scoped3A : memref<!tpu.dma_semaphore, #tpu.memory_space<semaphore_mem>>)
      %dma_wait3A_221 = arith.constant 0 : i32
      %dma_wait3A_222 = tpu.memref_slice %arg13[%add3A_25, %dma_wait3A_221] : memref<10240x128xf32, #tpu.memory_space<vmem_shared>> -> memref<80x128xf32, #tpu.memory_space<vmem_shared>>
      %dma_wait3A_223 = arith.constant 0 : i32
      %dma_wait3A_224 = tpu.memref_slice %arg13[%add3A_25, %dma_wait3A_223] : memref<10240x128xf32, #tpu.memory_space<vmem_shared>> -> memref<80x128xf32, #tpu.memory_space<vmem_shared>>
      tpu.wait_dma2 semaphore(%run_scoped3A : memref<!tpu.dma_semaphore, #tpu.memory_space<semaphore_mem>>) src(%arg11 : memref<80x128xf32, #tpu.memory_space<vmem>>) dst(%dma_wait3A_224 : memref<80x128xf32, #tpu.memory_space<vmem_shared>>)
      tpu.yield
    }) : () -> ()
    %mul3A_26 = arith.constant 640 : i32
    %mul3A_27 = arith.muli %arg1, %mul3A_26 : i32
    %add3A_28 = arith.constant 560 : i32
    %add3A_29 = arith.addi %mul3A_27, %add3A_28 : i32
    "tpu.region"() ({
      %run_scoped3A = tpu.sem_alloc : memref<!tpu.dma_semaphore, #tpu.memory_space<semaphore_mem>>
      %dma_start3A_217 = arith.constant 0 : i32
      %dma_start3A_218 = tpu.memref_slice %arg13[%add3A_29, %dma_start3A_217] : memref<10240x128xf32, #tpu.memory_space<vmem_shared>> -> memref<80x128xf32, #tpu.memory_space<vmem_shared>>
      %dma_start3A_219 = arith.constant 0 : i32
      %dma_start3A_220 = tpu.memref_slice %arg13[%add3A_29, %dma_start3A_219] : memref<10240x128xf32, #tpu.memory_space<vmem_shared>> -> memref<80x128xf32, #tpu.memory_space<vmem_shared>>
      tpu.enqueue_dma source(%arg11 : memref<80x128xf32, #tpu.memory_space<vmem>>) target(%dma_start3A_220 : memref<80x128xf32, #tpu.memory_space<vmem_shared>>) target_semaphore(%run_scoped3A : memref<!tpu.dma_semaphore, #tpu.memory_space<semaphore_mem>>)
      %dma_wait3A_221 = arith.constant 0 : i32
      %dma_wait3A_222 = tpu.memref_slice %arg13[%add3A_29, %dma_wait3A_221] : memref<10240x128xf32, #tpu.memory_space<vmem_shared>> -> memref<80x128xf32, #tpu.memory_space<vmem_shared>>
      %dma_wait3A_223 = arith.constant 0 : i32
      %dma_wait3A_224 = tpu.memref_slice %arg13[%add3A_29, %dma_wait3A_223] : memref<10240x128xf32, #tpu.memory_space<vmem_shared>> -> memref<80x128xf32, #tpu.memory_space<vmem_shared>>
      tpu.wait_dma2 semaphore(%run_scoped3A : memref<!tpu.dma_semaphore, #tpu.memory_space<semaphore_mem>>) src(%arg11 : memref<80x128xf32, #tpu.memory_space<vmem>>) dst(%dma_wait3A_224 : memref<80x128xf32, #tpu.memory_space<vmem_shared>>)
      tpu.yield
    }) : () -> ()
    %barrier3A = arith.constant 0 : index
    tpu.barrier barrier_id(%barrier3A)
    %mul3A_30 = arith.constant 640 : i32
    %mul3A_31 = arith.muli %arg1, %mul3A_30 : i32
    "tpu.region"() ({
      %run_scoped3A = tpu.sem_alloc : memref<!tpu.dma_semaphore, #tpu.memory_space<semaphore_mem>>
      %dma_start3A_217 = arith.constant 0 : i32
      %dma_start3A_218 = tpu.memref_slice %arg13[%mul3A_31, %dma_start3A_217] : memref<10240x128xf32, #tpu.memory_space<vmem_shared>> -> memref<80x128xf32, #tpu.memory_space<vmem_shared>>
      %dma_start3A_219 = arith.constant 0 : i32
      %dma_start3A_220 = tpu.memref_slice %arg13[%mul3A_31, %dma_start3A_219] : memref<10240x128xf32, #tpu.memory_space<vmem_shared>> -> memref<80x128xf32, #tpu.memory_space<vmem_shared>>
      tpu.enqueue_dma source(%dma_start3A_220 : memref<80x128xf32, #tpu.memory_space<vmem_shared>>) target(%arg12 : memref<80x128xf32, #tpu.memory_space<vmem>>) target_semaphore(%run_scoped3A : memref<!tpu.dma_semaphore, #tpu.memory_space<semaphore_mem>>)
      %dma_wait3A_221 = arith.constant 0 : i32
      %dma_wait3A_222 = tpu.memref_slice %arg13[%mul3A_31, %dma_wait3A_221] : memref<10240x128xf32, #tpu.memory_space<vmem_shared>> -> memref<80x128xf32, #tpu.memory_space<vmem_shared>>
      %dma_wait3A_223 = arith.constant 0 : i32
      %dma_wait3A_224 = tpu.memref_slice %arg13[%mul3A_31, %dma_wait3A_223] : memref<10240x128xf32, #tpu.memory_space<vmem_shared>> -> memref<80x128xf32, #tpu.memory_space<vmem_shared>>
      tpu.wait_dma2 semaphore(%run_scoped3A : memref<!tpu.dma_semaphore, #tpu.memory_space<semaphore_mem>>) src(%dma_wait3A_224 : memref<80x128xf32, #tpu.memory_space<vmem_shared>>) dst(%arg12 : memref<80x128xf32, #tpu.memory_space<vmem>>)
      tpu.yield
    }) : () -> ()
    %barrier3A_32 = arith.constant 0 : index
    tpu.barrier barrier_id(%barrier3A_32)
    %mul3A_33 = arith.constant 6016 : i32
    %mul3A_34 = arith.muli %arg0, %mul3A_33 : i32
    %mul3A_35 = arith.constant 250 : i32
    %mul3A_36 = arith.muli %arg1, %mul3A_35 : i32
    %add3A_37 = arith.addi %mul3A_34, %mul3A_36 : i32
    %add3A_38 = arith.constant 250 : i32
    %add3A_39 = arith.addi %add3A_37, %add3A_38 : i32
    %sub3A = arith.constant 1 : i32
    %sub3A_40 = arith.subi %add3A_39, %sub3A : i32
    %mul3A_41 = arith.constant 80 : i32
    %mul3A_42 = arith.muli %add3A_37, %mul3A_41 : i32
    %dma_start3A = tpu.memref_slice %arg3[%mul3A_42] : memref<962560xi32, #tpu.memory_space<hbm>> -> memref<80xi32, #tpu.memory_space<hbm>>
    %dma_start3A_43 = tpu.memref_slice %arg3[%mul3A_42] : memref<962560xi32, #tpu.memory_space<hbm>> -> memref<80xi32, #tpu.memory_space<hbm>>
    tpu.enqueue_dma source(%dma_start3A_43 : memref<80xi32, #tpu.memory_space<hbm>>) target(%arg7 : memref<80xi32, #tpu.memory_space<vmem>>) target_semaphore(%arg14 : memref<!tpu.dma_semaphore, #tpu.memory_space<semaphore_mem>>)
    %mul3A_44 = arith.constant 80 : i32
    %mul3A_45 = arith.muli %add3A_37, %mul3A_44 : i32
    %dma_start3A_46 = tpu.memref_slice %arg4[%mul3A_45] : memref<962560xi32, #tpu.memory_space<hbm>> -> memref<80xi32, #tpu.memory_space<hbm>>
    %dma_start3A_47 = tpu.memref_slice %arg4[%mul3A_45] : memref<962560xi32, #tpu.memory_space<hbm>> -> memref<80xi32, #tpu.memory_space<hbm>>
    tpu.enqueue_dma source(%dma_start3A_47 : memref<80xi32, #tpu.memory_space<hbm>>) target(%arg9 : memref<80xi32, #tpu.memory_space<vmem>>) target_semaphore(%arg14 : memref<!tpu.dma_semaphore, #tpu.memory_space<semaphore_mem>>)
    %dma_wait3A = arith.constant 0 : i32
    %dma_wait3A_48 = tpu.memref_slice %arg3[%dma_wait3A] : memref<962560xi32, #tpu.memory_space<hbm>> -> memref<80xi32, #tpu.memory_space<hbm>>
    %dma_wait3A_49 = arith.constant 0 : i32
    %dma_wait3A_50 = tpu.memref_slice %arg3[%dma_wait3A_49] : memref<962560xi32, #tpu.memory_space<hbm>> -> memref<80xi32, #tpu.memory_space<hbm>>
    tpu.wait_dma2 semaphore(%arg14 : memref<!tpu.dma_semaphore, #tpu.memory_space<semaphore_mem>>) src(%dma_wait3A_50 : memref<80xi32, #tpu.memory_space<hbm>>) dst(%arg7 : memref<80xi32, #tpu.memory_space<vmem>>)
    %dma_wait3A_51 = arith.constant 0 : i32
    %dma_wait3A_52 = tpu.memref_slice %arg4[%dma_wait3A_51] : memref<962560xi32, #tpu.memory_space<hbm>> -> memref<80xi32, #tpu.memory_space<hbm>>
    %dma_wait3A_53 = arith.constant 0 : i32
    %dma_wait3A_54 = tpu.memref_slice %arg4[%dma_wait3A_53] : memref<962560xi32, #tpu.memory_space<hbm>> -> memref<80xi32, #tpu.memory_space<hbm>>
    tpu.wait_dma2 semaphore(%arg14 : memref<!tpu.dma_semaphore, #tpu.memory_space<semaphore_mem>>) src(%dma_wait3A_54 : memref<80xi32, #tpu.memory_space<hbm>>) dst(%arg9 : memref<80xi32, #tpu.memory_space<vmem>>)
    %dma_start3A_55 = arith.constant 0 : i32
    %dma_start3A_56 = arith.constant 0 : i32
    %dma_start3A_57 = tpu.memref_slice %arg2[%dma_start3A_55, %dma_start3A_56] : memref<30720x128xf32, #tpu.memory_space<hbm>> -> memref<30720x128xf32, #tpu.memory_space<hbm>>
    tpu.enqueue_indirect_dma source(%dma_start3A_57 : memref<30720x128xf32, #tpu.memory_space<hbm>>) target(%arg11 : memref<80x128xf32, #tpu.memory_space<vmem>>) offsets(%arg7 : memref<80xi32, #tpu.memory_space<vmem>>) semaphore(%arg16 : memref<!tpu.dma_semaphore, #tpu.memory_space<semaphore_mem>>)
    %scan3A = arith.constant 0 : i32
    %scan3A_58 = arith.constant 0 : i32
    %scan3A_59 = arith.constant 125 : i32
    %scan3A_60 = arith.addi %scan3A_58, %scan3A_59 : i32
    %scan3A_61 = arith.constant 1 : i32
    %scan3A_62 = scf.for %scan3A_217 = %scan3A_58 to %scan3A_60 step %scan3A_61 iter_args(%scan3A_218 = %scan3A) -> (i32)  : i32 {
      %mul3A_219 = arith.constant 2 : i32
      %mul3A_220 = arith.muli %mul3A_219, %scan3A_217 : i32
      %add3A_221 = arith.addi %add3A_37, %mul3A_220 : i32
      %add3A_222 = arith.constant 1 : i32
      %add3A_223 = arith.addi %add3A_221, %add3A_222 : i32
      %min3A = arith.minsi %add3A_223, %sub3A_40 : i32
      %mul3A_224 = arith.constant 80 : i32
      %mul3A_225 = arith.muli %min3A, %mul3A_224 : i32
      %dma_start3A_226 = tpu.memref_slice %arg3[%mul3A_225] : memref<962560xi32, #tpu.memory_space<hbm>> -> memref<80xi32, #tpu.memory_space<hbm>>
      %dma_start3A_227 = tpu.memref_slice %arg3[%mul3A_225] : memref<962560xi32, #tpu.memory_space<hbm>> -> memref<80xi32, #tpu.memory_space<hbm>>
      tpu.enqueue_dma source(%dma_start3A_227 : memref<80xi32, #tpu.memory_space<hbm>>) target(%arg8 : memref<80xi32, #tpu.memory_space<vmem>>) target_semaphore(%arg15 : memref<!tpu.dma_semaphore, #tpu.memory_space<semaphore_mem>>)
      %mul3A_228 = arith.constant 80 : i32
      %mul3A_229 = arith.muli %min3A, %mul3A_228 : i32
      %dma_start3A_230 = tpu.memref_slice %arg4[%mul3A_229] : memref<962560xi32, #tpu.memory_space<hbm>> -> memref<80xi32, #tpu.memory_space<hbm>>
      %dma_start3A_231 = tpu.memref_slice %arg4[%mul3A_229] : memref<962560xi32, #tpu.memory_space<hbm>> -> memref<80xi32, #tpu.memory_space<hbm>>
      tpu.enqueue_dma source(%dma_start3A_231 : memref<80xi32, #tpu.memory_space<hbm>>) target(%arg10 : memref<80xi32, #tpu.memory_space<vmem>>) target_semaphore(%arg15 : memref<!tpu.dma_semaphore, #tpu.memory_space<semaphore_mem>>)
      %dma_wait3A_232 = arith.constant 0 : i32
      %dma_wait3A_233 = arith.constant 0 : i32
      %dma_wait3A_234 = tpu.memref_slice %arg2[%dma_wait3A_232, %dma_wait3A_233] : memref<30720x128xf32, #tpu.memory_space<hbm>> -> memref<30720x128xf32, #tpu.memory_space<hbm>>
      tpu.wait_indirect_dma semaphore(%arg16 : memref<!tpu.dma_semaphore, #tpu.memory_space<semaphore_mem>>) src(%dma_wait3A_234 : memref<30720x128xf32, #tpu.memory_space<hbm>>) dst(%arg11 : memref<80x128xf32, #tpu.memory_space<vmem>>)
      %dma_wait3A_235 = arith.constant 0 : i32
      %dma_wait3A_236 = tpu.memref_slice %arg3[%dma_wait3A_235] : memref<962560xi32, #tpu.memory_space<hbm>> -> memref<80xi32, #tpu.memory_space<hbm>>
      %dma_wait3A_237 = arith.constant 0 : i32
      %dma_wait3A_238 = tpu.memref_slice %arg3[%dma_wait3A_237] : memref<962560xi32, #tpu.memory_space<hbm>> -> memref<80xi32, #tpu.memory_space<hbm>>
      tpu.wait_dma2 semaphore(%arg15 : memref<!tpu.dma_semaphore, #tpu.memory_space<semaphore_mem>>) src(%dma_wait3A_238 : memref<80xi32, #tpu.memory_space<hbm>>) dst(%arg8 : memref<80xi32, #tpu.memory_space<vmem>>)
      %dma_wait3A_239 = arith.constant 0 : i32
      %dma_wait3A_240 = tpu.memref_slice %arg4[%dma_wait3A_239] : memref<962560xi32, #tpu.memory_space<hbm>> -> memref<80xi32, #tpu.memory_space<hbm>>
      %dma_wait3A_241 = arith.constant 0 : i32
      %dma_wait3A_242 = tpu.memref_slice %arg4[%dma_wait3A_241] : memref<962560xi32, #tpu.memory_space<hbm>> -> memref<80xi32, #tpu.memory_space<hbm>>
      tpu.wait_dma2 semaphore(%arg15 : memref<!tpu.dma_semaphore, #tpu.memory_space<semaphore_mem>>) src(%dma_wait3A_242 : memref<80xi32, #tpu.memory_space<hbm>>) dst(%arg10 : memref<80xi32, #tpu.memory_space<vmem>>)
      %dma_start3A_243 = arith.constant 0 : i32
      %dma_start3A_244 = arith.constant 0 : i32
      %dma_start3A_245 = tpu.memref_slice %arg2[%dma_start3A_243, %dma_start3A_244] : memref<30720x128xf32, #tpu.memory_space<hbm>> -> memref<30720x128xf32, #tpu.memory_space<hbm>>
      tpu.enqueue_indirect_dma source(%dma_start3A_245 : memref<30720x128xf32, #tpu.memory_space<hbm>>) target(%arg12 : memref<80x128xf32, #tpu.memory_space<vmem>>) offsets(%arg8 : memref<80xi32, #tpu.memory_space<vmem>>) semaphore(%arg17 : memref<!tpu.dma_semaphore, #tpu.memory_space<semaphore_mem>>)
      "tpu.region"() ({
        %run_scoped3A = tpu.sem_alloc : memref<!tpu.dma_semaphore, #tpu.memory_space<semaphore_mem>>
        %dma_start3A_274 = arith.constant 0 : i32
        %dma_start3A_275 = arith.constant 0 : i32
        %dma_start3A_276 = tpu.memref_slice %arg13[%dma_start3A_274, %dma_start3A_275] : memref<10240x128xf32, #tpu.memory_space<vmem_shared>> -> memref<10240x128xf32, #tpu.memory_space<vmem_shared>>
        tpu.enqueue_indirect_dma source(%arg11 : memref<80x128xf32, #tpu.memory_space<vmem>>) target(%dma_start3A_276 : memref<10240x128xf32, #tpu.memory_space<vmem_shared>>) offsets(%arg9 : memref<80xi32, #tpu.memory_space<vmem>>) semaphore(%run_scoped3A : memref<!tpu.dma_semaphore, #tpu.memory_space<semaphore_mem>>) {add = true}
        %dma_wait3A_277 = arith.constant 0 : i32
        %dma_wait3A_278 = arith.constant 0 : i32
        %dma_wait3A_279 = tpu.memref_slice %arg13[%dma_wait3A_277, %dma_wait3A_278] : memref<10240x128xf32, #tpu.memory_space<vmem_shared>> -> memref<10240x128xf32, #tpu.memory_space<vmem_shared>>
        tpu.wait_indirect_dma semaphore(%run_scoped3A : memref<!tpu.dma_semaphore, #tpu.memory_space<semaphore_mem>>) src(%arg11 : memref<80x128xf32, #tpu.memory_space<vmem>>) dst(%dma_wait3A_279 : memref<10240x128xf32, #tpu.memory_space<vmem_shared>>)
        tpu.yield
      }) : () -> ()
      %add3A_246 = arith.constant 1 : i32
      %add3A_247 = arith.addi %add3A_221, %add3A_246 : i32
      %add3A_248 = arith.constant 1 : i32
      %add3A_249 = arith.addi %add3A_247, %add3A_248 : i32
      %min3A_250 = arith.minsi %add3A_249, %sub3A_40 : i32
      %mul3A_251 = arith.constant 80 : i32
      %mul3A_252 = arith.muli %min3A_250, %mul3A_251 : i32
      %dma_start3A_253 = tpu.memref_slice %arg3[%mul3A_252] : memref<962560xi32, #tpu.memory_space<hbm>> -> memref<80xi32, #tpu.memory_space<hbm>>
      %dma_start3A_254 = tpu.memref_slice %arg3[%mul3A_252] : memref<962560xi32, #tpu.memory_space<hbm>> -> memref<80xi32, #tpu.memory_space<hbm>>
      tpu.enqueue_dma source(%dma_start3A_254 : memref<80xi32, #tpu.memory_space<hbm>>) target(%arg7 : memref<80xi32, #tpu.memory_space<vmem>>) target_semaphore(%arg14 : memref<!tpu.dma_semaphore, #tpu.memory_space<semaphore_mem>>)
      %mul3A_255 = arith.constant 80 : i32
      %mul3A_256 = arith.muli %min3A_250, %mul3A_255 : i32
      %dma_start3A_257 = tpu.memref_slice %arg4[%mul3A_256] : memref<962560xi32, #tpu.memory_space<hbm>> -> memref<80xi32, #tpu.memory_space<hbm>>
      %dma_start3A_258 = tpu.memref_slice %arg4[%mul3A_256] : memref<962560xi32, #tpu.memory_space<hbm>> -> memref<80xi32, #tpu.memory_space<hbm>>
      tpu.enqueue_dma source(%dma_start3A_258 : memref<80xi32, #tpu.memory_space<hbm>>) target(%arg9 : memref<80xi32, #tpu.memory_space<vmem>>) target_semaphore(%arg14 : memref<!tpu.dma_semaphore, #tpu.memory_space<semaphore_mem>>)
      %dma_wait3A_259 = arith.constant 0 : i32
      %dma_wait3A_260 = arith.constant 0 : i32
      %dma_wait3A_261 = tpu.memref_slice %arg2[%dma_wait3A_259, %dma_wait3A_260] : memref<30720x128xf32, #tpu.memory_space<hbm>> -> memref<30720x128xf32, #tpu.memory_space<hbm>>
      tpu.wait_indirect_dma semaphore(%arg17 : memref<!tpu.dma_semaphore, #tpu.memory_space<semaphore_mem>>) src(%dma_wait3A_261 : memref<30720x128xf32, #tpu.memory_space<hbm>>) dst(%arg12 : memref<80x128xf32, #tpu.memory_space<vmem>>)
      %dma_wait3A_262 = arith.constant 0 : i32
      %dma_wait3A_263 = tpu.memref_slice %arg3[%dma_wait3A_262] : memref<962560xi32, #tpu.memory_space<hbm>> -> memref<80xi32, #tpu.memory_space<hbm>>
      %dma_wait3A_264 = arith.constant 0 : i32
      %dma_wait3A_265 = tpu.memref_slice %arg3[%dma_wait3A_264] : memref<962560xi32, #tpu.memory_space<hbm>> -> memref<80xi32, #tpu.memory_space<hbm>>
      tpu.wait_dma2 semaphore(%arg14 : memref<!tpu.dma_semaphore, #tpu.memory_space<semaphore_mem>>) src(%dma_wait3A_265 : memref<80xi32, #tpu.memory_space<hbm>>) dst(%arg7 : memref<80xi32, #tpu.memory_space<vmem>>)
      %dma_wait3A_266 = arith.constant 0 : i32
      %dma_wait3A_267 = tpu.memref_slice %arg4[%dma_wait3A_266] : memref<962560xi32, #tpu.memory_space<hbm>> -> memref<80xi32, #tpu.memory_space<hbm>>
      %dma_wait3A_268 = arith.constant 0 : i32
      %dma_wait3A_269 = tpu.memref_slice %arg4[%dma_wait3A_268] : memref<962560xi32, #tpu.memory_space<hbm>> -> memref<80xi32, #tpu.memory_space<hbm>>
      tpu.wait_dma2 semaphore(%arg14 : memref<!tpu.dma_semaphore, #tpu.memory_space<semaphore_mem>>) src(%dma_wait3A_269 : memref<80xi32, #tpu.memory_space<hbm>>) dst(%arg9 : memref<80xi32, #tpu.memory_space<vmem>>)
      %dma_start3A_270 = arith.constant 0 : i32
      %dma_start3A_271 = arith.constant 0 : i32
      %dma_start3A_272 = tpu.memref_slice %arg2[%dma_start3A_270, %dma_start3A_271] : memref<30720x128xf32, #tpu.memory_space<hbm>> -> memref<30720x128xf32, #tpu.memory_space<hbm>>
      tpu.enqueue_indirect_dma source(%dma_start3A_272 : memref<30720x128xf32, #tpu.memory_space<hbm>>) target(%arg11 : memref<80x128xf32, #tpu.memory_space<vmem>>) offsets(%arg7 : memref<80xi32, #tpu.memory_space<vmem>>) semaphore(%arg16 : memref<!tpu.dma_semaphore, #tpu.memory_space<semaphore_mem>>)
      "tpu.region"() ({
        %run_scoped3A = tpu.sem_alloc : memref<!tpu.dma_semaphore, #tpu.memory_space<semaphore_mem>>
        %dma_start3A_274 = arith.constant 0 : i32
        %dma_start3A_275 = arith.constant 0 : i32
        %dma_start3A_276 = tpu.memref_slice %arg13[%dma_start3A_274, %dma_start3A_275] : memref<10240x128xf32, #tpu.memory_space<vmem_shared>> -> memref<10240x128xf32, #tpu.memory_space<vmem_shared>>
        tpu.enqueue_indirect_dma source(%arg12 : memref<80x128xf32, #tpu.memory_space<vmem>>) target(%dma_start3A_276 : memref<10240x128xf32, #tpu.memory_space<vmem_shared>>) offsets(%arg10 : memref<80xi32, #tpu.memory_space<vmem>>) semaphore(%run_scoped3A : memref<!tpu.dma_semaphore, #tpu.memory_space<semaphore_mem>>) {add = true}
        %dma_wait3A_277 = arith.constant 0 : i32
        %dma_wait3A_278 = arith.constant 0 : i32
        %dma_wait3A_279 = tpu.memref_slice %arg13[%dma_wait3A_277, %dma_wait3A_278] : memref<10240x128xf32, #tpu.memory_space<vmem_shared>> -> memref<10240x128xf32, #tpu.memory_space<vmem_shared>>
        tpu.wait_indirect_dma semaphore(%run_scoped3A : memref<!tpu.dma_semaphore, #tpu.memory_space<semaphore_mem>>) src(%arg12 : memref<80x128xf32, #tpu.memory_space<vmem>>) dst(%dma_wait3A_279 : memref<10240x128xf32, #tpu.memory_space<vmem_shared>>)
        tpu.yield
      }) : () -> ()
      %scan3A_273 = arith.constant 0 : i32
      scf.yield %scan3A_273 : i32
    }
    %scan3A_63 = arith.constant 125 : i32
    %dma_wait3A_64 = arith.constant 0 : i32
    %dma_wait3A_65 = arith.constant 0 : i32
    %dma_wait3A_66 = tpu.memref_slice %arg2[%dma_wait3A_64, %dma_wait3A_65] : memref<30720x128xf32, #tpu.memory_space<hbm>> -> memref<30720x128xf32, #tpu.memory_space<hbm>>
    tpu.wait_indirect_dma semaphore(%arg16 : memref<!tpu.dma_semaphore, #tpu.memory_space<semaphore_mem>>) src(%dma_wait3A_66 : memref<30720x128xf32, #tpu.memory_space<hbm>>) dst(%arg11 : memref<80x128xf32, #tpu.memory_space<vmem>>)
    %barrier3A_67 = arith.constant 0 : index
    tpu.barrier barrier_id(%barrier3A_67)
    %mul3A_68 = arith.constant 640 : i32
    %mul3A_69 = arith.muli %arg1, %mul3A_68 : i32
    "tpu.region"() ({
      %run_scoped3A = tpu.sem_alloc : memref<!tpu.dma_semaphore, #tpu.memory_space<semaphore_mem>>
      %dma_start3A_217 = arith.constant 0 : i32
      %dma_start3A_218 = tpu.memref_slice %arg13[%mul3A_69, %dma_start3A_217] : memref<10240x128xf32, #tpu.memory_space<vmem_shared>> -> memref<80x128xf32, #tpu.memory_space<vmem_shared>>
      %dma_start3A_219 = arith.constant 0 : i32
      %dma_start3A_220 = tpu.memref_slice %arg13[%mul3A_69, %dma_start3A_219] : memref<10240x128xf32, #tpu.memory_space<vmem_shared>> -> memref<80x128xf32, #tpu.memory_space<vmem_shared>>
      tpu.enqueue_dma source(%dma_start3A_220 : memref<80x128xf32, #tpu.memory_space<vmem_shared>>) target(%arg12 : memref<80x128xf32, #tpu.memory_space<vmem>>) target_semaphore(%run_scoped3A : memref<!tpu.dma_semaphore, #tpu.memory_space<semaphore_mem>>)
      %dma_wait3A_221 = arith.constant 0 : i32
      %dma_wait3A_222 = tpu.memref_slice %arg13[%mul3A_69, %dma_wait3A_221] : memref<10240x128xf32, #tpu.memory_space<vmem_shared>> -> memref<80x128xf32, #tpu.memory_space<vmem_shared>>
      %dma_wait3A_223 = arith.constant 0 : i32
      %dma_wait3A_224 = tpu.memref_slice %arg13[%mul3A_69, %dma_wait3A_223] : memref<10240x128xf32, #tpu.memory_space<vmem_shared>> -> memref<80x128xf32, #tpu.memory_space<vmem_shared>>
      tpu.wait_dma2 semaphore(%run_scoped3A : memref<!tpu.dma_semaphore, #tpu.memory_space<semaphore_mem>>) src(%dma_wait3A_224 : memref<80x128xf32, #tpu.memory_space<vmem_shared>>) dst(%arg12 : memref<80x128xf32, #tpu.memory_space<vmem>>)
      tpu.yield
    }) : () -> ()
    %barrier3A_70 = arith.constant 0 : index
    tpu.barrier barrier_id(%barrier3A_70)
    %mul3A_71 = arith.constant 640 : i32
    %mul3A_72 = arith.muli %arg1, %mul3A_71 : i32
    %add3A_73 = arith.constant 0 : i32
    %add3A_74 = arith.addi %mul3A_72, %add3A_73 : i32
    "tpu.region"() ({
      %run_scoped3A = tpu.sem_alloc : memref<!tpu.dma_semaphore, #tpu.memory_space<semaphore_mem>>
      %dma_start3A_217 = arith.constant 0 : i32
      %dma_start3A_218 = tpu.memref_slice %arg13[%add3A_74, %dma_start3A_217] : memref<10240x128xf32, #tpu.memory_space<vmem_shared>> -> memref<80x128xf32, #tpu.memory_space<vmem_shared>>
      %dma_start3A_219 = arith.constant 0 : i32
      %dma_start3A_220 = tpu.memref_slice %arg13[%add3A_74, %dma_start3A_219] : memref<10240x128xf32, #tpu.memory_space<vmem_shared>> -> memref<80x128xf32, #tpu.memory_space<vmem_shared>>
      tpu.enqueue_dma source(%dma_start3A_220 : memref<80x128xf32, #tpu.memory_space<vmem_shared>>) target(%arg11 : memref<80x128xf32, #tpu.memory_space<vmem>>) target_semaphore(%run_scoped3A : memref<!tpu.dma_semaphore, #tpu.memory_space<semaphore_mem>>)
      %dma_wait3A_221 = arith.constant 0 : i32
      %dma_wait3A_222 = tpu.memref_slice %arg13[%add3A_74, %dma_wait3A_221] : memref<10240x128xf32, #tpu.memory_space<vmem_shared>> -> memref<80x128xf32, #tpu.memory_space<vmem_shared>>
      %dma_wait3A_223 = arith.constant 0 : i32
      %dma_wait3A_224 = tpu.memref_slice %arg13[%add3A_74, %dma_wait3A_223] : memref<10240x128xf32, #tpu.memory_space<vmem_shared>> -> memref<80x128xf32, #tpu.memory_space<vmem_shared>>
      tpu.wait_dma2 semaphore(%run_scoped3A : memref<!tpu.dma_semaphore, #tpu.memory_space<semaphore_mem>>) src(%dma_wait3A_224 : memref<80x128xf32, #tpu.memory_space<vmem_shared>>) dst(%arg11 : memref<80x128xf32, #tpu.memory_space<vmem>>)
      tpu.yield
    }) : () -> ()
    "tpu.region"() ({
      %run_scoped3A = tpu.sem_alloc : memref<!tpu.dma_semaphore, #tpu.memory_space<semaphore_mem>>
      %dma_start3A_217 = arith.constant 0 : i32
      %dma_start3A_218 = tpu.memref_slice %arg6[%arg0, %add3A_74, %dma_start3A_217] : memref<4x10240x128xf32, #tpu.memory_space<hbm>> -> memref<1x80x128xf32, #tpu.memory_space<hbm>>
      %dma_start3A_219 = tpu.memref_squeeze %dma_start3A_218 : memref<1x80x128xf32, #tpu.memory_space<hbm>> -> memref<80x128xf32, #tpu.memory_space<hbm>>
      %dma_start3A_220 = arith.constant 0 : i32
      %dma_start3A_221 = tpu.memref_slice %arg6[%arg0, %add3A_74, %dma_start3A_220] : memref<4x10240x128xf32, #tpu.memory_space<hbm>> -> memref<1x80x128xf32, #tpu.memory_space<hbm>>
      %dma_start3A_222 = tpu.memref_squeeze %dma_start3A_221 : memref<1x80x128xf32, #tpu.memory_space<hbm>> -> memref<80x128xf32, #tpu.memory_space<hbm>>
      tpu.enqueue_dma source(%arg11 : memref<80x128xf32, #tpu.memory_space<vmem>>) target(%dma_start3A_222 : memref<80x128xf32, #tpu.memory_space<hbm>>) target_semaphore(%run_scoped3A : memref<!tpu.dma_semaphore, #tpu.memory_space<semaphore_mem>>)
      %dma_wait3A_223 = arith.constant 0 : i32
      %dma_wait3A_224 = tpu.memref_slice %arg6[%arg0, %add3A_74, %dma_wait3A_223] : memref<4x10240x128xf32, #tpu.memory_space<hbm>> -> memref<1x80x128xf32, #tpu.memory_space<hbm>>
      %dma_wait3A_225 = tpu.memref_squeeze %dma_wait3A_224 : memref<1x80x128xf32, #tpu.memory_space<hbm>> -> memref<80x128xf32, #tpu.memory_space<hbm>>
      %dma_wait3A_226 = arith.constant 0 : i32
      %dma_wait3A_227 = tpu.memref_slice %arg6[%arg0, %add3A_74, %dma_wait3A_226] : memref<4x10240x128xf32, #tpu.memory_space<hbm>> -> memref<1x80x128xf32, #tpu.memory_space<hbm>>
      %dma_wait3A_228 = tpu.memref_squeeze %dma_wait3A_227 : memref<1x80x128xf32, #tpu.memory_space<hbm>> -> memref<80x128xf32, #tpu.memory_space<hbm>>
      tpu.wait_dma2 semaphore(%run_scoped3A : memref<!tpu.dma_semaphore, #tpu.memory_space<semaphore_mem>>) src(%arg11 : memref<80x128xf32, #tpu.memory_space<vmem>>) dst(%dma_wait3A_228 : memref<80x128xf32, #tpu.memory_space<hbm>>)
      tpu.yield
    }) : () -> ()
    %mul3A_75 = arith.constant 640 : i32
    %mul3A_76 = arith.muli %arg1, %mul3A_75 : i32
    %add3A_77 = arith.constant 80 : i32
    %add3A_78 = arith.addi %mul3A_76, %add3A_77 : i32
    "tpu.region"() ({
      %run_scoped3A = tpu.sem_alloc : memref<!tpu.dma_semaphore, #tpu.memory_space<semaphore_mem>>
      %dma_start3A_217 = arith.constant 0 : i32
      %dma_start3A_218 = tpu.memref_slice %arg13[%add3A_78, %dma_start3A_217] : memref<10240x128xf32, #tpu.memory_space<vmem_shared>> -> memref<80x128xf32, #tpu.memory_space<vmem_shared>>
      %dma_start3A_219 = arith.constant 0 : i32
      %dma_start3A_220 = tpu.memref_slice %arg13[%add3A_78, %dma_start3A_219] : memref<10240x128xf32, #tpu.memory_space<vmem_shared>> -> memref<80x128xf32, #tpu.memory_space<vmem_shared>>
      tpu.enqueue_dma source(%dma_start3A_220 : memref<80x128xf32, #tpu.memory_space<vmem_shared>>) target(%arg11 : memref<80x128xf32, #tpu.memory_space<vmem>>) target_semaphore(%run_scoped3A : memref<!tpu.dma_semaphore, #tpu.memory_space<semaphore_mem>>)
      %dma_wait3A_221 = arith.constant 0 : i32
      %dma_wait3A_222 = tpu.memref_slice %arg13[%add3A_78, %dma_wait3A_221] : memref<10240x128xf32, #tpu.memory_space<vmem_shared>> -> memref<80x128xf32, #tpu.memory_space<vmem_shared>>
      %dma_wait3A_223 = arith.constant 0 : i32
      %dma_wait3A_224 = tpu.memref_slice %arg13[%add3A_78, %dma_wait3A_223] : memref<10240x128xf32, #tpu.memory_space<vmem_shared>> -> memref<80x128xf32, #tpu.memory_space<vmem_shared>>
      tpu.wait_dma2 semaphore(%run_scoped3A : memref<!tpu.dma_semaphore, #tpu.memory_space<semaphore_mem>>) src(%dma_wait3A_224 : memref<80x128xf32, #tpu.memory_space<vmem_shared>>) dst(%arg11 : memref<80x128xf32, #tpu.memory_space<vmem>>)
      tpu.yield
    }) : () -> ()
    "tpu.region"() ({
      %run_scoped3A = tpu.sem_alloc : memref<!tpu.dma_semaphore, #tpu.memory_space<semaphore_mem>>
      %dma_start3A_217 = arith.constant 0 : i32
      %dma_start3A_218 = tpu.memref_slice %arg6[%arg0, %add3A_78, %dma_start3A_217] : memref<4x10240x128xf32, #tpu.memory_space<hbm>> -> memref<1x80x128xf32, #tpu.memory_space<hbm>>
      %dma_start3A_219 = tpu.memref_squeeze %dma_start3A_218 : memref<1x80x128xf32, #tpu.memory_space<hbm>> -> memref<80x128xf32, #tpu.memory_space<hbm>>
      %dma_start3A_220 = arith.constant 0 : i32
      %dma_start3A_221 = tpu.memref_slice %arg6[%arg0, %add3A_78, %dma_start3A_220] : memref<4x10240x128xf32, #tpu.memory_space<hbm>> -> memref<1x80x128xf32, #tpu.memory_space<hbm>>
      %dma_start3A_222 = tpu.memref_squeeze %dma_start3A_221 : memref<1x80x128xf32, #tpu.memory_space<hbm>> -> memref<80x128xf32, #tpu.memory_space<hbm>>
      tpu.enqueue_dma source(%arg11 : memref<80x128xf32, #tpu.memory_space<vmem>>) target(%dma_start3A_222 : memref<80x128xf32, #tpu.memory_space<hbm>>) target_semaphore(%run_scoped3A : memref<!tpu.dma_semaphore, #tpu.memory_space<semaphore_mem>>)
      %dma_wait3A_223 = arith.constant 0 : i32
      %dma_wait3A_224 = tpu.memref_slice %arg6[%arg0, %add3A_78, %dma_wait3A_223] : memref<4x10240x128xf32, #tpu.memory_space<hbm>> -> memref<1x80x128xf32, #tpu.memory_space<hbm>>
      %dma_wait3A_225 = tpu.memref_squeeze %dma_wait3A_224 : memref<1x80x128xf32, #tpu.memory_space<hbm>> -> memref<80x128xf32, #tpu.memory_space<hbm>>
      %dma_wait3A_226 = arith.constant 0 : i32
      %dma_wait3A_227 = tpu.memref_slice %arg6[%arg0, %add3A_78, %dma_wait3A_226] : memref<4x10240x128xf32, #tpu.memory_space<hbm>> -> memref<1x80x128xf32, #tpu.memory_space<hbm>>
      %dma_wait3A_228 = tpu.memref_squeeze %dma_wait3A_227 : memref<1x80x128xf32, #tpu.memory_space<hbm>> -> memref<80x128xf32, #tpu.memory_space<hbm>>
      tpu.wait_dma2 semaphore(%run_scoped3A : memref<!tpu.dma_semaphore, #tpu.memory_space<semaphore_mem>>) src(%arg11 : memref<80x128xf32, #tpu.memory_space<vmem>>) dst(%dma_wait3A_228 : memref<80x128xf32, #tpu.memory_space<hbm>>)
      tpu.yield
    }) : () -> ()
    %mul3A_79 = arith.constant 640 : i32
    %mul3A_80 = arith.muli %arg1, %mul3A_79 : i32
    %add3A_81 = arith.constant 160 : i32
    %add3A_82 = arith.addi %mul3A_80, %add3A_81 : i32
    "tpu.region"() ({
      %run_scoped3A = tpu.sem_alloc : memref<!tpu.dma_semaphore, #tpu.memory_space<semaphore_mem>>
      %dma_start3A_217 = arith.constant 0 : i32
      %dma_start3A_218 = tpu.memref_slice %arg13[%add3A_82, %dma_start3A_217] : memref<10240x128xf32, #tpu.memory_space<vmem_shared>> -> memref<80x128xf32, #tpu.memory_space<vmem_shared>>
      %dma_start3A_219 = arith.constant 0 : i32
      %dma_start3A_220 = tpu.memref_slice %arg13[%add3A_82, %dma_start3A_219] : memref<10240x128xf32, #tpu.memory_space<vmem_shared>> -> memref<80x128xf32, #tpu.memory_space<vmem_shared>>
      tpu.enqueue_dma source(%dma_start3A_220 : memref<80x128xf32, #tpu.memory_space<vmem_shared>>) target(%arg11 : memref<80x128xf32, #tpu.memory_space<vmem>>) target_semaphore(%run_scoped3A : memref<!tpu.dma_semaphore, #tpu.memory_space<semaphore_mem>>)
      %dma_wait3A_221 = arith.constant 0 : i32
      %dma_wait3A_222 = tpu.memref_slice %arg13[%add3A_82, %dma_wait3A_221] : memref<10240x128xf32, #tpu.memory_space<vmem_shared>> -> memref<80x128xf32, #tpu.memory_space<vmem_shared>>
      %dma_wait3A_223 = arith.constant 0 : i32
      %dma_wait3A_224 = tpu.memref_slice %arg13[%add3A_82, %dma_wait3A_223] : memref<10240x128xf32, #tpu.memory_space<vmem_shared>> -> memref<80x128xf32, #tpu.memory_space<vmem_shared>>
      tpu.wait_dma2 semaphore(%run_scoped3A : memref<!tpu.dma_semaphore, #tpu.memory_space<semaphore_mem>>) src(%dma_wait3A_224 : memref<80x128xf32, #tpu.memory_space<vmem_shared>>) dst(%arg11 : memref<80x128xf32, #tpu.memory_space<vmem>>)
      tpu.yield
    }) : () -> ()
    "tpu.region"() ({
      %run_scoped3A = tpu.sem_alloc : memref<!tpu.dma_semaphore, #tpu.memory_space<semaphore_mem>>
      %dma_start3A_217 = arith.constant 0 : i32
      %dma_start3A_218 = tpu.memref_slice %arg6[%arg0, %add3A_82, %dma_start3A_217] : memref<4x10240x128xf32, #tpu.memory_space<hbm>> -> memref<1x80x128xf32, #tpu.memory_space<hbm>>
      %dma_start3A_219 = tpu.memref_squeeze %dma_start3A_218 : memref<1x80x128xf32, #tpu.memory_space<hbm>> -> memref<80x128xf32, #tpu.memory_space<hbm>>
      %dma_start3A_220 = arith.constant 0 : i32
      %dma_start3A_221 = tpu.memref_slice %arg6[%arg0, %add3A_82, %dma_start3A_220] : memref<4x10240x128xf32, #tpu.memory_space<hbm>> -> memref<1x80x128xf32, #tpu.memory_space<hbm>>
      %dma_start3A_222 = tpu.memref_squeeze %dma_start3A_221 : memref<1x80x128xf32, #tpu.memory_space<hbm>> -> memref<80x128xf32, #tpu.memory_space<hbm>>
      tpu.enqueue_dma source(%arg11 : memref<80x128xf32, #tpu.memory_space<vmem>>) target(%dma_start3A_222 : memref<80x128xf32, #tpu.memory_space<hbm>>) target_semaphore(%run_scoped3A : memref<!tpu.dma_semaphore, #tpu.memory_space<semaphore_mem>>)
      %dma_wait3A_223 = arith.constant 0 : i32
      %dma_wait3A_224 = tpu.memref_slice %arg6[%arg0, %add3A_82, %dma_wait3A_223] : memref<4x10240x128xf32, #tpu.memory_space<hbm>> -> memref<1x80x128xf32, #tpu.memory_space<hbm>>
      %dma_wait3A_225 = tpu.memref_squeeze %dma_wait3A_224 : memref<1x80x128xf32, #tpu.memory_space<hbm>> -> memref<80x128xf32, #tpu.memory_space<hbm>>
      %dma_wait3A_226 = arith.constant 0 : i32
      %dma_wait3A_227 = tpu.memref_slice %arg6[%arg0, %add3A_82, %dma_wait3A_226] : memref<4x10240x128xf32, #tpu.memory_space<hbm>> -> memref<1x80x128xf32, #tpu.memory_space<hbm>>
      %dma_wait3A_228 = tpu.memref_squeeze %dma_wait3A_227 : memref<1x80x128xf32, #tpu.memory_space<hbm>> -> memref<80x128xf32, #tpu.memory_space<hbm>>
      tpu.wait_dma2 semaphore(%run_scoped3A : memref<!tpu.dma_semaphore, #tpu.memory_space<semaphore_mem>>) src(%arg11 : memref<80x128xf32, #tpu.memory_space<vmem>>) dst(%dma_wait3A_228 : memref<80x128xf32, #tpu.memory_space<hbm>>)
      tpu.yield
    }) : () -> ()
    %mul3A_83 = arith.constant 640 : i32
    %mul3A_84 = arith.muli %arg1, %mul3A_83 : i32
    %add3A_85 = arith.constant 240 : i32
    %add3A_86 = arith.addi %mul3A_84, %add3A_85 : i32
    "tpu.region"() ({
      %run_scoped3A = tpu.sem_alloc : memref<!tpu.dma_semaphore, #tpu.memory_space<semaphore_mem>>
      %dma_start3A_217 = arith.constant 0 : i32
      %dma_start3A_218 = tpu.memref_slice %arg13[%add3A_86, %dma_start3A_217] : memref<10240x128xf32, #tpu.memory_space<vmem_shared>> -> memref<80x128xf32, #tpu.memory_space<vmem_shared>>
      %dma_start3A_219 = arith.constant 0 : i32
      %dma_start3A_220 = tpu.memref_slice %arg13[%add3A_86, %dma_start3A_219] : memref<10240x128xf32, #tpu.memory_space<vmem_shared>> -> memref<80x128xf32, #tpu.memory_space<vmem_shared>>
      tpu.enqueue_dma source(%dma_start3A_220 : memref<80x128xf32, #tpu.memory_space<vmem_shared>>) target(%arg11 : memref<80x128xf32, #tpu.memory_space<vmem>>) target_semaphore(%run_scoped3A : memref<!tpu.dma_semaphore, #tpu.memory_space<semaphore_mem>>)
      %dma_wait3A_221 = arith.constant 0 : i32
      %dma_wait3A_222 = tpu.memref_slice %arg13[%add3A_86, %dma_wait3A_221] : memref<10240x128xf32, #tpu.memory_space<vmem_shared>> -> memref<80x128xf32, #tpu.memory_space<vmem_shared>>
      %dma_wait3A_223 = arith.constant 0 : i32
      %dma_wait3A_224 = tpu.memref_slice %arg13[%add3A_86, %dma_wait3A_223] : memref<10240x128xf32, #tpu.memory_space<vmem_shared>> -> memref<80x128xf32, #tpu.memory_space<vmem_shared>>
      tpu.wait_dma2 semaphore(%run_scoped3A : memref<!tpu.dma_semaphore, #tpu.memory_space<semaphore_mem>>) src(%dma_wait3A_224 : memref<80x128xf32, #tpu.memory_space<vmem_shared>>) dst(%arg11 : memref<80x128xf32, #tpu.memory_space<vmem>>)
      tpu.yield
    }) : () -> ()
    "tpu.region"() ({
      %run_scoped3A = tpu.sem_alloc : memref<!tpu.dma_semaphore, #tpu.memory_space<semaphore_mem>>
      %dma_start3A_217 = arith.constant 0 : i32
      %dma_start3A_218 = tpu.memref_slice %arg6[%arg0, %add3A_86, %dma_start3A_217] : memref<4x10240x128xf32, #tpu.memory_space<hbm>> -> memref<1x80x128xf32, #tpu.memory_space<hbm>>
      %dma_start3A_219 = tpu.memref_squeeze %dma_start3A_218 : memref<1x80x128xf32, #tpu.memory_space<hbm>> -> memref<80x128xf32, #tpu.memory_space<hbm>>
      %dma_start3A_220 = arith.constant 0 : i32
      %dma_start3A_221 = tpu.memref_slice %arg6[%arg0, %add3A_86, %dma_start3A_220] : memref<4x10240x128xf32, #tpu.memory_space<hbm>> -> memref<1x80x128xf32, #tpu.memory_space<hbm>>
      %dma_start3A_222 = tpu.memref_squeeze %dma_start3A_221 : memref<1x80x128xf32, #tpu.memory_space<hbm>> -> memref<80x128xf32, #tpu.memory_space<hbm>>
      tpu.enqueue_dma source(%arg11 : memref<80x128xf32, #tpu.memory_space<vmem>>) target(%dma_start3A_222 : memref<80x128xf32, #tpu.memory_space<hbm>>) target_semaphore(%run_scoped3A : memref<!tpu.dma_semaphore, #tpu.memory_space<semaphore_mem>>)
      %dma_wait3A_223 = arith.constant 0 : i32
      %dma_wait3A_224 = tpu.memref_slice %arg6[%arg0, %add3A_86, %dma_wait3A_223] : memref<4x10240x128xf32, #tpu.memory_space<hbm>> -> memref<1x80x128xf32, #tpu.memory_space<hbm>>
      %dma_wait3A_225 = tpu.memref_squeeze %dma_wait3A_224 : memref<1x80x128xf32, #tpu.memory_space<hbm>> -> memref<80x128xf32, #tpu.memory_space<hbm>>
      %dma_wait3A_226 = arith.constant 0 : i32
      %dma_wait3A_227 = tpu.memref_slice %arg6[%arg0, %add3A_86, %dma_wait3A_226] : memref<4x10240x128xf32, #tpu.memory_space<hbm>> -> memref<1x80x128xf32, #tpu.memory_space<hbm>>
      %dma_wait3A_228 = tpu.memref_squeeze %dma_wait3A_227 : memref<1x80x128xf32, #tpu.memory_space<hbm>> -> memref<80x128xf32, #tpu.memory_space<hbm>>
      tpu.wait_dma2 semaphore(%run_scoped3A : memref<!tpu.dma_semaphore, #tpu.memory_space<semaphore_mem>>) src(%arg11 : memref<80x128xf32, #tpu.memory_space<vmem>>) dst(%dma_wait3A_228 : memref<80x128xf32, #tpu.memory_space<hbm>>)
      tpu.yield
    }) : () -> ()
    %mul3A_87 = arith.constant 640 : i32
    %mul3A_88 = arith.muli %arg1, %mul3A_87 : i32
    %add3A_89 = arith.constant 320 : i32
    %add3A_90 = arith.addi %mul3A_88, %add3A_89 : i32
    "tpu.region"() ({
      %run_scoped3A = tpu.sem_alloc : memref<!tpu.dma_semaphore, #tpu.memory_space<semaphore_mem>>
      %dma_start3A_217 = arith.constant 0 : i32
      %dma_start3A_218 = tpu.memref_slice %arg13[%add3A_90, %dma_start3A_217] : memref<10240x128xf32, #tpu.memory_space<vmem_shared>> -> memref<80x128xf32, #tpu.memory_space<vmem_shared>>
      %dma_start3A_219 = arith.constant 0 : i32
      %dma_start3A_220 = tpu.memref_slice %arg13[%add3A_90, %dma_start3A_219] : memref<10240x128xf32, #tpu.memory_space<vmem_shared>> -> memref<80x128xf32, #tpu.memory_space<vmem_shared>>
      tpu.enqueue_dma source(%dma_start3A_220 : memref<80x128xf32, #tpu.memory_space<vmem_shared>>) target(%arg11 : memref<80x128xf32, #tpu.memory_space<vmem>>) target_semaphore(%run_scoped3A : memref<!tpu.dma_semaphore, #tpu.memory_space<semaphore_mem>>)
      %dma_wait3A_221 = arith.constant 0 : i32
      %dma_wait3A_222 = tpu.memref_slice %arg13[%add3A_90, %dma_wait3A_221] : memref<10240x128xf32, #tpu.memory_space<vmem_shared>> -> memref<80x128xf32, #tpu.memory_space<vmem_shared>>
      %dma_wait3A_223 = arith.constant 0 : i32
      %dma_wait3A_224 = tpu.memref_slice %arg13[%add3A_90, %dma_wait3A_223] : memref<10240x128xf32, #tpu.memory_space<vmem_shared>> -> memref<80x128xf32, #tpu.memory_space<vmem_shared>>
      tpu.wait_dma2 semaphore(%run_scoped3A : memref<!tpu.dma_semaphore, #tpu.memory_space<semaphore_mem>>) src(%dma_wait3A_224 : memref<80x128xf32, #tpu.memory_space<vmem_shared>>) dst(%arg11 : memref<80x128xf32, #tpu.memory_space<vmem>>)
      tpu.yield
    }) : () -> ()
    "tpu.region"() ({
      %run_scoped3A = tpu.sem_alloc : memref<!tpu.dma_semaphore, #tpu.memory_space<semaphore_mem>>
      %dma_start3A_217 = arith.constant 0 : i32
      %dma_start3A_218 = tpu.memref_slice %arg6[%arg0, %add3A_90, %dma_start3A_217] : memref<4x10240x128xf32, #tpu.memory_space<hbm>> -> memref<1x80x128xf32, #tpu.memory_space<hbm>>
      %dma_start3A_219 = tpu.memref_squeeze %dma_start3A_218 : memref<1x80x128xf32, #tpu.memory_space<hbm>> -> memref<80x128xf32, #tpu.memory_space<hbm>>
      %dma_start3A_220 = arith.constant 0 : i32
      %dma_start3A_221 = tpu.memref_slice %arg6[%arg0, %add3A_90, %dma_start3A_220] : memref<4x10240x128xf32, #tpu.memory_space<hbm>> -> memref<1x80x128xf32, #tpu.memory_space<hbm>>
      %dma_start3A_222 = tpu.memref_squeeze %dma_start3A_221 : memref<1x80x128xf32, #tpu.memory_space<hbm>> -> memref<80x128xf32, #tpu.memory_space<hbm>>
      tpu.enqueue_dma source(%arg11 : memref<80x128xf32, #tpu.memory_space<vmem>>) target(%dma_start3A_222 : memref<80x128xf32, #tpu.memory_space<hbm>>) target_semaphore(%run_scoped3A : memref<!tpu.dma_semaphore, #tpu.memory_space<semaphore_mem>>)
      %dma_wait3A_223 = arith.constant 0 : i32
      %dma_wait3A_224 = tpu.memref_slice %arg6[%arg0, %add3A_90, %dma_wait3A_223] : memref<4x10240x128xf32, #tpu.memory_space<hbm>> -> memref<1x80x128xf32, #tpu.memory_space<hbm>>
      %dma_wait3A_225 = tpu.memref_squeeze %dma_wait3A_224 : memref<1x80x128xf32, #tpu.memory_space<hbm>> -> memref<80x128xf32, #tpu.memory_space<hbm>>
      %dma_wait3A_226 = arith.constant 0 : i32
      %dma_wait3A_227 = tpu.memref_slice %arg6[%arg0, %add3A_90, %dma_wait3A_226] : memref<4x10240x128xf32, #tpu.memory_space<hbm>> -> memref<1x80x128xf32, #tpu.memory_space<hbm>>
      %dma_wait3A_228 = tpu.memref_squeeze %dma_wait3A_227 : memref<1x80x128xf32, #tpu.memory_space<hbm>> -> memref<80x128xf32, #tpu.memory_space<hbm>>
      tpu.wait_dma2 semaphore(%run_scoped3A : memref<!tpu.dma_semaphore, #tpu.memory_space<semaphore_mem>>) src(%arg11 : memref<80x128xf32, #tpu.memory_space<vmem>>) dst(%dma_wait3A_228 : memref<80x128xf32, #tpu.memory_space<hbm>>)
      tpu.yield
    }) : () -> ()
    %mul3A_91 = arith.constant 640 : i32
    %mul3A_92 = arith.muli %arg1, %mul3A_91 : i32
    %add3A_93 = arith.constant 400 : i32
    %add3A_94 = arith.addi %mul3A_92, %add3A_93 : i32
    "tpu.region"() ({
      %run_scoped3A = tpu.sem_alloc : memref<!tpu.dma_semaphore, #tpu.memory_space<semaphore_mem>>
      %dma_start3A_217 = arith.constant 0 : i32
      %dma_start3A_218 = tpu.memref_slice %arg13[%add3A_94, %dma_start3A_217] : memref<10240x128xf32, #tpu.memory_space<vmem_shared>> -> memref<80x128xf32, #tpu.memory_space<vmem_shared>>
      %dma_start3A_219 = arith.constant 0 : i32
      %dma_start3A_220 = tpu.memref_slice %arg13[%add3A_94, %dma_start3A_219] : memref<10240x128xf32, #tpu.memory_space<vmem_shared>> -> memref<80x128xf32, #tpu.memory_space<vmem_shared>>
      tpu.enqueue_dma source(%dma_start3A_220 : memref<80x128xf32, #tpu.memory_space<vmem_shared>>) target(%arg11 : memref<80x128xf32, #tpu.memory_space<vmem>>) target_semaphore(%run_scoped3A : memref<!tpu.dma_semaphore, #tpu.memory_space<semaphore_mem>>)
      %dma_wait3A_221 = arith.constant 0 : i32
      %dma_wait3A_222 = tpu.memref_slice %arg13[%add3A_94, %dma_wait3A_221] : memref<10240x128xf32, #tpu.memory_space<vmem_shared>> -> memref<80x128xf32, #tpu.memory_space<vmem_shared>>
      %dma_wait3A_223 = arith.constant 0 : i32
      %dma_wait3A_224 = tpu.memref_slice %arg13[%add3A_94, %dma_wait3A_223] : memref<10240x128xf32, #tpu.memory_space<vmem_shared>> -> memref<80x128xf32, #tpu.memory_space<vmem_shared>>
      tpu.wait_dma2 semaphore(%run_scoped3A : memref<!tpu.dma_semaphore, #tpu.memory_space<semaphore_mem>>) src(%dma_wait3A_224 : memref<80x128xf32, #tpu.memory_space<vmem_shared>>) dst(%arg11 : memref<80x128xf32, #tpu.memory_space<vmem>>)
      tpu.yield
    }) : () -> ()
    "tpu.region"() ({
      %run_scoped3A = tpu.sem_alloc : memref<!tpu.dma_semaphore, #tpu.memory_space<semaphore_mem>>
      %dma_start3A_217 = arith.constant 0 : i32
      %dma_start3A_218 = tpu.memref_slice %arg6[%arg0, %add3A_94, %dma_start3A_217] : memref<4x10240x128xf32, #tpu.memory_space<hbm>> -> memref<1x80x128xf32, #tpu.memory_space<hbm>>
      %dma_start3A_219 = tpu.memref_squeeze %dma_start3A_218 : memref<1x80x128xf32, #tpu.memory_space<hbm>> -> memref<80x128xf32, #tpu.memory_space<hbm>>
      %dma_start3A_220 = arith.constant 0 : i32
      %dma_start3A_221 = tpu.memref_slice %arg6[%arg0, %add3A_94, %dma_start3A_220] : memref<4x10240x128xf32, #tpu.memory_space<hbm>> -> memref<1x80x128xf32, #tpu.memory_space<hbm>>
      %dma_start3A_222 = tpu.memref_squeeze %dma_start3A_221 : memref<1x80x128xf32, #tpu.memory_space<hbm>> -> memref<80x128xf32, #tpu.memory_space<hbm>>
      tpu.enqueue_dma source(%arg11 : memref<80x128xf32, #tpu.memory_space<vmem>>) target(%dma_start3A_222 : memref<80x128xf32, #tpu.memory_space<hbm>>) target_semaphore(%run_scoped3A : memref<!tpu.dma_semaphore, #tpu.memory_space<semaphore_mem>>)
      %dma_wait3A_223 = arith.constant 0 : i32
      %dma_wait3A_224 = tpu.memref_slice %arg6[%arg0, %add3A_94, %dma_wait3A_223] : memref<4x10240x128xf32, #tpu.memory_space<hbm>> -> memref<1x80x128xf32, #tpu.memory_space<hbm>>
      %dma_wait3A_225 = tpu.memref_squeeze %dma_wait3A_224 : memref<1x80x128xf32, #tpu.memory_space<hbm>> -> memref<80x128xf32, #tpu.memory_space<hbm>>
      %dma_wait3A_226 = arith.constant 0 : i32
      %dma_wait3A_227 = tpu.memref_slice %arg6[%arg0, %add3A_94, %dma_wait3A_226] : memref<4x10240x128xf32, #tpu.memory_space<hbm>> -> memref<1x80x128xf32, #tpu.memory_space<hbm>>
      %dma_wait3A_228 = tpu.memref_squeeze %dma_wait3A_227 : memref<1x80x128xf32, #tpu.memory_space<hbm>> -> memref<80x128xf32, #tpu.memory_space<hbm>>
      tpu.wait_dma2 semaphore(%run_scoped3A : memref<!tpu.dma_semaphore, #tpu.memory_space<semaphore_mem>>) src(%arg11 : memref<80x128xf32, #tpu.memory_space<vmem>>) dst(%dma_wait3A_228 : memref<80x128xf32, #tpu.memory_space<hbm>>)
      tpu.yield
    }) : () -> ()
    %mul3A_95 = arith.constant 640 : i32
    %mul3A_96 = arith.muli %arg1, %mul3A_95 : i32
    %add3A_97 = arith.constant 480 : i32
    %add3A_98 = arith.addi %mul3A_96, %add3A_97 : i32
    "tpu.region"() ({
      %run_scoped3A = tpu.sem_alloc : memref<!tpu.dma_semaphore, #tpu.memory_space<semaphore_mem>>
      %dma_start3A_217 = arith.constant 0 : i32
      %dma_start3A_218 = tpu.memref_slice %arg13[%add3A_98, %dma_start3A_217] : memref<10240x128xf32, #tpu.memory_space<vmem_shared>> -> memref<80x128xf32, #tpu.memory_space<vmem_shared>>
      %dma_start3A_219 = arith.constant 0 : i32
      %dma_start3A_220 = tpu.memref_slice %arg13[%add3A_98, %dma_start3A_219] : memref<10240x128xf32, #tpu.memory_space<vmem_shared>> -> memref<80x128xf32, #tpu.memory_space<vmem_shared>>
      tpu.enqueue_dma source(%dma_start3A_220 : memref<80x128xf32, #tpu.memory_space<vmem_shared>>) target(%arg11 : memref<80x128xf32, #tpu.memory_space<vmem>>) target_semaphore(%run_scoped3A : memref<!tpu.dma_semaphore, #tpu.memory_space<semaphore_mem>>)
      %dma_wait3A_221 = arith.constant 0 : i32
      %dma_wait3A_222 = tpu.memref_slice %arg13[%add3A_98, %dma_wait3A_221] : memref<10240x128xf32, #tpu.memory_space<vmem_shared>> -> memref<80x128xf32, #tpu.memory_space<vmem_shared>>
      %dma_wait3A_223 = arith.constant 0 : i32
      %dma_wait3A_224 = tpu.memref_slice %arg13[%add3A_98, %dma_wait3A_223] : memref<10240x128xf32, #tpu.memory_space<vmem_shared>> -> memref<80x128xf32, #tpu.memory_space<vmem_shared>>
      tpu.wait_dma2 semaphore(%run_scoped3A : memref<!tpu.dma_semaphore, #tpu.memory_space<semaphore_mem>>) src(%dma_wait3A_224 : memref<80x128xf32, #tpu.memory_space<vmem_shared>>) dst(%arg11 : memref<80x128xf32, #tpu.memory_space<vmem>>)
      tpu.yield
    }) : () -> ()
    "tpu.region"() ({
      %run_scoped3A = tpu.sem_alloc : memref<!tpu.dma_semaphore, #tpu.memory_space<semaphore_mem>>
      %dma_start3A_217 = arith.constant 0 : i32
      %dma_start3A_218 = tpu.memref_slice %arg6[%arg0, %add3A_98, %dma_start3A_217] : memref<4x10240x128xf32, #tpu.memory_space<hbm>> -> memref<1x80x128xf32, #tpu.memory_space<hbm>>
      %dma_start3A_219 = tpu.memref_squeeze %dma_start3A_218 : memref<1x80x128xf32, #tpu.memory_space<hbm>> -> memref<80x128xf32, #tpu.memory_space<hbm>>
      %dma_start3A_220 = arith.constant 0 : i32
      %dma_start3A_221 = tpu.memref_slice %arg6[%arg0, %add3A_98, %dma_start3A_220] : memref<4x10240x128xf32, #tpu.memory_space<hbm>> -> memref<1x80x128xf32, #tpu.memory_space<hbm>>
      %dma_start3A_222 = tpu.memref_squeeze %dma_start3A_221 : memref<1x80x128xf32, #tpu.memory_space<hbm>> -> memref<80x128xf32, #tpu.memory_space<hbm>>
      tpu.enqueue_dma source(%arg11 : memref<80x128xf32, #tpu.memory_space<vmem>>) target(%dma_start3A_222 : memref<80x128xf32, #tpu.memory_space<hbm>>) target_semaphore(%run_scoped3A : memref<!tpu.dma_semaphore, #tpu.memory_space<semaphore_mem>>)
      %dma_wait3A_223 = arith.constant 0 : i32
      %dma_wait3A_224 = tpu.memref_slice %arg6[%arg0, %add3A_98, %dma_wait3A_223] : memref<4x10240x128xf32, #tpu.memory_space<hbm>> -> memref<1x80x128xf32, #tpu.memory_space<hbm>>
      %dma_wait3A_225 = tpu.memref_squeeze %dma_wait3A_224 : memref<1x80x128xf32, #tpu.memory_space<hbm>> -> memref<80x128xf32, #tpu.memory_space<hbm>>
      %dma_wait3A_226 = arith.constant 0 : i32
      %dma_wait3A_227 = tpu.memref_slice %arg6[%arg0, %add3A_98, %dma_wait3A_226] : memref<4x10240x128xf32, #tpu.memory_space<hbm>> -> memref<1x80x128xf32, #tpu.memory_space<hbm>>
      %dma_wait3A_228 = tpu.memref_squeeze %dma_wait3A_227 : memref<1x80x128xf32, #tpu.memory_space<hbm>> -> memref<80x128xf32, #tpu.memory_space<hbm>>
      tpu.wait_dma2 semaphore(%run_scoped3A : memref<!tpu.dma_semaphore, #tpu.memory_space<semaphore_mem>>) src(%arg11 : memref<80x128xf32, #tpu.memory_space<vmem>>) dst(%dma_wait3A_228 : memref<80x128xf32, #tpu.memory_space<hbm>>)
      tpu.yield
    }) : () -> ()
    %mul3A_99 = arith.constant 640 : i32
    %mul3A_100 = arith.muli %arg1, %mul3A_99 : i32
    %add3A_101 = arith.constant 560 : i32
    %add3A_102 = arith.addi %mul3A_100, %add3A_101 : i32
    "tpu.region"() ({
      %run_scoped3A = tpu.sem_alloc : memref<!tpu.dma_semaphore, #tpu.memory_space<semaphore_mem>>
      %dma_start3A_217 = arith.constant 0 : i32
      %dma_start3A_218 = tpu.memref_slice %arg13[%add3A_102, %dma_start3A_217] : memref<10240x128xf32, #tpu.memory_space<vmem_shared>> -> memref<80x128xf32, #tpu.memory_space<vmem_shared>>
      %dma_start3A_219 = arith.constant 0 : i32
      %dma_start3A_220 = tpu.memref_slice %arg13[%add3A_102, %dma_start3A_219] : memref<10240x128xf32, #tpu.memory_space<vmem_shared>> -> memref<80x128xf32, #tpu.memory_space<vmem_shared>>
      tpu.enqueue_dma source(%dma_start3A_220 : memref<80x128xf32, #tpu.memory_space<vmem_shared>>) target(%arg11 : memref<80x128xf32, #tpu.memory_space<vmem>>) target_semaphore(%run_scoped3A : memref<!tpu.dma_semaphore, #tpu.memory_space<semaphore_mem>>)
      %dma_wait3A_221 = arith.constant 0 : i32
      %dma_wait3A_222 = tpu.memref_slice %arg13[%add3A_102, %dma_wait3A_221] : memref<10240x128xf32, #tpu.memory_space<vmem_shared>> -> memref<80x128xf32, #tpu.memory_space<vmem_shared>>
      %dma_wait3A_223 = arith.constant 0 : i32
      %dma_wait3A_224 = tpu.memref_slice %arg13[%add3A_102, %dma_wait3A_223] : memref<10240x128xf32, #tpu.memory_space<vmem_shared>> -> memref<80x128xf32, #tpu.memory_space<vmem_shared>>
      tpu.wait_dma2 semaphore(%run_scoped3A : memref<!tpu.dma_semaphore, #tpu.memory_space<semaphore_mem>>) src(%dma_wait3A_224 : memref<80x128xf32, #tpu.memory_space<vmem_shared>>) dst(%arg11 : memref<80x128xf32, #tpu.memory_space<vmem>>)
      tpu.yield
    }) : () -> ()
    "tpu.region"() ({
      %run_scoped3A = tpu.sem_alloc : memref<!tpu.dma_semaphore, #tpu.memory_space<semaphore_mem>>
      %dma_start3A_217 = arith.constant 0 : i32
      %dma_start3A_218 = tpu.memref_slice %arg6[%arg0, %add3A_102, %dma_start3A_217] : memref<4x10240x128xf32, #tpu.memory_space<hbm>> -> memref<1x80x128xf32, #tpu.memory_space<hbm>>
      %dma_start3A_219 = tpu.memref_squeeze %dma_start3A_218 : memref<1x80x128xf32, #tpu.memory_space<hbm>> -> memref<80x128xf32, #tpu.memory_space<hbm>>
      %dma_start3A_220 = arith.constant 0 : i32
      %dma_start3A_221 = tpu.memref_slice %arg6[%arg0, %add3A_102, %dma_start3A_220] : memref<4x10240x128xf32, #tpu.memory_space<hbm>> -> memref<1x80x128xf32, #tpu.memory_space<hbm>>
      %dma_start3A_222 = tpu.memref_squeeze %dma_start3A_221 : memref<1x80x128xf32, #tpu.memory_space<hbm>> -> memref<80x128xf32, #tpu.memory_space<hbm>>
      tpu.enqueue_dma source(%arg11 : memref<80x128xf32, #tpu.memory_space<vmem>>) target(%dma_start3A_222 : memref<80x128xf32, #tpu.memory_space<hbm>>) target_semaphore(%run_scoped3A : memref<!tpu.dma_semaphore, #tpu.memory_space<semaphore_mem>>)
      %dma_wait3A_223 = arith.constant 0 : i32
      %dma_wait3A_224 = tpu.memref_slice %arg6[%arg0, %add3A_102, %dma_wait3A_223] : memref<4x10240x128xf32, #tpu.memory_space<hbm>> -> memref<1x80x128xf32, #tpu.memory_space<hbm>>
      %dma_wait3A_225 = tpu.memref_squeeze %dma_wait3A_224 : memref<1x80x128xf32, #tpu.memory_space<hbm>> -> memref<80x128xf32, #tpu.memory_space<hbm>>
      %dma_wait3A_226 = arith.constant 0 : i32
      %dma_wait3A_227 = tpu.memref_slice %arg6[%arg0, %add3A_102, %dma_wait3A_226] : memref<4x10240x128xf32, #tpu.memory_space<hbm>> -> memref<1x80x128xf32, #tpu.memory_space<hbm>>
      %dma_wait3A_228 = tpu.memref_squeeze %dma_wait3A_227 : memref<1x80x128xf32, #tpu.memory_space<hbm>> -> memref<80x128xf32, #tpu.memory_space<hbm>>
      tpu.wait_dma2 semaphore(%run_scoped3A : memref<!tpu.dma_semaphore, #tpu.memory_space<semaphore_mem>>) src(%arg11 : memref<80x128xf32, #tpu.memory_space<vmem>>) dst(%dma_wait3A_228 : memref<80x128xf32, #tpu.memory_space<hbm>>)
      tpu.yield
    }) : () -> ()
    "tpu.region"() ({
      %run_scoped3A = tpu.sem_alloc : memref<!tpu.dma_semaphore, #tpu.memory_space<semaphore_mem>>
      tpu.enqueue_dma source(%arg5 : memref<80x128xf32, #tpu.memory_space<hbm>>) target(%arg11 : memref<80x128xf32, #tpu.memory_space<vmem>>) target_semaphore(%run_scoped3A : memref<!tpu.dma_semaphore, #tpu.memory_space<semaphore_mem>>)
      tpu.wait_dma2 semaphore(%run_scoped3A : memref<!tpu.dma_semaphore, #tpu.memory_space<semaphore_mem>>) src(%arg5 : memref<80x128xf32, #tpu.memory_space<hbm>>) dst(%arg11 : memref<80x128xf32, #tpu.memory_space<vmem>>)
      tpu.yield
    }) : () -> ()
    %mul3A_103 = arith.constant 640 : i32
    %mul3A_104 = arith.muli %arg1, %mul3A_103 : i32
    %add3A_105 = arith.constant 0 : i32
    %add3A_106 = arith.addi %mul3A_104, %add3A_105 : i32
    "tpu.region"() ({
      %run_scoped3A = tpu.sem_alloc : memref<!tpu.dma_semaphore, #tpu.memory_space<semaphore_mem>>
      %dma_start3A_217 = arith.constant 0 : i32
      %dma_start3A_218 = tpu.memref_slice %arg13[%add3A_106, %dma_start3A_217] : memref<10240x128xf32, #tpu.memory_space<vmem_shared>> -> memref<80x128xf32, #tpu.memory_space<vmem_shared>>
      %dma_start3A_219 = arith.constant 0 : i32
      %dma_start3A_220 = tpu.memref_slice %arg13[%add3A_106, %dma_start3A_219] : memref<10240x128xf32, #tpu.memory_space<vmem_shared>> -> memref<80x128xf32, #tpu.memory_space<vmem_shared>>
      tpu.enqueue_dma source(%arg11 : memref<80x128xf32, #tpu.memory_space<vmem>>) target(%dma_start3A_220 : memref<80x128xf32, #tpu.memory_space<vmem_shared>>) target_semaphore(%run_scoped3A : memref<!tpu.dma_semaphore, #tpu.memory_space<semaphore_mem>>)
      %dma_wait3A_221 = arith.constant 0 : i32
      %dma_wait3A_222 = tpu.memref_slice %arg13[%add3A_106, %dma_wait3A_221] : memref<10240x128xf32, #tpu.memory_space<vmem_shared>> -> memref<80x128xf32, #tpu.memory_space<vmem_shared>>
      %dma_wait3A_223 = arith.constant 0 : i32
      %dma_wait3A_224 = tpu.memref_slice %arg13[%add3A_106, %dma_wait3A_223] : memref<10240x128xf32, #tpu.memory_space<vmem_shared>> -> memref<80x128xf32, #tpu.memory_space<vmem_shared>>
      tpu.wait_dma2 semaphore(%run_scoped3A : memref<!tpu.dma_semaphore, #tpu.memory_space<semaphore_mem>>) src(%arg11 : memref<80x128xf32, #tpu.memory_space<vmem>>) dst(%dma_wait3A_224 : memref<80x128xf32, #tpu.memory_space<vmem_shared>>)
      tpu.yield
    }) : () -> ()
    %mul3A_107 = arith.constant 640 : i32
    %mul3A_108 = arith.muli %arg1, %mul3A_107 : i32
    %add3A_109 = arith.constant 80 : i32
    %add3A_110 = arith.addi %mul3A_108, %add3A_109 : i32
    "tpu.region"() ({
      %run_scoped3A = tpu.sem_alloc : memref<!tpu.dma_semaphore, #tpu.memory_space<semaphore_mem>>
      %dma_start3A_217 = arith.constant 0 : i32
      %dma_start3A_218 = tpu.memref_slice %arg13[%add3A_110, %dma_start3A_217] : memref<10240x128xf32, #tpu.memory_space<vmem_shared>> -> memref<80x128xf32, #tpu.memory_space<vmem_shared>>
      %dma_start3A_219 = arith.constant 0 : i32
      %dma_start3A_220 = tpu.memref_slice %arg13[%add3A_110, %dma_start3A_219] : memref<10240x128xf32, #tpu.memory_space<vmem_shared>> -> memref<80x128xf32, #tpu.memory_space<vmem_shared>>
      tpu.enqueue_dma source(%arg11 : memref<80x128xf32, #tpu.memory_space<vmem>>) target(%dma_start3A_220 : memref<80x128xf32, #tpu.memory_space<vmem_shared>>) target_semaphore(%run_scoped3A : memref<!tpu.dma_semaphore, #tpu.memory_space<semaphore_mem>>)
      %dma_wait3A_221 = arith.constant 0 : i32
      %dma_wait3A_222 = tpu.memref_slice %arg13[%add3A_110, %dma_wait3A_221] : memref<10240x128xf32, #tpu.memory_space<vmem_shared>> -> memref<80x128xf32, #tpu.memory_space<vmem_shared>>
      %dma_wait3A_223 = arith.constant 0 : i32
      %dma_wait3A_224 = tpu.memref_slice %arg13[%add3A_110, %dma_wait3A_223] : memref<10240x128xf32, #tpu.memory_space<vmem_shared>> -> memref<80x128xf32, #tpu.memory_space<vmem_shared>>
      tpu.wait_dma2 semaphore(%run_scoped3A : memref<!tpu.dma_semaphore, #tpu.memory_space<semaphore_mem>>) src(%arg11 : memref<80x128xf32, #tpu.memory_space<vmem>>) dst(%dma_wait3A_224 : memref<80x128xf32, #tpu.memory_space<vmem_shared>>)
      tpu.yield
    }) : () -> ()
    %mul3A_111 = arith.constant 640 : i32
    %mul3A_112 = arith.muli %arg1, %mul3A_111 : i32
    %add3A_113 = arith.constant 160 : i32
    %add3A_114 = arith.addi %mul3A_112, %add3A_113 : i32
    "tpu.region"() ({
      %run_scoped3A = tpu.sem_alloc : memref<!tpu.dma_semaphore, #tpu.memory_space<semaphore_mem>>
      %dma_start3A_217 = arith.constant 0 : i32
      %dma_start3A_218 = tpu.memref_slice %arg13[%add3A_114, %dma_start3A_217] : memref<10240x128xf32, #tpu.memory_space<vmem_shared>> -> memref<80x128xf32, #tpu.memory_space<vmem_shared>>
      %dma_start3A_219 = arith.constant 0 : i32
      %dma_start3A_220 = tpu.memref_slice %arg13[%add3A_114, %dma_start3A_219] : memref<10240x128xf32, #tpu.memory_space<vmem_shared>> -> memref<80x128xf32, #tpu.memory_space<vmem_shared>>
      tpu.enqueue_dma source(%arg11 : memref<80x128xf32, #tpu.memory_space<vmem>>) target(%dma_start3A_220 : memref<80x128xf32, #tpu.memory_space<vmem_shared>>) target_semaphore(%run_scoped3A : memref<!tpu.dma_semaphore, #tpu.memory_space<semaphore_mem>>)
      %dma_wait3A_221 = arith.constant 0 : i32
      %dma_wait3A_222 = tpu.memref_slice %arg13[%add3A_114, %dma_wait3A_221] : memref<10240x128xf32, #tpu.memory_space<vmem_shared>> -> memref<80x128xf32, #tpu.memory_space<vmem_shared>>
      %dma_wait3A_223 = arith.constant 0 : i32
      %dma_wait3A_224 = tpu.memref_slice %arg13[%add3A_114, %dma_wait3A_223] : memref<10240x128xf32, #tpu.memory_space<vmem_shared>> -> memref<80x128xf32, #tpu.memory_space<vmem_shared>>
      tpu.wait_dma2 semaphore(%run_scoped3A : memref<!tpu.dma_semaphore, #tpu.memory_space<semaphore_mem>>) src(%arg11 : memref<80x128xf32, #tpu.memory_space<vmem>>) dst(%dma_wait3A_224 : memref<80x128xf32, #tpu.memory_space<vmem_shared>>)
      tpu.yield
    }) : () -> ()
    %mul3A_115 = arith.constant 640 : i32
    %mul3A_116 = arith.muli %arg1, %mul3A_115 : i32
    %add3A_117 = arith.constant 240 : i32
    %add3A_118 = arith.addi %mul3A_116, %add3A_117 : i32
    "tpu.region"() ({
      %run_scoped3A = tpu.sem_alloc : memref<!tpu.dma_semaphore, #tpu.memory_space<semaphore_mem>>
      %dma_start3A_217 = arith.constant 0 : i32
      %dma_start3A_218 = tpu.memref_slice %arg13[%add3A_118, %dma_start3A_217] : memref<10240x128xf32, #tpu.memory_space<vmem_shared>> -> memref<80x128xf32, #tpu.memory_space<vmem_shared>>
      %dma_start3A_219 = arith.constant 0 : i32
      %dma_start3A_220 = tpu.memref_slice %arg13[%add3A_118, %dma_start3A_219] : memref<10240x128xf32, #tpu.memory_space<vmem_shared>> -> memref<80x128xf32, #tpu.memory_space<vmem_shared>>
      tpu.enqueue_dma source(%arg11 : memref<80x128xf32, #tpu.memory_space<vmem>>) target(%dma_start3A_220 : memref<80x128xf32, #tpu.memory_space<vmem_shared>>) target_semaphore(%run_scoped3A : memref<!tpu.dma_semaphore, #tpu.memory_space<semaphore_mem>>)
      %dma_wait3A_221 = arith.constant 0 : i32
      %dma_wait3A_222 = tpu.memref_slice %arg13[%add3A_118, %dma_wait3A_221] : memref<10240x128xf32, #tpu.memory_space<vmem_shared>> -> memref<80x128xf32, #tpu.memory_space<vmem_shared>>
      %dma_wait3A_223 = arith.constant 0 : i32
      %dma_wait3A_224 = tpu.memref_slice %arg13[%add3A_118, %dma_wait3A_223] : memref<10240x128xf32, #tpu.memory_space<vmem_shared>> -> memref<80x128xf32, #tpu.memory_space<vmem_shared>>
      tpu.wait_dma2 semaphore(%run_scoped3A : memref<!tpu.dma_semaphore, #tpu.memory_space<semaphore_mem>>) src(%arg11 : memref<80x128xf32, #tpu.memory_space<vmem>>) dst(%dma_wait3A_224 : memref<80x128xf32, #tpu.memory_space<vmem_shared>>)
      tpu.yield
    }) : () -> ()
    %mul3A_119 = arith.constant 640 : i32
    %mul3A_120 = arith.muli %arg1, %mul3A_119 : i32
    %add3A_121 = arith.constant 320 : i32
    %add3A_122 = arith.addi %mul3A_120, %add3A_121 : i32
    "tpu.region"() ({
      %run_scoped3A = tpu.sem_alloc : memref<!tpu.dma_semaphore, #tpu.memory_space<semaphore_mem>>
      %dma_start3A_217 = arith.constant 0 : i32
      %dma_start3A_218 = tpu.memref_slice %arg13[%add3A_122, %dma_start3A_217] : memref<10240x128xf32, #tpu.memory_space<vmem_shared>> -> memref<80x128xf32, #tpu.memory_space<vmem_shared>>
      %dma_start3A_219 = arith.constant 0 : i32
      %dma_start3A_220 = tpu.memref_slice %arg13[%add3A_122, %dma_start3A_219] : memref<10240x128xf32, #tpu.memory_space<vmem_shared>> -> memref<80x128xf32, #tpu.memory_space<vmem_shared>>
      tpu.enqueue_dma source(%arg11 : memref<80x128xf32, #tpu.memory_space<vmem>>) target(%dma_start3A_220 : memref<80x128xf32, #tpu.memory_space<vmem_shared>>) target_semaphore(%run_scoped3A : memref<!tpu.dma_semaphore, #tpu.memory_space<semaphore_mem>>)
      %dma_wait3A_221 = arith.constant 0 : i32
      %dma_wait3A_222 = tpu.memref_slice %arg13[%add3A_122, %dma_wait3A_221] : memref<10240x128xf32, #tpu.memory_space<vmem_shared>> -> memref<80x128xf32, #tpu.memory_space<vmem_shared>>
      %dma_wait3A_223 = arith.constant 0 : i32
      %dma_wait3A_224 = tpu.memref_slice %arg13[%add3A_122, %dma_wait3A_223] : memref<10240x128xf32, #tpu.memory_space<vmem_shared>> -> memref<80x128xf32, #tpu.memory_space<vmem_shared>>
      tpu.wait_dma2 semaphore(%run_scoped3A : memref<!tpu.dma_semaphore, #tpu.memory_space<semaphore_mem>>) src(%arg11 : memref<80x128xf32, #tpu.memory_space<vmem>>) dst(%dma_wait3A_224 : memref<80x128xf32, #tpu.memory_space<vmem_shared>>)
      tpu.yield
    }) : () -> ()
    %mul3A_123 = arith.constant 640 : i32
    %mul3A_124 = arith.muli %arg1, %mul3A_123 : i32
    %add3A_125 = arith.constant 400 : i32
    %add3A_126 = arith.addi %mul3A_124, %add3A_125 : i32
    "tpu.region"() ({
      %run_scoped3A = tpu.sem_alloc : memref<!tpu.dma_semaphore, #tpu.memory_space<semaphore_mem>>
      %dma_start3A_217 = arith.constant 0 : i32
      %dma_start3A_218 = tpu.memref_slice %arg13[%add3A_126, %dma_start3A_217] : memref<10240x128xf32, #tpu.memory_space<vmem_shared>> -> memref<80x128xf32, #tpu.memory_space<vmem_shared>>
      %dma_start3A_219 = arith.constant 0 : i32
      %dma_start3A_220 = tpu.memref_slice %arg13[%add3A_126, %dma_start3A_219] : memref<10240x128xf32, #tpu.memory_space<vmem_shared>> -> memref<80x128xf32, #tpu.memory_space<vmem_shared>>
      tpu.enqueue_dma source(%arg11 : memref<80x128xf32, #tpu.memory_space<vmem>>) target(%dma_start3A_220 : memref<80x128xf32, #tpu.memory_space<vmem_shared>>) target_semaphore(%run_scoped3A : memref<!tpu.dma_semaphore, #tpu.memory_space<semaphore_mem>>)
      %dma_wait3A_221 = arith.constant 0 : i32
      %dma_wait3A_222 = tpu.memref_slice %arg13[%add3A_126, %dma_wait3A_221] : memref<10240x128xf32, #tpu.memory_space<vmem_shared>> -> memref<80x128xf32, #tpu.memory_space<vmem_shared>>
      %dma_wait3A_223 = arith.constant 0 : i32
      %dma_wait3A_224 = tpu.memref_slice %arg13[%add3A_126, %dma_wait3A_223] : memref<10240x128xf32, #tpu.memory_space<vmem_shared>> -> memref<80x128xf32, #tpu.memory_space<vmem_shared>>
      tpu.wait_dma2 semaphore(%run_scoped3A : memref<!tpu.dma_semaphore, #tpu.memory_space<semaphore_mem>>) src(%arg11 : memref<80x128xf32, #tpu.memory_space<vmem>>) dst(%dma_wait3A_224 : memref<80x128xf32, #tpu.memory_space<vmem_shared>>)
      tpu.yield
    }) : () -> ()
    %mul3A_127 = arith.constant 640 : i32
    %mul3A_128 = arith.muli %arg1, %mul3A_127 : i32
    %add3A_129 = arith.constant 480 : i32
    %add3A_130 = arith.addi %mul3A_128, %add3A_129 : i32
    "tpu.region"() ({
      %run_scoped3A = tpu.sem_alloc : memref<!tpu.dma_semaphore, #tpu.memory_space<semaphore_mem>>
      %dma_start3A_217 = arith.constant 0 : i32
      %dma_start3A_218 = tpu.memref_slice %arg13[%add3A_130, %dma_start3A_217] : memref<10240x128xf32, #tpu.memory_space<vmem_shared>> -> memref<80x128xf32, #tpu.memory_space<vmem_shared>>
      %dma_start3A_219 = arith.constant 0 : i32
      %dma_start3A_220 = tpu.memref_slice %arg13[%add3A_130, %dma_start3A_219] : memref<10240x128xf32, #tpu.memory_space<vmem_shared>> -> memref<80x128xf32, #tpu.memory_space<vmem_shared>>
      tpu.enqueue_dma source(%arg11 : memref<80x128xf32, #tpu.memory_space<vmem>>) target(%dma_start3A_220 : memref<80x128xf32, #tpu.memory_space<vmem_shared>>) target_semaphore(%run_scoped3A : memref<!tpu.dma_semaphore, #tpu.memory_space<semaphore_mem>>)
      %dma_wait3A_221 = arith.constant 0 : i32
      %dma_wait3A_222 = tpu.memref_slice %arg13[%add3A_130, %dma_wait3A_221] : memref<10240x128xf32, #tpu.memory_space<vmem_shared>> -> memref<80x128xf32, #tpu.memory_space<vmem_shared>>
      %dma_wait3A_223 = arith.constant 0 : i32
      %dma_wait3A_224 = tpu.memref_slice %arg13[%add3A_130, %dma_wait3A_223] : memref<10240x128xf32, #tpu.memory_space<vmem_shared>> -> memref<80x128xf32, #tpu.memory_space<vmem_shared>>
      tpu.wait_dma2 semaphore(%run_scoped3A : memref<!tpu.dma_semaphore, #tpu.memory_space<semaphore_mem>>) src(%arg11 : memref<80x128xf32, #tpu.memory_space<vmem>>) dst(%dma_wait3A_224 : memref<80x128xf32, #tpu.memory_space<vmem_shared>>)
      tpu.yield
    }) : () -> ()
    %mul3A_131 = arith.constant 640 : i32
    %mul3A_132 = arith.muli %arg1, %mul3A_131 : i32
    %add3A_133 = arith.constant 560 : i32
    %add3A_134 = arith.addi %mul3A_132, %add3A_133 : i32
    "tpu.region"() ({
      %run_scoped3A = tpu.sem_alloc : memref<!tpu.dma_semaphore, #tpu.memory_space<semaphore_mem>>
      %dma_start3A_217 = arith.constant 0 : i32
      %dma_start3A_218 = tpu.memref_slice %arg13[%add3A_134, %dma_start3A_217] : memref<10240x128xf32, #tpu.memory_space<vmem_shared>> -> memref<80x128xf32, #tpu.memory_space<vmem_shared>>
      %dma_start3A_219 = arith.constant 0 : i32
      %dma_start3A_220 = tpu.memref_slice %arg13[%add3A_134, %dma_start3A_219] : memref<10240x128xf32, #tpu.memory_space<vmem_shared>> -> memref<80x128xf32, #tpu.memory_space<vmem_shared>>
      tpu.enqueue_dma source(%arg11 : memref<80x128xf32, #tpu.memory_space<vmem>>) target(%dma_start3A_220 : memref<80x128xf32, #tpu.memory_space<vmem_shared>>) target_semaphore(%run_scoped3A : memref<!tpu.dma_semaphore, #tpu.memory_space<semaphore_mem>>)
      %dma_wait3A_221 = arith.constant 0 : i32
      %dma_wait3A_222 = tpu.memref_slice %arg13[%add3A_134, %dma_wait3A_221] : memref<10240x128xf32, #tpu.memory_space<vmem_shared>> -> memref<80x128xf32, #tpu.memory_space<vmem_shared>>
      %dma_wait3A_223 = arith.constant 0 : i32
      %dma_wait3A_224 = tpu.memref_slice %arg13[%add3A_134, %dma_wait3A_223] : memref<10240x128xf32, #tpu.memory_space<vmem_shared>> -> memref<80x128xf32, #tpu.memory_space<vmem_shared>>
      tpu.wait_dma2 semaphore(%run_scoped3A : memref<!tpu.dma_semaphore, #tpu.memory_space<semaphore_mem>>) src(%arg11 : memref<80x128xf32, #tpu.memory_space<vmem>>) dst(%dma_wait3A_224 : memref<80x128xf32, #tpu.memory_space<vmem_shared>>)
      tpu.yield
    }) : () -> ()
    %barrier3A_135 = arith.constant 0 : index
    tpu.barrier barrier_id(%barrier3A_135)
    %mul3A_136 = arith.constant 640 : i32
    %mul3A_137 = arith.muli %arg1, %mul3A_136 : i32
    "tpu.region"() ({
      %run_scoped3A = tpu.sem_alloc : memref<!tpu.dma_semaphore, #tpu.memory_space<semaphore_mem>>
      %dma_start3A_217 = arith.constant 0 : i32
      %dma_start3A_218 = tpu.memref_slice %arg13[%mul3A_137, %dma_start3A_217] : memref<10240x128xf32, #tpu.memory_space<vmem_shared>> -> memref<80x128xf32, #tpu.memory_space<vmem_shared>>
      %dma_start3A_219 = arith.constant 0 : i32
      %dma_start3A_220 = tpu.memref_slice %arg13[%mul3A_137, %dma_start3A_219] : memref<10240x128xf32, #tpu.memory_space<vmem_shared>> -> memref<80x128xf32, #tpu.memory_space<vmem_shared>>
      tpu.enqueue_dma source(%dma_start3A_220 : memref<80x128xf32, #tpu.memory_space<vmem_shared>>) target(%arg12 : memref<80x128xf32, #tpu.memory_space<vmem>>) target_semaphore(%run_scoped3A : memref<!tpu.dma_semaphore, #tpu.memory_space<semaphore_mem>>)
      %dma_wait3A_221 = arith.constant 0 : i32
      %dma_wait3A_222 = tpu.memref_slice %arg13[%mul3A_137, %dma_wait3A_221] : memref<10240x128xf32, #tpu.memory_space<vmem_shared>> -> memref<80x128xf32, #tpu.memory_space<vmem_shared>>
      %dma_wait3A_223 = arith.constant 0 : i32
      %dma_wait3A_224 = tpu.memref_slice %arg13[%mul3A_137, %dma_wait3A_223] : memref<10240x128xf32, #tpu.memory_space<vmem_shared>> -> memref<80x128xf32, #tpu.memory_space<vmem_shared>>
      tpu.wait_dma2 semaphore(%run_scoped3A : memref<!tpu.dma_semaphore, #tpu.memory_space<semaphore_mem>>) src(%dma_wait3A_224 : memref<80x128xf32, #tpu.memory_space<vmem_shared>>) dst(%arg12 : memref<80x128xf32, #tpu.memory_space<vmem>>)
      tpu.yield
    }) : () -> ()
    %barrier3A_138 = arith.constant 0 : index
    tpu.barrier barrier_id(%barrier3A_138)
    %mul3A_139 = arith.constant 6016 : i32
    %mul3A_140 = arith.muli %arg0, %mul3A_139 : i32
    %add3A_141 = arith.constant 4000 : i32
    %add3A_142 = arith.addi %mul3A_140, %add3A_141 : i32
    %add3A_143 = arith.constant 2 : i32
    %add3A_144 = arith.addi %add3A_143, %arg0 : i32
    %mul3A_145 = arith.constant 126 : i32
    %mul3A_146 = arith.muli %arg1, %mul3A_145 : i32
    %add3A_147 = arith.addi %add3A_142, %mul3A_146 : i32
    %add3A_148 = arith.constant 126 : i32
    %add3A_149 = arith.addi %add3A_147, %add3A_148 : i32
    %sub3A_150 = arith.constant 1 : i32
    %sub3A_151 = arith.subi %add3A_149, %sub3A_150 : i32
    %mul3A_152 = arith.constant 80 : i32
    %mul3A_153 = arith.muli %add3A_147, %mul3A_152 : i32
    %dma_start3A_154 = tpu.memref_slice %arg3[%mul3A_153] : memref<962560xi32, #tpu.memory_space<hbm>> -> memref<80xi32, #tpu.memory_space<hbm>>
    %dma_start3A_155 = tpu.memref_slice %arg3[%mul3A_153] : memref<962560xi32, #tpu.memory_space<hbm>> -> memref<80xi32, #tpu.memory_space<hbm>>
    tpu.enqueue_dma source(%dma_start3A_155 : memref<80xi32, #tpu.memory_space<hbm>>) target(%arg7 : memref<80xi32, #tpu.memory_space<vmem>>) target_semaphore(%arg14 : memref<!tpu.dma_semaphore, #tpu.memory_space<semaphore_mem>>)
    %mul3A_156 = arith.constant 80 : i32
    %mul3A_157 = arith.muli %add3A_147, %mul3A_156 : i32
    %dma_start3A_158 = tpu.memref_slice %arg4[%mul3A_157] : memref<962560xi32, #tpu.memory_space<hbm>> -> memref<80xi32, #tpu.memory_space<hbm>>
    %dma_start3A_159 = tpu.memref_slice %arg4[%mul3A_157] : memref<962560xi32, #tpu.memory_space<hbm>> -> memref<80xi32, #tpu.memory_space<hbm>>
    tpu.enqueue_dma source(%dma_start3A_159 : memref<80xi32, #tpu.memory_space<hbm>>) target(%arg9 : memref<80xi32, #tpu.memory_space<vmem>>) target_semaphore(%arg14 : memref<!tpu.dma_semaphore, #tpu.memory_space<semaphore_mem>>)
    %dma_wait3A_160 = arith.constant 0 : i32
    %dma_wait3A_161 = tpu.memref_slice %arg3[%dma_wait3A_160] : memref<962560xi32, #tpu.memory_space<hbm>> -> memref<80xi32, #tpu.memory_space<hbm>>
    %dma_wait3A_162 = arith.constant 0 : i32
    %dma_wait3A_163 = tpu.memref_slice %arg3[%dma_wait3A_162] : memref<962560xi32, #tpu.memory_space<hbm>> -> memref<80xi32, #tpu.memory_space<hbm>>
    tpu.wait_dma2 semaphore(%arg14 : memref<!tpu.dma_semaphore, #tpu.memory_space<semaphore_mem>>) src(%dma_wait3A_163 : memref<80xi32, #tpu.memory_space<hbm>>) dst(%arg7 : memref<80xi32, #tpu.memory_space<vmem>>)
    %dma_wait3A_164 = arith.constant 0 : i32
    %dma_wait3A_165 = tpu.memref_slice %arg4[%dma_wait3A_164] : memref<962560xi32, #tpu.memory_space<hbm>> -> memref<80xi32, #tpu.memory_space<hbm>>
    %dma_wait3A_166 = arith.constant 0 : i32
    %dma_wait3A_167 = tpu.memref_slice %arg4[%dma_wait3A_166] : memref<962560xi32, #tpu.memory_space<hbm>> -> memref<80xi32, #tpu.memory_space<hbm>>
    tpu.wait_dma2 semaphore(%arg14 : memref<!tpu.dma_semaphore, #tpu.memory_space<semaphore_mem>>) src(%dma_wait3A_167 : memref<80xi32, #tpu.memory_space<hbm>>) dst(%arg9 : memref<80xi32, #tpu.memory_space<vmem>>)
    %dma_start3A_168 = arith.constant 0 : i32
    %dma_start3A_169 = arith.constant 0 : i32
    %dma_start3A_170 = tpu.memref_slice %arg2[%dma_start3A_168, %dma_start3A_169] : memref<30720x128xf32, #tpu.memory_space<hbm>> -> memref<30720x128xf32, #tpu.memory_space<hbm>>
    tpu.enqueue_indirect_dma source(%dma_start3A_170 : memref<30720x128xf32, #tpu.memory_space<hbm>>) target(%arg11 : memref<80x128xf32, #tpu.memory_space<vmem>>) offsets(%arg7 : memref<80xi32, #tpu.memory_space<vmem>>) semaphore(%arg16 : memref<!tpu.dma_semaphore, #tpu.memory_space<semaphore_mem>>)
    %scan3A_171 = arith.constant 0 : i32
    %scan3A_172 = arith.constant 0 : i32
    %scan3A_173 = arith.constant 63 : i32
    %scan3A_174 = arith.addi %scan3A_172, %scan3A_173 : i32
    %scan3A_175 = arith.constant 1 : i32
    %scan3A_176 = scf.for %scan3A_217 = %scan3A_172 to %scan3A_174 step %scan3A_175 iter_args(%scan3A_218 = %scan3A_171) -> (i32)  : i32 {
      %mul3A_219 = arith.constant 2 : i32
      %mul3A_220 = arith.muli %mul3A_219, %scan3A_217 : i32
      %add3A_221 = arith.addi %add3A_147, %mul3A_220 : i32
      %add3A_222 = arith.constant 1 : i32
      %add3A_223 = arith.addi %add3A_221, %add3A_222 : i32
      %min3A = arith.minsi %add3A_223, %sub3A_151 : i32
      %mul3A_224 = arith.constant 80 : i32
      %mul3A_225 = arith.muli %min3A, %mul3A_224 : i32
      %dma_start3A_226 = tpu.memref_slice %arg3[%mul3A_225] : memref<962560xi32, #tpu.memory_space<hbm>> -> memref<80xi32, #tpu.memory_space<hbm>>
      %dma_start3A_227 = tpu.memref_slice %arg3[%mul3A_225] : memref<962560xi32, #tpu.memory_space<hbm>> -> memref<80xi32, #tpu.memory_space<hbm>>
      tpu.enqueue_dma source(%dma_start3A_227 : memref<80xi32, #tpu.memory_space<hbm>>) target(%arg8 : memref<80xi32, #tpu.memory_space<vmem>>) target_semaphore(%arg15 : memref<!tpu.dma_semaphore, #tpu.memory_space<semaphore_mem>>)
      %mul3A_228 = arith.constant 80 : i32
      %mul3A_229 = arith.muli %min3A, %mul3A_228 : i32
      %dma_start3A_230 = tpu.memref_slice %arg4[%mul3A_229] : memref<962560xi32, #tpu.memory_space<hbm>> -> memref<80xi32, #tpu.memory_space<hbm>>
      %dma_start3A_231 = tpu.memref_slice %arg4[%mul3A_229] : memref<962560xi32, #tpu.memory_space<hbm>> -> memref<80xi32, #tpu.memory_space<hbm>>
      tpu.enqueue_dma source(%dma_start3A_231 : memref<80xi32, #tpu.memory_space<hbm>>) target(%arg10 : memref<80xi32, #tpu.memory_space<vmem>>) target_semaphore(%arg15 : memref<!tpu.dma_semaphore, #tpu.memory_space<semaphore_mem>>)
      %dma_wait3A_232 = arith.constant 0 : i32
      %dma_wait3A_233 = arith.constant 0 : i32
      %dma_wait3A_234 = tpu.memref_slice %arg2[%dma_wait3A_232, %dma_wait3A_233] : memref<30720x128xf32, #tpu.memory_space<hbm>> -> memref<30720x128xf32, #tpu.memory_space<hbm>>
      tpu.wait_indirect_dma semaphore(%arg16 : memref<!tpu.dma_semaphore, #tpu.memory_space<semaphore_mem>>) src(%dma_wait3A_234 : memref<30720x128xf32, #tpu.memory_space<hbm>>) dst(%arg11 : memref<80x128xf32, #tpu.memory_space<vmem>>)
      %dma_wait3A_235 = arith.constant 0 : i32
      %dma_wait3A_236 = tpu.memref_slice %arg3[%dma_wait3A_235] : memref<962560xi32, #tpu.memory_space<hbm>> -> memref<80xi32, #tpu.memory_space<hbm>>
      %dma_wait3A_237 = arith.constant 0 : i32
      %dma_wait3A_238 = tpu.memref_slice %arg3[%dma_wait3A_237] : memref<962560xi32, #tpu.memory_space<hbm>> -> memref<80xi32, #tpu.memory_space<hbm>>
      tpu.wait_dma2 semaphore(%arg15 : memref<!tpu.dma_semaphore, #tpu.memory_space<semaphore_mem>>) src(%dma_wait3A_238 : memref<80xi32, #tpu.memory_space<hbm>>) dst(%arg8 : memref<80xi32, #tpu.memory_space<vmem>>)
      %dma_wait3A_239 = arith.constant 0 : i32
      %dma_wait3A_240 = tpu.memref_slice %arg4[%dma_wait3A_239] : memref<962560xi32, #tpu.memory_space<hbm>> -> memref<80xi32, #tpu.memory_space<hbm>>
      %dma_wait3A_241 = arith.constant 0 : i32
      %dma_wait3A_242 = tpu.memref_slice %arg4[%dma_wait3A_241] : memref<962560xi32, #tpu.memory_space<hbm>> -> memref<80xi32, #tpu.memory_space<hbm>>
      tpu.wait_dma2 semaphore(%arg15 : memref<!tpu.dma_semaphore, #tpu.memory_space<semaphore_mem>>) src(%dma_wait3A_242 : memref<80xi32, #tpu.memory_space<hbm>>) dst(%arg10 : memref<80xi32, #tpu.memory_space<vmem>>)
      %dma_start3A_243 = arith.constant 0 : i32
      %dma_start3A_244 = arith.constant 0 : i32
      %dma_start3A_245 = tpu.memref_slice %arg2[%dma_start3A_243, %dma_start3A_244] : memref<30720x128xf32, #tpu.memory_space<hbm>> -> memref<30720x128xf32, #tpu.memory_space<hbm>>
      tpu.enqueue_indirect_dma source(%dma_start3A_245 : memref<30720x128xf32, #tpu.memory_space<hbm>>) target(%arg12 : memref<80x128xf32, #tpu.memory_space<vmem>>) offsets(%arg8 : memref<80xi32, #tpu.memory_space<vmem>>) semaphore(%arg17 : memref<!tpu.dma_semaphore, #tpu.memory_space<semaphore_mem>>)
      "tpu.region"() ({
        %run_scoped3A = tpu.sem_alloc : memref<!tpu.dma_semaphore, #tpu.memory_space<semaphore_mem>>
        %dma_start3A_274 = arith.constant 0 : i32
        %dma_start3A_275 = arith.constant 0 : i32
        %dma_start3A_276 = tpu.memref_slice %arg13[%dma_start3A_274, %dma_start3A_275] : memref<10240x128xf32, #tpu.memory_space<vmem_shared>> -> memref<10240x128xf32, #tpu.memory_space<vmem_shared>>
        tpu.enqueue_indirect_dma source(%arg11 : memref<80x128xf32, #tpu.memory_space<vmem>>) target(%dma_start3A_276 : memref<10240x128xf32, #tpu.memory_space<vmem_shared>>) offsets(%arg9 : memref<80xi32, #tpu.memory_space<vmem>>) semaphore(%run_scoped3A : memref<!tpu.dma_semaphore, #tpu.memory_space<semaphore_mem>>) {add = true}
        %dma_wait3A_277 = arith.constant 0 : i32
        %dma_wait3A_278 = arith.constant 0 : i32
        %dma_wait3A_279 = tpu.memref_slice %arg13[%dma_wait3A_277, %dma_wait3A_278] : memref<10240x128xf32, #tpu.memory_space<vmem_shared>> -> memref<10240x128xf32, #tpu.memory_space<vmem_shared>>
        tpu.wait_indirect_dma semaphore(%run_scoped3A : memref<!tpu.dma_semaphore, #tpu.memory_space<semaphore_mem>>) src(%arg11 : memref<80x128xf32, #tpu.memory_space<vmem>>) dst(%dma_wait3A_279 : memref<10240x128xf32, #tpu.memory_space<vmem_shared>>)
        tpu.yield
      }) : () -> ()
      %add3A_246 = arith.constant 1 : i32
      %add3A_247 = arith.addi %add3A_221, %add3A_246 : i32
      %add3A_248 = arith.constant 1 : i32
      %add3A_249 = arith.addi %add3A_247, %add3A_248 : i32
      %min3A_250 = arith.minsi %add3A_249, %sub3A_151 : i32
      %mul3A_251 = arith.constant 80 : i32
      %mul3A_252 = arith.muli %min3A_250, %mul3A_251 : i32
      %dma_start3A_253 = tpu.memref_slice %arg3[%mul3A_252] : memref<962560xi32, #tpu.memory_space<hbm>> -> memref<80xi32, #tpu.memory_space<hbm>>
      %dma_start3A_254 = tpu.memref_slice %arg3[%mul3A_252] : memref<962560xi32, #tpu.memory_space<hbm>> -> memref<80xi32, #tpu.memory_space<hbm>>
      tpu.enqueue_dma source(%dma_start3A_254 : memref<80xi32, #tpu.memory_space<hbm>>) target(%arg7 : memref<80xi32, #tpu.memory_space<vmem>>) target_semaphore(%arg14 : memref<!tpu.dma_semaphore, #tpu.memory_space<semaphore_mem>>)
      %mul3A_255 = arith.constant 80 : i32
      %mul3A_256 = arith.muli %min3A_250, %mul3A_255 : i32
      %dma_start3A_257 = tpu.memref_slice %arg4[%mul3A_256] : memref<962560xi32, #tpu.memory_space<hbm>> -> memref<80xi32, #tpu.memory_space<hbm>>
      %dma_start3A_258 = tpu.memref_slice %arg4[%mul3A_256] : memref<962560xi32, #tpu.memory_space<hbm>> -> memref<80xi32, #tpu.memory_space<hbm>>
      tpu.enqueue_dma source(%dma_start3A_258 : memref<80xi32, #tpu.memory_space<hbm>>) target(%arg9 : memref<80xi32, #tpu.memory_space<vmem>>) target_semaphore(%arg14 : memref<!tpu.dma_semaphore, #tpu.memory_space<semaphore_mem>>)
      %dma_wait3A_259 = arith.constant 0 : i32
      %dma_wait3A_260 = arith.constant 0 : i32
      %dma_wait3A_261 = tpu.memref_slice %arg2[%dma_wait3A_259, %dma_wait3A_260] : memref<30720x128xf32, #tpu.memory_space<hbm>> -> memref<30720x128xf32, #tpu.memory_space<hbm>>
      tpu.wait_indirect_dma semaphore(%arg17 : memref<!tpu.dma_semaphore, #tpu.memory_space<semaphore_mem>>) src(%dma_wait3A_261 : memref<30720x128xf32, #tpu.memory_space<hbm>>) dst(%arg12 : memref<80x128xf32, #tpu.memory_space<vmem>>)
      %dma_wait3A_262 = arith.constant 0 : i32
      %dma_wait3A_263 = tpu.memref_slice %arg3[%dma_wait3A_262] : memref<962560xi32, #tpu.memory_space<hbm>> -> memref<80xi32, #tpu.memory_space<hbm>>
      %dma_wait3A_264 = arith.constant 0 : i32
      %dma_wait3A_265 = tpu.memref_slice %arg3[%dma_wait3A_264] : memref<962560xi32, #tpu.memory_space<hbm>> -> memref<80xi32, #tpu.memory_space<hbm>>
      tpu.wait_dma2 semaphore(%arg14 : memref<!tpu.dma_semaphore, #tpu.memory_space<semaphore_mem>>) src(%dma_wait3A_265 : memref<80xi32, #tpu.memory_space<hbm>>) dst(%arg7 : memref<80xi32, #tpu.memory_space<vmem>>)
      %dma_wait3A_266 = arith.constant 0 : i32
      %dma_wait3A_267 = tpu.memref_slice %arg4[%dma_wait3A_266] : memref<962560xi32, #tpu.memory_space<hbm>> -> memref<80xi32, #tpu.memory_space<hbm>>
      %dma_wait3A_268 = arith.constant 0 : i32
      %dma_wait3A_269 = tpu.memref_slice %arg4[%dma_wait3A_268] : memref<962560xi32, #tpu.memory_space<hbm>> -> memref<80xi32, #tpu.memory_space<hbm>>
      tpu.wait_dma2 semaphore(%arg14 : memref<!tpu.dma_semaphore, #tpu.memory_space<semaphore_mem>>) src(%dma_wait3A_269 : memref<80xi32, #tpu.memory_space<hbm>>) dst(%arg9 : memref<80xi32, #tpu.memory_space<vmem>>)
      %dma_start3A_270 = arith.constant 0 : i32
      %dma_start3A_271 = arith.constant 0 : i32
      %dma_start3A_272 = tpu.memref_slice %arg2[%dma_start3A_270, %dma_start3A_271] : memref<30720x128xf32, #tpu.memory_space<hbm>> -> memref<30720x128xf32, #tpu.memory_space<hbm>>
      tpu.enqueue_indirect_dma source(%dma_start3A_272 : memref<30720x128xf32, #tpu.memory_space<hbm>>) target(%arg11 : memref<80x128xf32, #tpu.memory_space<vmem>>) offsets(%arg7 : memref<80xi32, #tpu.memory_space<vmem>>) semaphore(%arg16 : memref<!tpu.dma_semaphore, #tpu.memory_space<semaphore_mem>>)
      "tpu.region"() ({
        %run_scoped3A = tpu.sem_alloc : memref<!tpu.dma_semaphore, #tpu.memory_space<semaphore_mem>>
        %dma_start3A_274 = arith.constant 0 : i32
        %dma_start3A_275 = arith.constant 0 : i32
        %dma_start3A_276 = tpu.memref_slice %arg13[%dma_start3A_274, %dma_start3A_275] : memref<10240x128xf32, #tpu.memory_space<vmem_shared>> -> memref<10240x128xf32, #tpu.memory_space<vmem_shared>>
        tpu.enqueue_indirect_dma source(%arg12 : memref<80x128xf32, #tpu.memory_space<vmem>>) target(%dma_start3A_276 : memref<10240x128xf32, #tpu.memory_space<vmem_shared>>) offsets(%arg10 : memref<80xi32, #tpu.memory_space<vmem>>) semaphore(%run_scoped3A : memref<!tpu.dma_semaphore, #tpu.memory_space<semaphore_mem>>) {add = true}
        %dma_wait3A_277 = arith.constant 0 : i32
        %dma_wait3A_278 = arith.constant 0 : i32
        %dma_wait3A_279 = tpu.memref_slice %arg13[%dma_wait3A_277, %dma_wait3A_278] : memref<10240x128xf32, #tpu.memory_space<vmem_shared>> -> memref<10240x128xf32, #tpu.memory_space<vmem_shared>>
        tpu.wait_indirect_dma semaphore(%run_scoped3A : memref<!tpu.dma_semaphore, #tpu.memory_space<semaphore_mem>>) src(%arg12 : memref<80x128xf32, #tpu.memory_space<vmem>>) dst(%dma_wait3A_279 : memref<10240x128xf32, #tpu.memory_space<vmem_shared>>)
        tpu.yield
      }) : () -> ()
      %scan3A_273 = arith.constant 0 : i32
      scf.yield %scan3A_273 : i32
    }
    %scan3A_177 = arith.constant 63 : i32
    %dma_wait3A_178 = arith.constant 0 : i32
    %dma_wait3A_179 = arith.constant 0 : i32
    %dma_wait3A_180 = tpu.memref_slice %arg2[%dma_wait3A_178, %dma_wait3A_179] : memref<30720x128xf32, #tpu.memory_space<hbm>> -> memref<30720x128xf32, #tpu.memory_space<hbm>>
    tpu.wait_indirect_dma semaphore(%arg16 : memref<!tpu.dma_semaphore, #tpu.memory_space<semaphore_mem>>) src(%dma_wait3A_180 : memref<30720x128xf32, #tpu.memory_space<hbm>>) dst(%arg11 : memref<80x128xf32, #tpu.memory_space<vmem>>)
    %barrier3A_181 = arith.constant 0 : index
    tpu.barrier barrier_id(%barrier3A_181)
    %mul3A_182 = arith.constant 640 : i32
    %mul3A_183 = arith.muli %arg1, %mul3A_182 : i32
    "tpu.region"() ({
      %run_scoped3A = tpu.sem_alloc : memref<!tpu.dma_semaphore, #tpu.memory_space<semaphore_mem>>
      %dma_start3A_217 = arith.constant 0 : i32
      %dma_start3A_218 = tpu.memref_slice %arg13[%mul3A_183, %dma_start3A_217] : memref<10240x128xf32, #tpu.memory_space<vmem_shared>> -> memref<80x128xf32, #tpu.memory_space<vmem_shared>>
      %dma_start3A_219 = arith.constant 0 : i32
      %dma_start3A_220 = tpu.memref_slice %arg13[%mul3A_183, %dma_start3A_219] : memref<10240x128xf32, #tpu.memory_space<vmem_shared>> -> memref<80x128xf32, #tpu.memory_space<vmem_shared>>
      tpu.enqueue_dma source(%dma_start3A_220 : memref<80x128xf32, #tpu.memory_space<vmem_shared>>) target(%arg12 : memref<80x128xf32, #tpu.memory_space<vmem>>) target_semaphore(%run_scoped3A : memref<!tpu.dma_semaphore, #tpu.memory_space<semaphore_mem>>)
      %dma_wait3A_221 = arith.constant 0 : i32
      %dma_wait3A_222 = tpu.memref_slice %arg13[%mul3A_183, %dma_wait3A_221] : memref<10240x128xf32, #tpu.memory_space<vmem_shared>> -> memref<80x128xf32, #tpu.memory_space<vmem_shared>>
      %dma_wait3A_223 = arith.constant 0 : i32
      %dma_wait3A_224 = tpu.memref_slice %arg13[%mul3A_183, %dma_wait3A_223] : memref<10240x128xf32, #tpu.memory_space<vmem_shared>> -> memref<80x128xf32, #tpu.memory_space<vmem_shared>>
      tpu.wait_dma2 semaphore(%run_scoped3A : memref<!tpu.dma_semaphore, #tpu.memory_space<semaphore_mem>>) src(%dma_wait3A_224 : memref<80x128xf32, #tpu.memory_space<vmem_shared>>) dst(%arg12 : memref<80x128xf32, #tpu.memory_space<vmem>>)
      tpu.yield
    }) : () -> ()
    %barrier3A_184 = arith.constant 0 : index
    tpu.barrier barrier_id(%barrier3A_184)
    %mul3A_185 = arith.constant 640 : i32
    %mul3A_186 = arith.muli %arg1, %mul3A_185 : i32
    %add3A_187 = arith.constant 0 : i32
    %add3A_188 = arith.addi %mul3A_186, %add3A_187 : i32
    "tpu.region"() ({
      %run_scoped3A = tpu.sem_alloc : memref<!tpu.dma_semaphore, #tpu.memory_space<semaphore_mem>>
      %dma_start3A_217 = arith.constant 0 : i32
      %dma_start3A_218 = tpu.memref_slice %arg13[%add3A_188, %dma_start3A_217] : memref<10240x128xf32, #tpu.memory_space<vmem_shared>> -> memref<80x128xf32, #tpu.memory_space<vmem_shared>>
      %dma_start3A_219 = arith.constant 0 : i32
      %dma_start3A_220 = tpu.memref_slice %arg13[%add3A_188, %dma_start3A_219] : memref<10240x128xf32, #tpu.memory_space<vmem_shared>> -> memref<80x128xf32, #tpu.memory_space<vmem_shared>>
      tpu.enqueue_dma source(%dma_start3A_220 : memref<80x128xf32, #tpu.memory_space<vmem_shared>>) target(%arg11 : memref<80x128xf32, #tpu.memory_space<vmem>>) target_semaphore(%run_scoped3A : memref<!tpu.dma_semaphore, #tpu.memory_space<semaphore_mem>>)
      %dma_wait3A_221 = arith.constant 0 : i32
      %dma_wait3A_222 = tpu.memref_slice %arg13[%add3A_188, %dma_wait3A_221] : memref<10240x128xf32, #tpu.memory_space<vmem_shared>> -> memref<80x128xf32, #tpu.memory_space<vmem_shared>>
      %dma_wait3A_223 = arith.constant 0 : i32
      %dma_wait3A_224 = tpu.memref_slice %arg13[%add3A_188, %dma_wait3A_223] : memref<10240x128xf32, #tpu.memory_space<vmem_shared>> -> memref<80x128xf32, #tpu.memory_space<vmem_shared>>
      tpu.wait_dma2 semaphore(%run_scoped3A : memref<!tpu.dma_semaphore, #tpu.memory_space<semaphore_mem>>) src(%dma_wait3A_224 : memref<80x128xf32, #tpu.memory_space<vmem_shared>>) dst(%arg11 : memref<80x128xf32, #tpu.memory_space<vmem>>)
      tpu.yield
    }) : () -> ()
    "tpu.region"() ({
      %run_scoped3A = tpu.sem_alloc : memref<!tpu.dma_semaphore, #tpu.memory_space<semaphore_mem>>
      %dma_start3A_217 = arith.constant 0 : i32
      %dma_start3A_218 = tpu.memref_slice %arg6[%add3A_144, %add3A_188, %dma_start3A_217] : memref<4x10240x128xf32, #tpu.memory_space<hbm>> -> memref<1x80x128xf32, #tpu.memory_space<hbm>>
      %dma_start3A_219 = tpu.memref_squeeze %dma_start3A_218 : memref<1x80x128xf32, #tpu.memory_space<hbm>> -> memref<80x128xf32, #tpu.memory_space<hbm>>
      %dma_start3A_220 = arith.constant 0 : i32
      %dma_start3A_221 = tpu.memref_slice %arg6[%add3A_144, %add3A_188, %dma_start3A_220] : memref<4x10240x128xf32, #tpu.memory_space<hbm>> -> memref<1x80x128xf32, #tpu.memory_space<hbm>>
      %dma_start3A_222 = tpu.memref_squeeze %dma_start3A_221 : memref<1x80x128xf32, #tpu.memory_space<hbm>> -> memref<80x128xf32, #tpu.memory_space<hbm>>
      tpu.enqueue_dma source(%arg11 : memref<80x128xf32, #tpu.memory_space<vmem>>) target(%dma_start3A_222 : memref<80x128xf32, #tpu.memory_space<hbm>>) target_semaphore(%run_scoped3A : memref<!tpu.dma_semaphore, #tpu.memory_space<semaphore_mem>>)
      %dma_wait3A_223 = arith.constant 0 : i32
      %dma_wait3A_224 = tpu.memref_slice %arg6[%add3A_144, %add3A_188, %dma_wait3A_223] : memref<4x10240x128xf32, #tpu.memory_space<hbm>> -> memref<1x80x128xf32, #tpu.memory_space<hbm>>
      %dma_wait3A_225 = tpu.memref_squeeze %dma_wait3A_224 : memref<1x80x128xf32, #tpu.memory_space<hbm>> -> memref<80x128xf32, #tpu.memory_space<hbm>>
      %dma_wait3A_226 = arith.constant 0 : i32
      %dma_wait3A_227 = tpu.memref_slice %arg6[%add3A_144, %add3A_188, %dma_wait3A_226] : memref<4x10240x128xf32, #tpu.memory_space<hbm>> -> memref<1x80x128xf32, #tpu.memory_space<hbm>>
      %dma_wait3A_228 = tpu.memref_squeeze %dma_wait3A_227 : memref<1x80x128xf32, #tpu.memory_space<hbm>> -> memref<80x128xf32, #tpu.memory_space<hbm>>
      tpu.wait_dma2 semaphore(%run_scoped3A : memref<!tpu.dma_semaphore, #tpu.memory_space<semaphore_mem>>) src(%arg11 : memref<80x128xf32, #tpu.memory_space<vmem>>) dst(%dma_wait3A_228 : memref<80x128xf32, #tpu.memory_space<hbm>>)
      tpu.yield
    }) : () -> ()
    %mul3A_189 = arith.constant 640 : i32
    %mul3A_190 = arith.muli %arg1, %mul3A_189 : i32
    %add3A_191 = arith.constant 80 : i32
    %add3A_192 = arith.addi %mul3A_190, %add3A_191 : i32
    "tpu.region"() ({
      %run_scoped3A = tpu.sem_alloc : memref<!tpu.dma_semaphore, #tpu.memory_space<semaphore_mem>>
      %dma_start3A_217 = arith.constant 0 : i32
      %dma_start3A_218 = tpu.memref_slice %arg13[%add3A_192, %dma_start3A_217] : memref<10240x128xf32, #tpu.memory_space<vmem_shared>> -> memref<80x128xf32, #tpu.memory_space<vmem_shared>>
      %dma_start3A_219 = arith.constant 0 : i32
      %dma_start3A_220 = tpu.memref_slice %arg13[%add3A_192, %dma_start3A_219] : memref<10240x128xf32, #tpu.memory_space<vmem_shared>> -> memref<80x128xf32, #tpu.memory_space<vmem_shared>>
      tpu.enqueue_dma source(%dma_start3A_220 : memref<80x128xf32, #tpu.memory_space<vmem_shared>>) target(%arg11 : memref<80x128xf32, #tpu.memory_space<vmem>>) target_semaphore(%run_scoped3A : memref<!tpu.dma_semaphore, #tpu.memory_space<semaphore_mem>>)
      %dma_wait3A_221 = arith.constant 0 : i32
      %dma_wait3A_222 = tpu.memref_slice %arg13[%add3A_192, %dma_wait3A_221] : memref<10240x128xf32, #tpu.memory_space<vmem_shared>> -> memref<80x128xf32, #tpu.memory_space<vmem_shared>>
      %dma_wait3A_223 = arith.constant 0 : i32
      %dma_wait3A_224 = tpu.memref_slice %arg13[%add3A_192, %dma_wait3A_223] : memref<10240x128xf32, #tpu.memory_space<vmem_shared>> -> memref<80x128xf32, #tpu.memory_space<vmem_shared>>
      tpu.wait_dma2 semaphore(%run_scoped3A : memref<!tpu.dma_semaphore, #tpu.memory_space<semaphore_mem>>) src(%dma_wait3A_224 : memref<80x128xf32, #tpu.memory_space<vmem_shared>>) dst(%arg11 : memref<80x128xf32, #tpu.memory_space<vmem>>)
      tpu.yield
    }) : () -> ()
    "tpu.region"() ({
      %run_scoped3A = tpu.sem_alloc : memref<!tpu.dma_semaphore, #tpu.memory_space<semaphore_mem>>
      %dma_start3A_217 = arith.constant 0 : i32
      %dma_start3A_218 = tpu.memref_slice %arg6[%add3A_144, %add3A_192, %dma_start3A_217] : memref<4x10240x128xf32, #tpu.memory_space<hbm>> -> memref<1x80x128xf32, #tpu.memory_space<hbm>>
      %dma_start3A_219 = tpu.memref_squeeze %dma_start3A_218 : memref<1x80x128xf32, #tpu.memory_space<hbm>> -> memref<80x128xf32, #tpu.memory_space<hbm>>
      %dma_start3A_220 = arith.constant 0 : i32
      %dma_start3A_221 = tpu.memref_slice %arg6[%add3A_144, %add3A_192, %dma_start3A_220] : memref<4x10240x128xf32, #tpu.memory_space<hbm>> -> memref<1x80x128xf32, #tpu.memory_space<hbm>>
      %dma_start3A_222 = tpu.memref_squeeze %dma_start3A_221 : memref<1x80x128xf32, #tpu.memory_space<hbm>> -> memref<80x128xf32, #tpu.memory_space<hbm>>
      tpu.enqueue_dma source(%arg11 : memref<80x128xf32, #tpu.memory_space<vmem>>) target(%dma_start3A_222 : memref<80x128xf32, #tpu.memory_space<hbm>>) target_semaphore(%run_scoped3A : memref<!tpu.dma_semaphore, #tpu.memory_space<semaphore_mem>>)
      %dma_wait3A_223 = arith.constant 0 : i32
      %dma_wait3A_224 = tpu.memref_slice %arg6[%add3A_144, %add3A_192, %dma_wait3A_223] : memref<4x10240x128xf32, #tpu.memory_space<hbm>> -> memref<1x80x128xf32, #tpu.memory_space<hbm>>
      %dma_wait3A_225 = tpu.memref_squeeze %dma_wait3A_224 : memref<1x80x128xf32, #tpu.memory_space<hbm>> -> memref<80x128xf32, #tpu.memory_space<hbm>>
      %dma_wait3A_226 = arith.constant 0 : i32
      %dma_wait3A_227 = tpu.memref_slice %arg6[%add3A_144, %add3A_192, %dma_wait3A_226] : memref<4x10240x128xf32, #tpu.memory_space<hbm>> -> memref<1x80x128xf32, #tpu.memory_space<hbm>>
      %dma_wait3A_228 = tpu.memref_squeeze %dma_wait3A_227 : memref<1x80x128xf32, #tpu.memory_space<hbm>> -> memref<80x128xf32, #tpu.memory_space<hbm>>
      tpu.wait_dma2 semaphore(%run_scoped3A : memref<!tpu.dma_semaphore, #tpu.memory_space<semaphore_mem>>) src(%arg11 : memref<80x128xf32, #tpu.memory_space<vmem>>) dst(%dma_wait3A_228 : memref<80x128xf32, #tpu.memory_space<hbm>>)
      tpu.yield
    }) : () -> ()
    %mul3A_193 = arith.constant 640 : i32
    %mul3A_194 = arith.muli %arg1, %mul3A_193 : i32
    %add3A_195 = arith.constant 160 : i32
    %add3A_196 = arith.addi %mul3A_194, %add3A_195 : i32
    "tpu.region"() ({
      %run_scoped3A = tpu.sem_alloc : memref<!tpu.dma_semaphore, #tpu.memory_space<semaphore_mem>>
      %dma_start3A_217 = arith.constant 0 : i32
      %dma_start3A_218 = tpu.memref_slice %arg13[%add3A_196, %dma_start3A_217] : memref<10240x128xf32, #tpu.memory_space<vmem_shared>> -> memref<80x128xf32, #tpu.memory_space<vmem_shared>>
      %dma_start3A_219 = arith.constant 0 : i32
      %dma_start3A_220 = tpu.memref_slice %arg13[%add3A_196, %dma_start3A_219] : memref<10240x128xf32, #tpu.memory_space<vmem_shared>> -> memref<80x128xf32, #tpu.memory_space<vmem_shared>>
      tpu.enqueue_dma source(%dma_start3A_220 : memref<80x128xf32, #tpu.memory_space<vmem_shared>>) target(%arg11 : memref<80x128xf32, #tpu.memory_space<vmem>>) target_semaphore(%run_scoped3A : memref<!tpu.dma_semaphore, #tpu.memory_space<semaphore_mem>>)
      %dma_wait3A_221 = arith.constant 0 : i32
      %dma_wait3A_222 = tpu.memref_slice %arg13[%add3A_196, %dma_wait3A_221] : memref<10240x128xf32, #tpu.memory_space<vmem_shared>> -> memref<80x128xf32, #tpu.memory_space<vmem_shared>>
      %dma_wait3A_223 = arith.constant 0 : i32
      %dma_wait3A_224 = tpu.memref_slice %arg13[%add3A_196, %dma_wait3A_223] : memref<10240x128xf32, #tpu.memory_space<vmem_shared>> -> memref<80x128xf32, #tpu.memory_space<vmem_shared>>
      tpu.wait_dma2 semaphore(%run_scoped3A : memref<!tpu.dma_semaphore, #tpu.memory_space<semaphore_mem>>) src(%dma_wait3A_224 : memref<80x128xf32, #tpu.memory_space<vmem_shared>>) dst(%arg11 : memref<80x128xf32, #tpu.memory_space<vmem>>)
      tpu.yield
    }) : () -> ()
    "tpu.region"() ({
      %run_scoped3A = tpu.sem_alloc : memref<!tpu.dma_semaphore, #tpu.memory_space<semaphore_mem>>
      %dma_start3A_217 = arith.constant 0 : i32
      %dma_start3A_218 = tpu.memref_slice %arg6[%add3A_144, %add3A_196, %dma_start3A_217] : memref<4x10240x128xf32, #tpu.memory_space<hbm>> -> memref<1x80x128xf32, #tpu.memory_space<hbm>>
      %dma_start3A_219 = tpu.memref_squeeze %dma_start3A_218 : memref<1x80x128xf32, #tpu.memory_space<hbm>> -> memref<80x128xf32, #tpu.memory_space<hbm>>
      %dma_start3A_220 = arith.constant 0 : i32
      %dma_start3A_221 = tpu.memref_slice %arg6[%add3A_144, %add3A_196, %dma_start3A_220] : memref<4x10240x128xf32, #tpu.memory_space<hbm>> -> memref<1x80x128xf32, #tpu.memory_space<hbm>>
      %dma_start3A_222 = tpu.memref_squeeze %dma_start3A_221 : memref<1x80x128xf32, #tpu.memory_space<hbm>> -> memref<80x128xf32, #tpu.memory_space<hbm>>
      tpu.enqueue_dma source(%arg11 : memref<80x128xf32, #tpu.memory_space<vmem>>) target(%dma_start3A_222 : memref<80x128xf32, #tpu.memory_space<hbm>>) target_semaphore(%run_scoped3A : memref<!tpu.dma_semaphore, #tpu.memory_space<semaphore_mem>>)
      %dma_wait3A_223 = arith.constant 0 : i32
      %dma_wait3A_224 = tpu.memref_slice %arg6[%add3A_144, %add3A_196, %dma_wait3A_223] : memref<4x10240x128xf32, #tpu.memory_space<hbm>> -> memref<1x80x128xf32, #tpu.memory_space<hbm>>
      %dma_wait3A_225 = tpu.memref_squeeze %dma_wait3A_224 : memref<1x80x128xf32, #tpu.memory_space<hbm>> -> memref<80x128xf32, #tpu.memory_space<hbm>>
      %dma_wait3A_226 = arith.constant 0 : i32
      %dma_wait3A_227 = tpu.memref_slice %arg6[%add3A_144, %add3A_196, %dma_wait3A_226] : memref<4x10240x128xf32, #tpu.memory_space<hbm>> -> memref<1x80x128xf32, #tpu.memory_space<hbm>>
      %dma_wait3A_228 = tpu.memref_squeeze %dma_wait3A_227 : memref<1x80x128xf32, #tpu.memory_space<hbm>> -> memref<80x128xf32, #tpu.memory_space<hbm>>
      tpu.wait_dma2 semaphore(%run_scoped3A : memref<!tpu.dma_semaphore, #tpu.memory_space<semaphore_mem>>) src(%arg11 : memref<80x128xf32, #tpu.memory_space<vmem>>) dst(%dma_wait3A_228 : memref<80x128xf32, #tpu.memory_space<hbm>>)
      tpu.yield
    }) : () -> ()
    %mul3A_197 = arith.constant 640 : i32
    %mul3A_198 = arith.muli %arg1, %mul3A_197 : i32
    %add3A_199 = arith.constant 240 : i32
    %add3A_200 = arith.addi %mul3A_198, %add3A_199 : i32
    "tpu.region"() ({
      %run_scoped3A = tpu.sem_alloc : memref<!tpu.dma_semaphore, #tpu.memory_space<semaphore_mem>>
      %dma_start3A_217 = arith.constant 0 : i32
      %dma_start3A_218 = tpu.memref_slice %arg13[%add3A_200, %dma_start3A_217] : memref<10240x128xf32, #tpu.memory_space<vmem_shared>> -> memref<80x128xf32, #tpu.memory_space<vmem_shared>>
      %dma_start3A_219 = arith.constant 0 : i32
      %dma_start3A_220 = tpu.memref_slice %arg13[%add3A_200, %dma_start3A_219] : memref<10240x128xf32, #tpu.memory_space<vmem_shared>> -> memref<80x128xf32, #tpu.memory_space<vmem_shared>>
      tpu.enqueue_dma source(%dma_start3A_220 : memref<80x128xf32, #tpu.memory_space<vmem_shared>>) target(%arg11 : memref<80x128xf32, #tpu.memory_space<vmem>>) target_semaphore(%run_scoped3A : memref<!tpu.dma_semaphore, #tpu.memory_space<semaphore_mem>>)
      %dma_wait3A_221 = arith.constant 0 : i32
      %dma_wait3A_222 = tpu.memref_slice %arg13[%add3A_200, %dma_wait3A_221] : memref<10240x128xf32, #tpu.memory_space<vmem_shared>> -> memref<80x128xf32, #tpu.memory_space<vmem_shared>>
      %dma_wait3A_223 = arith.constant 0 : i32
      %dma_wait3A_224 = tpu.memref_slice %arg13[%add3A_200, %dma_wait3A_223] : memref<10240x128xf32, #tpu.memory_space<vmem_shared>> -> memref<80x128xf32, #tpu.memory_space<vmem_shared>>
      tpu.wait_dma2 semaphore(%run_scoped3A : memref<!tpu.dma_semaphore, #tpu.memory_space<semaphore_mem>>) src(%dma_wait3A_224 : memref<80x128xf32, #tpu.memory_space<vmem_shared>>) dst(%arg11 : memref<80x128xf32, #tpu.memory_space<vmem>>)
      tpu.yield
    }) : () -> ()
    "tpu.region"() ({
      %run_scoped3A = tpu.sem_alloc : memref<!tpu.dma_semaphore, #tpu.memory_space<semaphore_mem>>
      %dma_start3A_217 = arith.constant 0 : i32
      %dma_start3A_218 = tpu.memref_slice %arg6[%add3A_144, %add3A_200, %dma_start3A_217] : memref<4x10240x128xf32, #tpu.memory_space<hbm>> -> memref<1x80x128xf32, #tpu.memory_space<hbm>>
      %dma_start3A_219 = tpu.memref_squeeze %dma_start3A_218 : memref<1x80x128xf32, #tpu.memory_space<hbm>> -> memref<80x128xf32, #tpu.memory_space<hbm>>
      %dma_start3A_220 = arith.constant 0 : i32
      %dma_start3A_221 = tpu.memref_slice %arg6[%add3A_144, %add3A_200, %dma_start3A_220] : memref<4x10240x128xf32, #tpu.memory_space<hbm>> -> memref<1x80x128xf32, #tpu.memory_space<hbm>>
      %dma_start3A_222 = tpu.memref_squeeze %dma_start3A_221 : memref<1x80x128xf32, #tpu.memory_space<hbm>> -> memref<80x128xf32, #tpu.memory_space<hbm>>
      tpu.enqueue_dma source(%arg11 : memref<80x128xf32, #tpu.memory_space<vmem>>) target(%dma_start3A_222 : memref<80x128xf32, #tpu.memory_space<hbm>>) target_semaphore(%run_scoped3A : memref<!tpu.dma_semaphore, #tpu.memory_space<semaphore_mem>>)
      %dma_wait3A_223 = arith.constant 0 : i32
      %dma_wait3A_224 = tpu.memref_slice %arg6[%add3A_144, %add3A_200, %dma_wait3A_223] : memref<4x10240x128xf32, #tpu.memory_space<hbm>> -> memref<1x80x128xf32, #tpu.memory_space<hbm>>
      %dma_wait3A_225 = tpu.memref_squeeze %dma_wait3A_224 : memref<1x80x128xf32, #tpu.memory_space<hbm>> -> memref<80x128xf32, #tpu.memory_space<hbm>>
      %dma_wait3A_226 = arith.constant 0 : i32
      %dma_wait3A_227 = tpu.memref_slice %arg6[%add3A_144, %add3A_200, %dma_wait3A_226] : memref<4x10240x128xf32, #tpu.memory_space<hbm>> -> memref<1x80x128xf32, #tpu.memory_space<hbm>>
      %dma_wait3A_228 = tpu.memref_squeeze %dma_wait3A_227 : memref<1x80x128xf32, #tpu.memory_space<hbm>> -> memref<80x128xf32, #tpu.memory_space<hbm>>
      tpu.wait_dma2 semaphore(%run_scoped3A : memref<!tpu.dma_semaphore, #tpu.memory_space<semaphore_mem>>) src(%arg11 : memref<80x128xf32, #tpu.memory_space<vmem>>) dst(%dma_wait3A_228 : memref<80x128xf32, #tpu.memory_space<hbm>>)
      tpu.yield
    }) : () -> ()
    %mul3A_201 = arith.constant 640 : i32
    %mul3A_202 = arith.muli %arg1, %mul3A_201 : i32
    %add3A_203 = arith.constant 320 : i32
    %add3A_204 = arith.addi %mul3A_202, %add3A_203 : i32
    "tpu.region"() ({
      %run_scoped3A = tpu.sem_alloc : memref<!tpu.dma_semaphore, #tpu.memory_space<semaphore_mem>>
      %dma_start3A_217 = arith.constant 0 : i32
      %dma_start3A_218 = tpu.memref_slice %arg13[%add3A_204, %dma_start3A_217] : memref<10240x128xf32, #tpu.memory_space<vmem_shared>> -> memref<80x128xf32, #tpu.memory_space<vmem_shared>>
      %dma_start3A_219 = arith.constant 0 : i32
      %dma_start3A_220 = tpu.memref_slice %arg13[%add3A_204, %dma_start3A_219] : memref<10240x128xf32, #tpu.memory_space<vmem_shared>> -> memref<80x128xf32, #tpu.memory_space<vmem_shared>>
      tpu.enqueue_dma source(%dma_start3A_220 : memref<80x128xf32, #tpu.memory_space<vmem_shared>>) target(%arg11 : memref<80x128xf32, #tpu.memory_space<vmem>>) target_semaphore(%run_scoped3A : memref<!tpu.dma_semaphore, #tpu.memory_space<semaphore_mem>>)
      %dma_wait3A_221 = arith.constant 0 : i32
      %dma_wait3A_222 = tpu.memref_slice %arg13[%add3A_204, %dma_wait3A_221] : memref<10240x128xf32, #tpu.memory_space<vmem_shared>> -> memref<80x128xf32, #tpu.memory_space<vmem_shared>>
      %dma_wait3A_223 = arith.constant 0 : i32
      %dma_wait3A_224 = tpu.memref_slice %arg13[%add3A_204, %dma_wait3A_223] : memref<10240x128xf32, #tpu.memory_space<vmem_shared>> -> memref<80x128xf32, #tpu.memory_space<vmem_shared>>
      tpu.wait_dma2 semaphore(%run_scoped3A : memref<!tpu.dma_semaphore, #tpu.memory_space<semaphore_mem>>) src(%dma_wait3A_224 : memref<80x128xf32, #tpu.memory_space<vmem_shared>>) dst(%arg11 : memref<80x128xf32, #tpu.memory_space<vmem>>)
      tpu.yield
    }) : () -> ()
    "tpu.region"() ({
      %run_scoped3A = tpu.sem_alloc : memref<!tpu.dma_semaphore, #tpu.memory_space<semaphore_mem>>
      %dma_start3A_217 = arith.constant 0 : i32
      %dma_start3A_218 = tpu.memref_slice %arg6[%add3A_144, %add3A_204, %dma_start3A_217] : memref<4x10240x128xf32, #tpu.memory_space<hbm>> -> memref<1x80x128xf32, #tpu.memory_space<hbm>>
      %dma_start3A_219 = tpu.memref_squeeze %dma_start3A_218 : memref<1x80x128xf32, #tpu.memory_space<hbm>> -> memref<80x128xf32, #tpu.memory_space<hbm>>
      %dma_start3A_220 = arith.constant 0 : i32
      %dma_start3A_221 = tpu.memref_slice %arg6[%add3A_144, %add3A_204, %dma_start3A_220] : memref<4x10240x128xf32, #tpu.memory_space<hbm>> -> memref<1x80x128xf32, #tpu.memory_space<hbm>>
      %dma_start3A_222 = tpu.memref_squeeze %dma_start3A_221 : memref<1x80x128xf32, #tpu.memory_space<hbm>> -> memref<80x128xf32, #tpu.memory_space<hbm>>
      tpu.enqueue_dma source(%arg11 : memref<80x128xf32, #tpu.memory_space<vmem>>) target(%dma_start3A_222 : memref<80x128xf32, #tpu.memory_space<hbm>>) target_semaphore(%run_scoped3A : memref<!tpu.dma_semaphore, #tpu.memory_space<semaphore_mem>>)
      %dma_wait3A_223 = arith.constant 0 : i32
      %dma_wait3A_224 = tpu.memref_slice %arg6[%add3A_144, %add3A_204, %dma_wait3A_223] : memref<4x10240x128xf32, #tpu.memory_space<hbm>> -> memref<1x80x128xf32, #tpu.memory_space<hbm>>
      %dma_wait3A_225 = tpu.memref_squeeze %dma_wait3A_224 : memref<1x80x128xf32, #tpu.memory_space<hbm>> -> memref<80x128xf32, #tpu.memory_space<hbm>>
      %dma_wait3A_226 = arith.constant 0 : i32
      %dma_wait3A_227 = tpu.memref_slice %arg6[%add3A_144, %add3A_204, %dma_wait3A_226] : memref<4x10240x128xf32, #tpu.memory_space<hbm>> -> memref<1x80x128xf32, #tpu.memory_space<hbm>>
      %dma_wait3A_228 = tpu.memref_squeeze %dma_wait3A_227 : memref<1x80x128xf32, #tpu.memory_space<hbm>> -> memref<80x128xf32, #tpu.memory_space<hbm>>
      tpu.wait_dma2 semaphore(%run_scoped3A : memref<!tpu.dma_semaphore, #tpu.memory_space<semaphore_mem>>) src(%arg11 : memref<80x128xf32, #tpu.memory_space<vmem>>) dst(%dma_wait3A_228 : memref<80x128xf32, #tpu.memory_space<hbm>>)
      tpu.yield
    }) : () -> ()
    %mul3A_205 = arith.constant 640 : i32
    %mul3A_206 = arith.muli %arg1, %mul3A_205 : i32
    %add3A_207 = arith.constant 400 : i32
    %add3A_208 = arith.addi %mul3A_206, %add3A_207 : i32
    "tpu.region"() ({
      %run_scoped3A = tpu.sem_alloc : memref<!tpu.dma_semaphore, #tpu.memory_space<semaphore_mem>>
      %dma_start3A_217 = arith.constant 0 : i32
      %dma_start3A_218 = tpu.memref_slice %arg13[%add3A_208, %dma_start3A_217] : memref<10240x128xf32, #tpu.memory_space<vmem_shared>> -> memref<80x128xf32, #tpu.memory_space<vmem_shared>>
      %dma_start3A_219 = arith.constant 0 : i32
      %dma_start3A_220 = tpu.memref_slice %arg13[%add3A_208, %dma_start3A_219] : memref<10240x128xf32, #tpu.memory_space<vmem_shared>> -> memref<80x128xf32, #tpu.memory_space<vmem_shared>>
      tpu.enqueue_dma source(%dma_start3A_220 : memref<80x128xf32, #tpu.memory_space<vmem_shared>>) target(%arg11 : memref<80x128xf32, #tpu.memory_space<vmem>>) target_semaphore(%run_scoped3A : memref<!tpu.dma_semaphore, #tpu.memory_space<semaphore_mem>>)
      %dma_wait3A_221 = arith.constant 0 : i32
      %dma_wait3A_222 = tpu.memref_slice %arg13[%add3A_208, %dma_wait3A_221] : memref<10240x128xf32, #tpu.memory_space<vmem_shared>> -> memref<80x128xf32, #tpu.memory_space<vmem_shared>>
      %dma_wait3A_223 = arith.constant 0 : i32
      %dma_wait3A_224 = tpu.memref_slice %arg13[%add3A_208, %dma_wait3A_223] : memref<10240x128xf32, #tpu.memory_space<vmem_shared>> -> memref<80x128xf32, #tpu.memory_space<vmem_shared>>
      tpu.wait_dma2 semaphore(%run_scoped3A : memref<!tpu.dma_semaphore, #tpu.memory_space<semaphore_mem>>) src(%dma_wait3A_224 : memref<80x128xf32, #tpu.memory_space<vmem_shared>>) dst(%arg11 : memref<80x128xf32, #tpu.memory_space<vmem>>)
      tpu.yield
    }) : () -> ()
    "tpu.region"() ({
      %run_scoped3A = tpu.sem_alloc : memref<!tpu.dma_semaphore, #tpu.memory_space<semaphore_mem>>
      %dma_start3A_217 = arith.constant 0 : i32
      %dma_start3A_218 = tpu.memref_slice %arg6[%add3A_144, %add3A_208, %dma_start3A_217] : memref<4x10240x128xf32, #tpu.memory_space<hbm>> -> memref<1x80x128xf32, #tpu.memory_space<hbm>>
      %dma_start3A_219 = tpu.memref_squeeze %dma_start3A_218 : memref<1x80x128xf32, #tpu.memory_space<hbm>> -> memref<80x128xf32, #tpu.memory_space<hbm>>
      %dma_start3A_220 = arith.constant 0 : i32
      %dma_start3A_221 = tpu.memref_slice %arg6[%add3A_144, %add3A_208, %dma_start3A_220] : memref<4x10240x128xf32, #tpu.memory_space<hbm>> -> memref<1x80x128xf32, #tpu.memory_space<hbm>>
      %dma_start3A_222 = tpu.memref_squeeze %dma_start3A_221 : memref<1x80x128xf32, #tpu.memory_space<hbm>> -> memref<80x128xf32, #tpu.memory_space<hbm>>
      tpu.enqueue_dma source(%arg11 : memref<80x128xf32, #tpu.memory_space<vmem>>) target(%dma_start3A_222 : memref<80x128xf32, #tpu.memory_space<hbm>>) target_semaphore(%run_scoped3A : memref<!tpu.dma_semaphore, #tpu.memory_space<semaphore_mem>>)
      %dma_wait3A_223 = arith.constant 0 : i32
      %dma_wait3A_224 = tpu.memref_slice %arg6[%add3A_144, %add3A_208, %dma_wait3A_223] : memref<4x10240x128xf32, #tpu.memory_space<hbm>> -> memref<1x80x128xf32, #tpu.memory_space<hbm>>
      %dma_wait3A_225 = tpu.memref_squeeze %dma_wait3A_224 : memref<1x80x128xf32, #tpu.memory_space<hbm>> -> memref<80x128xf32, #tpu.memory_space<hbm>>
      %dma_wait3A_226 = arith.constant 0 : i32
      %dma_wait3A_227 = tpu.memref_slice %arg6[%add3A_144, %add3A_208, %dma_wait3A_226] : memref<4x10240x128xf32, #tpu.memory_space<hbm>> -> memref<1x80x128xf32, #tpu.memory_space<hbm>>
      %dma_wait3A_228 = tpu.memref_squeeze %dma_wait3A_227 : memref<1x80x128xf32, #tpu.memory_space<hbm>> -> memref<80x128xf32, #tpu.memory_space<hbm>>
      tpu.wait_dma2 semaphore(%run_scoped3A : memref<!tpu.dma_semaphore, #tpu.memory_space<semaphore_mem>>) src(%arg11 : memref<80x128xf32, #tpu.memory_space<vmem>>) dst(%dma_wait3A_228 : memref<80x128xf32, #tpu.memory_space<hbm>>)
      tpu.yield
    }) : () -> ()
    %mul3A_209 = arith.constant 640 : i32
    %mul3A_210 = arith.muli %arg1, %mul3A_209 : i32
    %add3A_211 = arith.constant 480 : i32
    %add3A_212 = arith.addi %mul3A_210, %add3A_211 : i32
    "tpu.region"() ({
      %run_scoped3A = tpu.sem_alloc : memref<!tpu.dma_semaphore, #tpu.memory_space<semaphore_mem>>
      %dma_start3A_217 = arith.constant 0 : i32
      %dma_start3A_218 = tpu.memref_slice %arg13[%add3A_212, %dma_start3A_217] : memref<10240x128xf32, #tpu.memory_space<vmem_shared>> -> memref<80x128xf32, #tpu.memory_space<vmem_shared>>
      %dma_start3A_219 = arith.constant 0 : i32
      %dma_start3A_220 = tpu.memref_slice %arg13[%add3A_212, %dma_start3A_219] : memref<10240x128xf32, #tpu.memory_space<vmem_shared>> -> memref<80x128xf32, #tpu.memory_space<vmem_shared>>
      tpu.enqueue_dma source(%dma_start3A_220 : memref<80x128xf32, #tpu.memory_space<vmem_shared>>) target(%arg11 : memref<80x128xf32, #tpu.memory_space<vmem>>) target_semaphore(%run_scoped3A : memref<!tpu.dma_semaphore, #tpu.memory_space<semaphore_mem>>)
      %dma_wait3A_221 = arith.constant 0 : i32
      %dma_wait3A_222 = tpu.memref_slice %arg13[%add3A_212, %dma_wait3A_221] : memref<10240x128xf32, #tpu.memory_space<vmem_shared>> -> memref<80x128xf32, #tpu.memory_space<vmem_shared>>
      %dma_wait3A_223 = arith.constant 0 : i32
      %dma_wait3A_224 = tpu.memref_slice %arg13[%add3A_212, %dma_wait3A_223] : memref<10240x128xf32, #tpu.memory_space<vmem_shared>> -> memref<80x128xf32, #tpu.memory_space<vmem_shared>>
      tpu.wait_dma2 semaphore(%run_scoped3A : memref<!tpu.dma_semaphore, #tpu.memory_space<semaphore_mem>>) src(%dma_wait3A_224 : memref<80x128xf32, #tpu.memory_space<vmem_shared>>) dst(%arg11 : memref<80x128xf32, #tpu.memory_space<vmem>>)
      tpu.yield
    }) : () -> ()
    "tpu.region"() ({
      %run_scoped3A = tpu.sem_alloc : memref<!tpu.dma_semaphore, #tpu.memory_space<semaphore_mem>>
      %dma_start3A_217 = arith.constant 0 : i32
      %dma_start3A_218 = tpu.memref_slice %arg6[%add3A_144, %add3A_212, %dma_start3A_217] : memref<4x10240x128xf32, #tpu.memory_space<hbm>> -> memref<1x80x128xf32, #tpu.memory_space<hbm>>
      %dma_start3A_219 = tpu.memref_squeeze %dma_start3A_218 : memref<1x80x128xf32, #tpu.memory_space<hbm>> -> memref<80x128xf32, #tpu.memory_space<hbm>>
      %dma_start3A_220 = arith.constant 0 : i32
      %dma_start3A_221 = tpu.memref_slice %arg6[%add3A_144, %add3A_212, %dma_start3A_220] : memref<4x10240x128xf32, #tpu.memory_space<hbm>> -> memref<1x80x128xf32, #tpu.memory_space<hbm>>
      %dma_start3A_222 = tpu.memref_squeeze %dma_start3A_221 : memref<1x80x128xf32, #tpu.memory_space<hbm>> -> memref<80x128xf32, #tpu.memory_space<hbm>>
      tpu.enqueue_dma source(%arg11 : memref<80x128xf32, #tpu.memory_space<vmem>>) target(%dma_start3A_222 : memref<80x128xf32, #tpu.memory_space<hbm>>) target_semaphore(%run_scoped3A : memref<!tpu.dma_semaphore, #tpu.memory_space<semaphore_mem>>)
      %dma_wait3A_223 = arith.constant 0 : i32
      %dma_wait3A_224 = tpu.memref_slice %arg6[%add3A_144, %add3A_212, %dma_wait3A_223] : memref<4x10240x128xf32, #tpu.memory_space<hbm>> -> memref<1x80x128xf32, #tpu.memory_space<hbm>>
      %dma_wait3A_225 = tpu.memref_squeeze %dma_wait3A_224 : memref<1x80x128xf32, #tpu.memory_space<hbm>> -> memref<80x128xf32, #tpu.memory_space<hbm>>
      %dma_wait3A_226 = arith.constant 0 : i32
      %dma_wait3A_227 = tpu.memref_slice %arg6[%add3A_144, %add3A_212, %dma_wait3A_226] : memref<4x10240x128xf32, #tpu.memory_space<hbm>> -> memref<1x80x128xf32, #tpu.memory_space<hbm>>
      %dma_wait3A_228 = tpu.memref_squeeze %dma_wait3A_227 : memref<1x80x128xf32, #tpu.memory_space<hbm>> -> memref<80x128xf32, #tpu.memory_space<hbm>>
      tpu.wait_dma2 semaphore(%run_scoped3A : memref<!tpu.dma_semaphore, #tpu.memory_space<semaphore_mem>>) src(%arg11 : memref<80x128xf32, #tpu.memory_space<vmem>>) dst(%dma_wait3A_228 : memref<80x128xf32, #tpu.memory_space<hbm>>)
      tpu.yield
    }) : () -> ()
    %mul3A_213 = arith.constant 640 : i32
    %mul3A_214 = arith.muli %arg1, %mul3A_213 : i32
    %add3A_215 = arith.constant 560 : i32
    %add3A_216 = arith.addi %mul3A_214, %add3A_215 : i32
    "tpu.region"() ({
      %run_scoped3A = tpu.sem_alloc : memref<!tpu.dma_semaphore, #tpu.memory_space<semaphore_mem>>
      %dma_start3A_217 = arith.constant 0 : i32
      %dma_start3A_218 = tpu.memref_slice %arg13[%add3A_216, %dma_start3A_217] : memref<10240x128xf32, #tpu.memory_space<vmem_shared>> -> memref<80x128xf32, #tpu.memory_space<vmem_shared>>
      %dma_start3A_219 = arith.constant 0 : i32
      %dma_start3A_220 = tpu.memref_slice %arg13[%add3A_216, %dma_start3A_219] : memref<10240x128xf32, #tpu.memory_space<vmem_shared>> -> memref<80x128xf32, #tpu.memory_space<vmem_shared>>
      tpu.enqueue_dma source(%dma_start3A_220 : memref<80x128xf32, #tpu.memory_space<vmem_shared>>) target(%arg11 : memref<80x128xf32, #tpu.memory_space<vmem>>) target_semaphore(%run_scoped3A : memref<!tpu.dma_semaphore, #tpu.memory_space<semaphore_mem>>)
      %dma_wait3A_221 = arith.constant 0 : i32
      %dma_wait3A_222 = tpu.memref_slice %arg13[%add3A_216, %dma_wait3A_221] : memref<10240x128xf32, #tpu.memory_space<vmem_shared>> -> memref<80x128xf32, #tpu.memory_space<vmem_shared>>
      %dma_wait3A_223 = arith.constant 0 : i32
      %dma_wait3A_224 = tpu.memref_slice %arg13[%add3A_216, %dma_wait3A_223] : memref<10240x128xf32, #tpu.memory_space<vmem_shared>> -> memref<80x128xf32, #tpu.memory_space<vmem_shared>>
      tpu.wait_dma2 semaphore(%run_scoped3A : memref<!tpu.dma_semaphore, #tpu.memory_space<semaphore_mem>>) src(%dma_wait3A_224 : memref<80x128xf32, #tpu.memory_space<vmem_shared>>) dst(%arg11 : memref<80x128xf32, #tpu.memory_space<vmem>>)
      tpu.yield
    }) : () -> ()
    "tpu.region"() ({
      %run_scoped3A = tpu.sem_alloc : memref<!tpu.dma_semaphore, #tpu.memory_space<semaphore_mem>>
      %dma_start3A_217 = arith.constant 0 : i32
      %dma_start3A_218 = tpu.memref_slice %arg6[%add3A_144, %add3A_216, %dma_start3A_217] : memref<4x10240x128xf32, #tpu.memory_space<hbm>> -> memref<1x80x128xf32, #tpu.memory_space<hbm>>
      %dma_start3A_219 = tpu.memref_squeeze %dma_start3A_218 : memref<1x80x128xf32, #tpu.memory_space<hbm>> -> memref<80x128xf32, #tpu.memory_space<hbm>>
      %dma_start3A_220 = arith.constant 0 : i32
      %dma_start3A_221 = tpu.memref_slice %arg6[%add3A_144, %add3A_216, %dma_start3A_220] : memref<4x10240x128xf32, #tpu.memory_space<hbm>> -> memref<1x80x128xf32, #tpu.memory_space<hbm>>
      %dma_start3A_222 = tpu.memref_squeeze %dma_start3A_221 : memref<1x80x128xf32, #tpu.memory_space<hbm>> -> memref<80x128xf32, #tpu.memory_space<hbm>>
      tpu.enqueue_dma source(%arg11 : memref<80x128xf32, #tpu.memory_space<vmem>>) target(%dma_start3A_222 : memref<80x128xf32, #tpu.memory_space<hbm>>) target_semaphore(%run_scoped3A : memref<!tpu.dma_semaphore, #tpu.memory_space<semaphore_mem>>)
      %dma_wait3A_223 = arith.constant 0 : i32
      %dma_wait3A_224 = tpu.memref_slice %arg6[%add3A_144, %add3A_216, %dma_wait3A_223] : memref<4x10240x128xf32, #tpu.memory_space<hbm>> -> memref<1x80x128xf32, #tpu.memory_space<hbm>>
      %dma_wait3A_225 = tpu.memref_squeeze %dma_wait3A_224 : memref<1x80x128xf32, #tpu.memory_space<hbm>> -> memref<80x128xf32, #tpu.memory_space<hbm>>
      %dma_wait3A_226 = arith.constant 0 : i32
      %dma_wait3A_227 = tpu.memref_slice %arg6[%add3A_144, %add3A_216, %dma_wait3A_226] : memref<4x10240x128xf32, #tpu.memory_space<hbm>> -> memref<1x80x128xf32, #tpu.memory_space<hbm>>
      %dma_wait3A_228 = tpu.memref_squeeze %dma_wait3A_227 : memref<1x80x128xf32, #tpu.memory_space<hbm>> -> memref<80x128xf32, #tpu.memory_space<hbm>>
      tpu.wait_dma2 semaphore(%run_scoped3A : memref<!tpu.dma_semaphore, #tpu.memory_space<semaphore_mem>>) src(%arg11 : memref<80x128xf32, #tpu.memory_space<vmem>>) dst(%dma_wait3A_228 : memref<80x128xf32, #tpu.memory_space<hbm>>)
      tpu.yield
    }) : () -> ()
    return
  }
}

module attributes {stable_mosaic.version = 14 : i64} {
  func.func @_gtable_body(%arg0: i32, %arg1: i32, %arg2: memref<512x128xf32, #tpu.memory_space<vmem>>, %arg3: memref<1x128x128xf32, #tpu.memory_space<vmem>>, %arg4: memref<512x4xf32, #tpu.memory_space<vmem>>, %arg5: memref<1x512x128xf32, #tpu.memory_space<vmem>>, %arg6: memref<1x512x1xf32, #tpu.memory_space<vmem>>) attributes {dimension_semantics = [#tpu.dimension_semantics<arbitrary>, #tpu.dimension_semantics<arbitrary>], iteration_bounds = array<i64: 3, 20>, scalar_prefetch = 0 : i64, scratch_operands = 0 : i64, tpu.core_type = #tpu.core_type<tc>, window_params = [{transform_indices = @transform_0, window_bounds = array<i64: 512, 128>}, {transform_indices = @transform_1, window_bounds = array<i64: 1, 128, 128>}, {transform_indices = @transform_2, window_bounds = array<i64: 512, 4>}, {transform_indices = @transform_3, window_bounds = array<i64: 1, 512, 128>}, {transform_indices = @transform_4, window_bounds = array<i64: 1, 512, 1>}]} {
    %get3A = arith.constant 0 : index
    %get3A_0 = arith.constant 0 : index
    %get3A_1 = vector.load %arg4[%get3A, %get3A_0] : memref<512x4xf32, #tpu.memory_space<vmem>>, vector<512x4xf32>
    %eq3A = arith.constant 0 : i32
    %eq3A_2 = arith.cmpi eq, %arg0, %eq3A : i32
    %slice3A = vector.extract_strided_slice %get3A_1 {offsets = [0, 0], sizes = [512, 1], strides = [1, 1]} : vector<512x4xf32> to vector<512x1xf32>
    %squeeze3A = vector.shape_cast %slice3A : vector<512x1xf32> to vector<512xf32>
    %eq3A_3 = arith.constant 1 : i32
    %eq3A_4 = arith.cmpi eq, %arg0, %eq3A_3 : i32
    %slice3A_5 = vector.extract_strided_slice %get3A_1 {offsets = [0, 1], sizes = [512, 1], strides = [1, 1]} : vector<512x4xf32> to vector<512x1xf32>
    %squeeze3A_6 = vector.shape_cast %slice3A_5 : vector<512x1xf32> to vector<512xf32>
    %slice3A_7 = vector.extract_strided_slice %get3A_1 {offsets = [0, 2], sizes = [512, 1], strides = [1, 1]} : vector<512x4xf32> to vector<512x1xf32>
    %squeeze3A_8 = vector.shape_cast %slice3A_7 : vector<512x1xf32> to vector<512xf32>
    %slice3A_9 = vector.extract_strided_slice %get3A_1 {offsets = [0, 3], sizes = [512, 1], strides = [1, 1]} : vector<512x4xf32> to vector<512x1xf32>
    %squeeze3A_10 = vector.shape_cast %slice3A_9 : vector<512x1xf32> to vector<512xf32>
    %add3A = arith.addf %squeeze3A_8, %squeeze3A_10 : vector<512xf32>
    %select_n3A = arith.select %eq3A_4, %squeeze3A_6, %add3A : vector<512xf32>
    %select_n3A_11 = arith.select %eq3A_2, %squeeze3A, %select_n3A : vector<512xf32>
    %add3A_12 = arith.constant 1.000000e+00 : f32
    %add3A_13 = vector.broadcast %add3A_12 : f32 to vector<512xf32>
    %add3A_14 = arith.addf %select_n3A_11, %add3A_13 : vector<512xf32>
    %rsqrt3A = math.rsqrt %add3A_14 : vector<512xf32>
    %get3A_15 = arith.constant 0 : index
    %get3A_16 = arith.constant 0 : index
    %get3A_17 = vector.load %arg2[%get3A_15, %get3A_16] : memref<512x128xf32, #tpu.memory_space<vmem>>, vector<512x128xf32>
    %get3A_18 = arith.constant 0 : index
    %get3A_19 = arith.constant 0 : index
    %get3A_20 = arith.constant 0 : index
    %get3A_21 = vector.load %arg3[%get3A_18, %get3A_19, %get3A_20] : memref<1x128x128xf32, #tpu.memory_space<vmem>>, vector<1x128x128xf32>
    %get3A_22 = vector.shape_cast %get3A_21 : vector<1x128x128xf32> to vector<128x128xf32>
    %dot_general3A = arith.constant dense<0.000000e+00> : vector<512x128xf32>
    %dot_general3A_23 = tpu.matmul %get3A_17, %get3A_22, %dot_general3A {dimension_numbers = #tpu.dot_dimension_numbers<[1], [0], [0], [1], [0, 0, 1, 1], [], []>, transpose_lhs_hint = false} : vector<512x128xf32>, vector<128x128xf32>, vector<512x128xf32> -> vector<512x128xf32>
    %broadcast_in_dim3A = vector.shape_cast %rsqrt3A : vector<512xf32> to vector<512x1xf32>
    %mul3A = vector.broadcast %broadcast_in_dim3A : vector<512x1xf32> to vector<512x128xf32>
    %mul3A_24 = arith.mulf %dot_general3A_23, %mul3A : vector<512x128xf32>
    %swap3A = arith.constant 0 : index
    %swap3A_25 = arith.constant 0 : index
    %swap3A_26 = arith.constant 0 : index
    %swap3A_27 = vector.load %arg5[%swap3A, %swap3A_25, %swap3A_26] : memref<1x512x128xf32, #tpu.memory_space<vmem>>, vector<1x512x128xf32>
    %swap3A_28 = vector.shape_cast %swap3A_27 : vector<1x512x128xf32> to vector<512x128xf32>
    %swap3A_29 = vector.shape_cast %mul3A_24 : vector<512x128xf32> to vector<1x512x128xf32>
    tpu.vector_store %arg5[%swap3A, %swap3A_25, %swap3A_26], %swap3A_29 {strides = array<i32>} : memref<1x512x128xf32, #tpu.memory_space<vmem>>, vector<1x512x128xf32>,
    %broadcast_in_dim3A_30 = vector.shape_cast %rsqrt3A : vector<512xf32> to vector<512x1xf32>
    %swap3A_31 = arith.constant 0 : index
    %swap3A_32 = arith.constant 0 : index
    %swap3A_33 = arith.constant 0 : index
    %swap3A_34 = vector.load %arg6[%swap3A_31, %swap3A_32, %swap3A_33] : memref<1x512x1xf32, #tpu.memory_space<vmem>>, vector<1x512x1xf32>
    %swap3A_35 = vector.shape_cast %swap3A_34 : vector<1x512x1xf32> to vector<512x1xf32>
    %swap3A_36 = vector.shape_cast %broadcast_in_dim3A_30 : vector<512x1xf32> to vector<1x512x1xf32>
    tpu.vector_store %arg6[%swap3A_31, %swap3A_32, %swap3A_33], %swap3A_36 {strides = array<i32>} : memref<1x512x1xf32, #tpu.memory_space<vmem>>, vector<1x512x1xf32>,
    return
  }
  func.func @transform_0(%arg0: i32, %arg1: i32) -> (i32, i32) {
    %c0_i32 = arith.constant 0 : i32
    %c0_i32_0 = arith.constant 0 : i32
    return %arg1, %c0_i32 : i32, i32
  }
  func.func @transform_1(%arg0: i32, %arg1: i32) -> (i32, i32, i32) {
    %c0_i32 = arith.constant 0 : i32
    %c0_i32_0 = arith.constant 0 : i32
    %c0_i32_1 = arith.constant 0 : i32
    return %arg0, %c0_i32, %c0_i32_0 : i32, i32, i32
  }
  func.func @transform_2(%arg0: i32, %arg1: i32) -> (i32, i32) {
    %c0_i32 = arith.constant 0 : i32
    %c0_i32_0 = arith.constant 0 : i32
    return %arg1, %c0_i32 : i32, i32
  }
  func.func @transform_3(%arg0: i32, %arg1: i32) -> (i32, i32, i32) {
    %c0_i32 = arith.constant 0 : i32
    %c0_i32_0 = arith.constant 0 : i32
    return %arg0, %arg1, %c0_i32 : i32, i32, i32
  }
  func.func @transform_4(%arg0: i32, %arg1: i32) -> (i32, i32, i32) {
    %c0_i32 = arith.constant 0 : i32
    %c0_i32_0 = arith.constant 0 : i32
    return %arg0, %arg1, %c0_i32 : i32, i32, i32
  }
}

module attributes {stable_mosaic.version = 14 : i64} {
  func.func @_head_body(%arg0: i32, %arg1: memref<4x512x128xf32, #tpu.memory_space<vmem>>, %arg2: memref<3x512x128xf32, #tpu.memory_space<vmem>>, %arg3: memref<3x512x1xf32, #tpu.memory_space<vmem>>, %arg4: memref<3x128xf32, #tpu.memory_space<vmem>>, %arg5: memref<128x40xf32, #tpu.memory_space<vmem>>, %arg6: memref<40xf32, #tpu.memory_space<vmem>>, %arg7: memref<512x40xf32, #tpu.memory_space<vmem>>) attributes {dimension_semantics = [#tpu.dimension_semantics<arbitrary>], iteration_bounds = array<i64: 20>, scalar_prefetch = 0 : i64, scratch_operands = 0 : i64, tpu.core_type = #tpu.core_type<tc>, window_params = [{transform_indices = @transform_0, window_bounds = array<i64: 4, 512, 128>}, {transform_indices = @transform_1, window_bounds = array<i64: 3, 512, 128>}, {transform_indices = @transform_2, window_bounds = array<i64: 3, 512, 1>}, {pipeline_mode = #tpu.pipeline_mode<synchronous>, transform_indices = @transform_3, window_bounds = array<i64: 3, 128>}, {pipeline_mode = #tpu.pipeline_mode<synchronous>, transform_indices = @transform_4, window_bounds = array<i64: 128, 40>}, {pipeline_mode = #tpu.pipeline_mode<synchronous>, transform_indices = @transform_5, window_bounds = array<i64: 40>}, {transform_indices = @transform_6, window_bounds = array<i64: 512, 40>}]} {
    %get3A = arith.constant 0 : index
    %get3A_0 = arith.constant 0 : index
    %get3A_1 = arith.constant 0 : index
    %get3A_2 = vector.load %arg1[%get3A, %get3A_0, %get3A_1] : memref<4x512x128xf32, #tpu.memory_space<vmem>>, vector<4x512x128xf32>
    %get3A_3 = arith.constant 0 : index
    %get3A_4 = arith.constant 0 : index
    %get3A_5 = arith.constant 0 : index
    %get3A_6 = vector.load %arg2[%get3A_3, %get3A_4, %get3A_5] : memref<3x512x128xf32, #tpu.memory_space<vmem>>, vector<3x512x128xf32>
    %get3A_7 = arith.constant 0 : index
    %get3A_8 = arith.constant 0 : index
    %get3A_9 = arith.constant 0 : index
    %get3A_10 = vector.load %arg3[%get3A_7, %get3A_8, %get3A_9] : memref<3x512x1xf32, #tpu.memory_space<vmem>>, vector<3x512x1xf32>
    %get3A_11 = arith.constant 0 : index
    %get3A_12 = arith.constant 0 : index
    %get3A_13 = vector.load %arg4[%get3A_11, %get3A_12] : memref<3x128xf32, #tpu.memory_space<vmem>>, vector<3x128xf32>
    %slice3A = vector.extract_strided_slice %get3A_10 {offsets = [0, 0, 0], sizes = [1, 512, 1], strides = [1, 1, 1]} : vector<3x512x1xf32> to vector<1x512x1xf32>
    %squeeze3A = vector.shape_cast %slice3A : vector<1x512x1xf32> to vector<512x1xf32>
    %slice3A_14 = vector.extract_strided_slice %get3A_2 {offsets = [0, 0, 0], sizes = [1, 512, 128], strides = [1, 1, 1]} : vector<4x512x128xf32> to vector<1x512x128xf32>
    %squeeze3A_15 = vector.shape_cast %slice3A_14 : vector<1x512x128xf32> to vector<512x128xf32>
    %slice3A_16 = vector.extract_strided_slice %get3A_6 {offsets = [0, 0, 0], sizes = [1, 512, 128], strides = [1, 1, 1]} : vector<3x512x128xf32> to vector<1x512x128xf32>
    %squeeze3A_17 = vector.shape_cast %slice3A_16 : vector<1x512x128xf32> to vector<512x128xf32>
    %add3A = arith.addf %squeeze3A_15, %squeeze3A_17 : vector<512x128xf32>
    %mul3A = vector.broadcast %squeeze3A : vector<512x1xf32> to vector<512x128xf32>
    %mul3A_18 = arith.mulf %mul3A, %add3A : vector<512x128xf32>
    %slice3A_19 = vector.extract_strided_slice %get3A_13 {offsets = [0, 0], sizes = [1, 128], strides = [1, 1]} : vector<3x128xf32> to vector<1x128xf32>
    %squeeze3A_20 = vector.shape_cast %slice3A_19 : vector<1x128xf32> to vector<128xf32>
    %broadcast_in_dim3A = vector.shape_cast %squeeze3A_20 : vector<128xf32> to vector<1x128xf32>
    %add3A_21 = vector.broadcast %broadcast_in_dim3A : vector<1x128xf32> to vector<512x128xf32>
    %add3A_22 = arith.addf %mul3A_18, %add3A_21 : vector<512x128xf32>
    %max3A = arith.constant 0.000000e+00 : f32
    %max3A_23 = vector.broadcast %max3A : f32 to vector<512x128xf32>
    %max3A_24 = arith.maximumf %add3A_22, %max3A_23 : vector<512x128xf32>
    %slice3A_25 = vector.extract_strided_slice %get3A_10 {offsets = [1, 0, 0], sizes = [1, 512, 1], strides = [1, 1, 1]} : vector<3x512x1xf32> to vector<1x512x1xf32>
    %squeeze3A_26 = vector.shape_cast %slice3A_25 : vector<1x512x1xf32> to vector<512x1xf32>
    %slice3A_27 = vector.extract_strided_slice %get3A_2 {offsets = [1, 0, 0], sizes = [1, 512, 128], strides = [1, 1, 1]} : vector<4x512x128xf32> to vector<1x512x128xf32>
    %squeeze3A_28 = vector.shape_cast %slice3A_27 : vector<1x512x128xf32> to vector<512x128xf32>
    %slice3A_29 = vector.extract_strided_slice %get3A_6 {offsets = [1, 0, 0], sizes = [1, 512, 128], strides = [1, 1, 1]} : vector<3x512x128xf32> to vector<1x512x128xf32>
    %squeeze3A_30 = vector.shape_cast %slice3A_29 : vector<1x512x128xf32> to vector<512x128xf32>
    %add3A_31 = arith.addf %squeeze3A_28, %squeeze3A_30 : vector<512x128xf32>
    %mul3A_32 = vector.broadcast %squeeze3A_26 : vector<512x1xf32> to vector<512x128xf32>
    %mul3A_33 = arith.mulf %mul3A_32, %add3A_31 : vector<512x128xf32>
    %slice3A_34 = vector.extract_strided_slice %get3A_13 {offsets = [1, 0], sizes = [1, 128], strides = [1, 1]} : vector<3x128xf32> to vector<1x128xf32>
    %squeeze3A_35 = vector.shape_cast %slice3A_34 : vector<1x128xf32> to vector<128xf32>
    %broadcast_in_dim3A_36 = vector.shape_cast %squeeze3A_35 : vector<128xf32> to vector<1x128xf32>
    %add3A_37 = vector.broadcast %broadcast_in_dim3A_36 : vector<1x128xf32> to vector<512x128xf32>
    %add3A_38 = arith.addf %mul3A_33, %add3A_37 : vector<512x128xf32>
    %max3A_39 = arith.constant 0.000000e+00 : f32
    %max3A_40 = vector.broadcast %max3A_39 : f32 to vector<512x128xf32>
    %max3A_41 = arith.maximumf %add3A_38, %max3A_40 : vector<512x128xf32>
    %slice3A_42 = vector.extract_strided_slice %get3A_10 {offsets = [2, 0, 0], sizes = [1, 512, 1], strides = [1, 1, 1]} : vector<3x512x1xf32> to vector<1x512x1xf32>
    %squeeze3A_43 = vector.shape_cast %slice3A_42 : vector<1x512x1xf32> to vector<512x1xf32>
    %slice3A_44 = vector.extract_strided_slice %get3A_2 {offsets = [2, 0, 0], sizes = [1, 512, 128], strides = [1, 1, 1]} : vector<4x512x128xf32> to vector<1x512x128xf32>
    %squeeze3A_45 = vector.shape_cast %slice3A_44 : vector<1x512x128xf32> to vector<512x128xf32>
    %slice3A_46 = vector.extract_strided_slice %get3A_2 {offsets = [3, 0, 0], sizes = [1, 512, 128], strides = [1, 1, 1]} : vector<4x512x128xf32> to vector<1x512x128xf32>
    %squeeze3A_47 = vector.shape_cast %slice3A_46 : vector<1x512x128xf32> to vector<512x128xf32>
    %add3A_48 = arith.addf %squeeze3A_45, %squeeze3A_47 : vector<512x128xf32>
    %slice3A_49 = vector.extract_strided_slice %get3A_6 {offsets = [2, 0, 0], sizes = [1, 512, 128], strides = [1, 1, 1]} : vector<3x512x128xf32> to vector<1x512x128xf32>
    %squeeze3A_50 = vector.shape_cast %slice3A_49 : vector<1x512x128xf32> to vector<512x128xf32>
    %add3A_51 = arith.addf %add3A_48, %squeeze3A_50 : vector<512x128xf32>
    %mul3A_52 = vector.broadcast %squeeze3A_43 : vector<512x1xf32> to vector<512x128xf32>
    %mul3A_53 = arith.mulf %mul3A_52, %add3A_51 : vector<512x128xf32>
    %slice3A_54 = vector.extract_strided_slice %get3A_13 {offsets = [2, 0], sizes = [1, 128], strides = [1, 1]} : vector<3x128xf32> to vector<1x128xf32>
    %squeeze3A_55 = vector.shape_cast %slice3A_54 : vector<1x128xf32> to vector<128xf32>
    %broadcast_in_dim3A_56 = vector.shape_cast %squeeze3A_55 : vector<128xf32> to vector<1x128xf32>
    %add3A_57 = vector.broadcast %broadcast_in_dim3A_56 : vector<1x128xf32> to vector<512x128xf32>
    %add3A_58 = arith.addf %mul3A_53, %add3A_57 : vector<512x128xf32>
    %max3A_59 = arith.constant 0.000000e+00 : f32
    %max3A_60 = vector.broadcast %max3A_59 : f32 to vector<512x128xf32>
    %max3A_61 = arith.maximumf %add3A_58, %max3A_60 : vector<512x128xf32>
    %add3A_62 = arith.addf %max3A_24, %max3A_41 : vector<512x128xf32>
    %add3A_63 = arith.addf %add3A_62, %max3A_61 : vector<512x128xf32>
    %max3A_64 = arith.constant 0.000000e+00 : f32
    %max3A_65 = vector.broadcast %max3A_64 : f32 to vector<512x128xf32>
    %max3A_66 = arith.maximumf %add3A_63, %max3A_65 : vector<512x128xf32>
    %get3A_67 = arith.constant 0 : index
    %get3A_68 = arith.constant 0 : index
    %get3A_69 = vector.load %arg5[%get3A_67, %get3A_68] : memref<128x40xf32, #tpu.memory_space<vmem>>, vector<128x40xf32>
    %dot_general3A = arith.constant dense<0.000000e+00> : vector<512x40xf32>
    %dot_general3A_70 = tpu.matmul %max3A_66, %get3A_69, %dot_general3A {dimension_numbers = #tpu.dot_dimension_numbers<[1], [0], [0], [1], [0, 0, 1, 1], [], []>, transpose_lhs_hint = false} : vector<512x128xf32>, vector<128x40xf32>, vector<512x40xf32> -> vector<512x40xf32>
    %get3A_71 = arith.constant 0 : index
    %get3A_72 = vector.load %arg6[%get3A_71] : memref<40xf32, #tpu.memory_space<vmem>>, vector<40xf32>
    %broadcast_in_dim3A_73 = vector.shape_cast %get3A_72 : vector<40xf32> to vector<1x40xf32>
    %add3A_74 = vector.broadcast %broadcast_in_dim3A_73 : vector<1x40xf32> to vector<512x40xf32>
    %add3A_75 = arith.addf %dot_general3A_70, %add3A_74 : vector<512x40xf32>
    %reduce_max3A = arith.constant dense<0xFF800000> : vector<512xf32>
    %reduce_max3A_76 = vector.multi_reduction <maximumf>, %add3A_75, %reduce_max3A [1] : vector<512x40xf32> to vector<512xf32>
    %broadcast_in_dim3A_77 = vector.shape_cast %reduce_max3A_76 : vector<512xf32> to vector<512x1xf32>
    %sub3A = vector.broadcast %broadcast_in_dim3A_77 : vector<512x1xf32> to vector<512x40xf32>
    %sub3A_78 = arith.subf %add3A_75, %sub3A : vector<512x40xf32>
    %exp3A = math.exp %sub3A_78 : vector<512x40xf32>
    %reduce_sum3A = arith.constant dense<0.000000e+00> : vector<512xf32>
    %reduce_sum3A_79 = vector.multi_reduction <add>, %exp3A, %reduce_sum3A [1] : vector<512x40xf32> to vector<512xf32>
    %broadcast_in_dim3A_80 = vector.shape_cast %reduce_sum3A_79 : vector<512xf32> to vector<512x1xf32>
    %sub3A_81 = vector.broadcast %broadcast_in_dim3A_77 : vector<512x1xf32> to vector<512x40xf32>
    %sub3A_82 = arith.subf %add3A_75, %sub3A_81 : vector<512x40xf32>
    %log3A = math.log %broadcast_in_dim3A_80 : vector<512x1xf32>
    %sub3A_83 = vector.broadcast %log3A : vector<512x1xf32> to vector<512x40xf32>
    %sub3A_84 = arith.subf %sub3A_82, %sub3A_83 : vector<512x40xf32>
    %swap3A = arith.constant 0 : index
    %swap3A_85 = arith.constant 0 : index
    %swap3A_86 = vector.load %arg7[%swap3A, %swap3A_85] : memref<512x40xf32, #tpu.memory_space<vmem>>, vector<512x40xf32>
    tpu.vector_store %arg7[%swap3A, %swap3A_85], %sub3A_84 {strides = array<i32>} : memref<512x40xf32, #tpu.memory_space<vmem>>, vector<512x40xf32>,
    return
  }
  func.func @transform_0(%arg0: i32) -> (i32, i32, i32) {
    %c0_i32 = arith.constant 0 : i32
    %c0_i32_0 = arith.constant 0 : i32
    %c0_i32_1 = arith.constant 0 : i32
    return %c0_i32, %arg0, %c0_i32_0 : i32, i32, i32
  }
  func.func @transform_1(%arg0: i32) -> (i32, i32, i32) {
    %c0_i32 = arith.constant 0 : i32
    %c0_i32_0 = arith.constant 0 : i32
    %c0_i32_1 = arith.constant 0 : i32
    return %c0_i32, %arg0, %c0_i32_0 : i32, i32, i32
  }
  func.func @transform_2(%arg0: i32) -> (i32, i32, i32) {
    %c0_i32 = arith.constant 0 : i32
    %c0_i32_0 = arith.constant 0 : i32
    %c0_i32_1 = arith.constant 0 : i32
    return %c0_i32, %arg0, %c0_i32_0 : i32, i32, i32
  }
  func.func @transform_3(%arg0: i32) -> (i32, i32) {
    %c0_i32 = arith.constant 0 : i32
    %c0_i32_0 = arith.constant 0 : i32
    %c0_i32_1 = arith.constant 0 : i32
    return %c0_i32, %c0_i32_0 : i32, i32
  }
  func.func @transform_4(%arg0: i32) -> (i32, i32) {
    %c0_i32 = arith.constant 0 : i32
    %c0_i32_0 = arith.constant 0 : i32
    %c0_i32_1 = arith.constant 0 : i32
    return %c0_i32, %c0_i32_0 : i32, i32
  }
  func.func @transform_5(%arg0: i32) -> i32 {
    %c0_i32 = arith.constant 0 : i32
    %c0_i32_0 = arith.constant 0 : i32
    return %c0_i32 : i32
  }
  func.func @transform_6(%arg0: i32) -> (i32, i32) {
    %c0_i32 = arith.constant 0 : i32
    %c0_i32_0 = arith.constant 0 : i32
    return %arg0, %c0_i32 : i32, i32
  }
}

</mosaic_0001>

<sc_bundles>
// kernel: kernel.6.cloned.1.call-start
scs
__scs_entry_jumppad:
0x0: {  	(pc) =	sbr.rel $0x88, $3  }
0x1: {  	(tag) =	ssettag $0x0;
	lr =	simm.s32 $0x1  }
0x2: {  	[smem:$0x3F95] =	sst lr;
	_ =	strace $0xD0000000  }
0x3: {  	_ = 	snop  }
0x4: {  	_ = 	snop  }
0x5: {  	_ = 	snop  }
0x6: {  	_ = 	snop  }
0x7: {  	_ = 	snop  }
__scs_overlays_trampoline_lowered:
0x8: {  	[smem:$0x3FA4] =	sst s0  }
0x9: {  	[smem:$0x3FA5] =	sst s1  }
0xa: {  	[smem:$0x3FA6] =	sst s2  }
0xb: {  	[smem:$0x3FA7] =	sst s3  }
0xc: {  	[smem:$0x3FA8] =	sst s4  }
0xd: {  	[smem:$0x3FA9] =	sst s5  }
0xe: {  	[smem:$0x3FAA] =	sst s6  }
0xf: {  	[smem:$0x3FAB] =	sst s7  }
0x10: {  	[smem:$0x3FAC] =	sst s8  }
0x11: {  	[smem:$0x3FAD] =	sst s9;
	s0 =	simm.s32 @!p0 $0x0  }
0x12: {  	s1 =	sld [smem:$0x3F93];
	s0 =	simm.s32 @p0 $0x1  }
0x13: {  	[smem:$0x3FAE] =	sst s0;
	s0 =	simm.s32 @!p1 $0x0  }
0x14: {  	s2 =	sld [smem:$0x3F92];
	s0 =	simm.s32 @p1 $0x1  }
0x15: {  	[smem:$0x3FAF] =	sst s0;
	s0 =	simm.s32 @!p2 $0x0  }
0x16: {  	s3 =	sld [smem:$0x3FDB];
	s0 =	simm.s32 @p2 $0x1  }
0x17: {  	s4 =	simm.s32 $0x1BF5;
	[smem:$0x3FB1] =	sst s0  }
0x18: {  	s0 =	sld [smem:$0x3F94];
	_ =	swait.ge [sflag:s4], $0x0  }
0x19: {  	s7 =	sld [smem:$0x3F95]  }
0x1a: {  	s8 =	sadd.s32 $0xFFFFE003, lr  }
0x1b: {  	s9 =	sadd.s32 $0xFFFFFEF7, lr;
	s5 =	simm.s32 $0xFFFFFFFF;
	p2 =	slt.u32 s8, $0xFFFFF086  }
0x1c: {  	p1 =	slt.u32 s9, $0xF7A;
	s5 =	simm.s32 @!p2 $0x0  }
0x1d: {  	s5 =	simm.s32 @p1 $0x1;
	p0 =	seq.s32 s7, s2  }
0x1e: {  	s7 =	smul.u32 @!p0 $0xF7A, s2;
	p2 =	seq.s32 @!p0 s5, $0x0  }
0x1f: {  	s9 =	smul.u32 $0xF7A, s1;
	s8 =	simm.s32 @!p0 $0x1BF5;
	p2 =	por !p2, p0  }
0x20: {  	[sflag:s8] =	ssyncset.s32 @!p0 $0xFFFFF086;
	s6 =	sadd.s32 @!p0 s3, s7;
	s7 =	simm.s32 @!p0 $0x108  }
0x21: {  	s3 =	sadd.s32 s3, s9;
	s6 =	sadd.s32 @!p0 $0x88, s6;
	s7 =	simm.s32 @p2 $0x1082  }
0x22: {  	[simem:s7], [sflag:s8] =	dma.local @!p0 [hbm:s6], $0xF7A  }
0x23: {  	s9 =	sor.u32 $0xD0000000, s2;
	s6 =	simm.s32 $0x108;
	_ =	swait.ge @!p0 [sflag:s8], $0x0  }
0x24: {  	s3 =	sadd.s32 $0x88, s3;
	s6 =	simm.s32 @!p1 $0x1082;
	[sflag:s4] =	ssyncset.s32 $0xFFFFF086  }
0x25: {  	[simem:s6], [sflag:s4] =	dma.local [hbm:s3], $0xF7A  }
0x26: {  	[smem:$0x3F95] =	sst s1;
	(tag) =	ssettag s2;
	_ =	strace s9  }
0x27: {  	s1 =	sld [smem:$0x3FA5]  }
0x28: {  	s2 =	sld [smem:$0x3FA6]  }
0x29: {  	s4 =	sld [smem:$0x3FA8]  }
0x2a: {  	p0 =	seq.s32 s5, $0x0;
	s5 =	sld [smem:$0x3FA9]  }
0x2b: {  	s6 =	sld [smem:$0x3FAA]  }
0x2c: {  	s7 =	sld [smem:$0x3FAB]  }
0x2d: {  	s3 =	simm.s32 $0x108;
	s8 =	sld [smem:$0x3FAC]  }
0x2e: {  	s3 =	simm.s32 @!p0 $0x1082;
	s9 =	sld [smem:$0x3FAD]  }
0x2f: {  	lr =	sadd.s32 s0, s3;
	s0 =	sld [smem:$0x3FA4]  }
0x30: {  	s3 =	sld [smem:$0x3FA7]  }
0x31: {  	[smem:$0x3FB0] =	sst s10  }
0x32: {  	s10 =	sld [smem:$0x3FAE];
	_ =	sdelay $0x3  }
0x33: {  	p0 =	seq.s32 s10, $0x1;
	s10 =	sld [smem:$0x3FB0];
	_ =	sdelay $0x3  }
0x34: {  	[smem:$0x3FB0] =	sst s10  }
0x35: {  	s10 =	sld [smem:$0x3FAF];
	_ =	sdelay $0x3  }
0x36: {  	p1 =	seq.s32 s10, $0x1;
	s10 =	sld [smem:$0x3FB0];
	_ =	sdelay $0x3  }
0x37: {  	[smem:$0x3FB0] =	sst s10  }
0x38: {  	s10 =	sld [smem:$0x3FB1]  }
0x39: {  	_ = 	snop;
	(pc) =	sbr.ind lr, $3  }
0x3a: {  	_ = 	snop  }
0x3b: {  	_ = 	snop  }
0x3c: {  	p2 =	seq.s32 s10, $0x1;
	s10 =	sld [smem:$0x3FB0]  }
0x3d: {  	_ =	shalt  }
0x3e: {  	_ =	shalt  }
0x3f: {  	_ =	shalt  }
0x40: {  	_ =	shalt  }
0x41: {  	_ =	shalt  }
0x42: {  	_ =	shalt  }
0x43: {  	_ =	shalt  }
0x44: {  	_ =	shalt  }
0x45: {  	_ =	shalt  }
0x46: {  	_ =	shalt  }
0x47: {  	_ =	shalt  }
0x48: {  	_ =	shalt  }
0x49: {  	_ =	shalt  }
0x4a: {  	_ =	shalt  }
0x4b: {  	_ =	shalt  }
0x4c: {  	_ =	shalt  }
0x4d: {  	_ =	shalt  }
0x4e: {  	_ =	shalt  }
0x4f: {  	_ =	shalt  }
0x50: {  	_ =	shalt  }
0x51: {  	_ =	shalt  }
0x52: {  	_ =	shalt  }
0x53: {  	_ =	shalt  }
0x54: {  	_ =	shalt  }
0x55: {  	_ =	shalt  }
0x56: {  	_ =	shalt  }
0x57: {  	_ =	shalt  }
0x58: {  	_ =	shalt  }
0x59: {  	_ =	shalt  }
0x5a: {  	_ =	shalt  }
0x5b: {  	_ =	shalt  }
0x5c: {  	_ =	shalt  }
0x5d: {  	_ =	shalt  }
0x5e: {  	_ =	shalt  }
0x5f: {  	_ =	shalt  }
0x60: {  	_ =	shalt  }
0x61: {  	_ =	shalt  }
0x62: {  	_ =	shalt  }
0x63: {  	_ =	shalt  }
0x64: {  	_ =	shalt  }
0x65: {  	_ =	shalt  }
0x66: {  	_ =	shalt  }
0x67: {  	_ =	shalt  }
0x68: {  	_ =	shalt  }
0x69: {  	_ =	shalt  }
0x6a: {  	_ =	shalt  }
0x6b: {  	_ =	shalt  }
0x6c: {  	_ =	shalt  }
0x6d: {  	_ =	shalt  }
0x6e: {  	_ =	shalt  }
0x6f: {  	_ =	shalt  }
0x70: {  	_ =	shalt  }
0x71: {  	_ =	shalt  }
0x72: {  	_ =	shalt  }
0x73: {  	_ =	shalt  }
0x74: {  	_ =	shalt  }
0x75: {  	_ =	shalt  }
0x76: {  	_ =	shalt  }
0x77: {  	_ =	shalt  }
0x78: {  	_ =	shalt  }
0x79: {  	_ =	shalt  }
0x7a: {  	_ =	shalt  }
0x7b: {  	_ =	shalt  }
0x7c: {  	_ =	shalt  }
0x7d: {  	_ =	shalt  }
0x7e: {  	_ =	shalt  }
0x7f: {  	_ =	shalt  }
0x80: {  	_ =	shalt  }
0x81: {  	_ =	shalt  }
0x82: {  	_ =	shalt  }
0x83: {  	_ =	shalt  }
0x84: {  	_ =	shalt  }
0x85: {  	_ =	shalt  }
0x86: {  	_ =	shalt  }
0x87: {  	_ =	shalt  }
.Lfunc_end0:
.L_simem_size_0:
called_computation_lowered:
.L_overlay_start_0:
0x88: {  	s2 =	sld [smem:$0x3FD9]  }
0x89: {  	s3 =	sld [smem:$0x3FFE];
	_ =	sdelay $0x1  }
0x8a: {  	s1 =	srdreg.scid  }
0x8b: {  	s0 =	sand.u32 $0x1, s1  }
0x8c: {  	s17 =	sshll.u32 s0, $0xA;
	s2 =	sadd.s32 s3, s2  }
0x8d: {  	s2 =	sadd.s32 s2, s17  }
0x8e: {  	[smem:$0x3FBC] =	sst s2  }
0x8f: {  	_ = 	snop  }
0x90: {  	s2 =	sld [smem:$0x3FD0];
	(tm) =	ssettm $0x1  }
0x91: {  	s18 =	sld [smem:$0x3FFB];
	_ =	sdelay $0x3  }
0x92: {  	_ =	strace s18  }
0x93: {  	s3 =	sld [smem:$0x3FFC];
	_ =	sdelay $0x3  }
0x94: {  	_ =	strace s3  }
0x95: {  	s3 =	sld [smem:$0x3FFD];
	_ =	sdelay $0x3  }
0x96: {  	_ =	strace s3  }
0x97: {  	_ =	strace $0x8FFFFFFF  }
0x98: {  	s19 =	sld [smem:$0x3FDB];
	_ =	sdelay $0x1  }
0x99: {  	s4 =	simm.s32 $_scs_section_size  }
0x9a: {  	s5 =	simm.s32 $_size__tile_overlayer_lowered;
	s6 =	simm.s32 $_tile_overlayer_lowered  }
0x9b: {  	s22 =	simm.s32 $0x1BFF;
	s21 =	sshll.u32 s6, $0x1;
	s3 =	sadd.s32 s4, s19  }
0x9c: {  	s7 =	simm.s32 $0x0;
	s20 =	sshll.u32 s5, $0x1;
	s5 =	sadd.s32 s21, s3  }
0x9d: {  	[timem:s7], [sflag:s22] =	dma.local [hbm:s5], s20  }
0x9e: {  	_ =	swait.ge [sflag:s22], s20  }
0x9f: {  	s4 =	ssub.s32 $0x0, s20;
	[sflag:s22] =	ssyncset.done $0x0  }
0xa0: {  	[sflag:s22] =	ssyncadd.s32 s4;
	_ =	sdelay $0x1  }
0xa1: {  	s23 =	simm.s32 $0x1B8B  }
0xa2: {  	_ =	swait.ge [sflag:s23], $0x1  }
0xa3: {  	[sflag:s23] =	ssyncset.done $0x0  }
0xa4: {  	s25 =	simm.s32 $0x1B8E;
	s24 =	sld [smem:$0x3FFE];
	[sflag:s23] =	ssyncadd.s32 $0xFFFFFFFF  }
0xa5: {  	s26 =	simm.s32 $execute0_lowered;
	[smem:$0x3FD2] =	sst s25  }
0xa6: {  	s5 =	sshll.u32 s26, $0x1;
	_ =	strace $0x80000046;
	[dreg:$0x1] =	wrdreg $0xFFFFFFFF  }
0xa7: {  	s28 =	simm.s32 $_size_execute0_lowered;
	s3 =	sadd.s32 s3, s5;
	[dreg:$0x0] =	wrdreg $0x0  }
0xa8: {  	s5 =	sshll.u32 s28, $0x1;
	[dreg:$0x2] =	wrdreg s3  }
0xa9: {  	[dreg:$0x3] =	wrdreg s5  }
0xaa: {  	[dreg:$0x4] =	wrdreg $0xC0  }
0xab: {  	_ =	task [dreg:s7], $0x5FFFF  }
0xac: {  	[dreg:$0x1] =	wrdreg $0xFFFFFFFF  }
0xad: {  	[dreg:$0x0] =	wrdreg $0x60  }
0xae: {  	[dreg:$0x2] =	wrdreg s24  }
0xaf: {  	[dreg:$0x3] =	wrdreg s2  }
0xb0: {  	[dreg:$0x4] =	wrdreg $0x5B800  }
0xb1: {  	[dreg:$0x5] =	wrdreg $0x9  }
0xb2: {  	_ =	task.clear_ibuf [dreg:s7], $0x6FFFF;
	_ =	strace $0x90000046  }
0xb3: {  	s29 =	simm.s32 $0x9;
	_ =	strace $0x80000048  }
0xb4: {  	_ =	swait.ge [sflag:s29], $0x1  }
0xb5: {  	[sflag:s29] =	ssyncadd.s32 $0xFFFFFFFF  }
0xb6: {  	_ =	strace $0x90000048  }
0xb7: {  	_ =	sfence  }
0xb8: {  	s30 =	sld [smem:$0x0];
	_ =	sdelay $0x2  }
0xb9: {  	s31 =	sshll.u32 s1, $0xD;
	s1 =	sshrl.u32 s1, $0x2  }
0xba: {  	s3 =	sand.u32 $0x4000, s31;
	s1 =	sadd.s32 s1, s30  }
0xbb: {  	s0 =	sor.u32 s3, s0;
	s1 =	sshll.u32 s1, $0x11  }
0xbc: {  	s0 =	sor.u32 s1, s0  }
0xbd: {  	s0 =	sadd.s32 $0x8F2B, s0  }
0xbe: {  	[sflag:s0] =	ssyncadd.remote.s32 $0x1  }
0xbf: {  	_ =	sfence.sel $0xFFFF  }
0xc0: {  	[dreg:$0x0] =	wrdreg $0xFFFFFFFF;
	(pc) =	sbr.abs _section_cstart, $3  }
0xc1: {  	[dreg:$0x1] =	wrdreg $0xFFFFFFFF  }
0xc2: {  	_ =	task.clear_ibuf [dreg:s7], $0x2FFFF;
	_ =	strace $0x9FFFFFFF  }
0xc3: {  	(tm) =	ssettm $0x7FFFFFFF  }
tec
execute0_lowered:
.L_overlay_start_1:
0x0: {  	(tag) =	ssettag $0x1  }
0x1: {  	s5 =	rddreg [dreg:$0x0]  }
0x2: {  	s8 =	rddreg [dreg:$0x1]  }
0x3: {  	s1 =	rddreg [dreg:$0x2]  }
0x4: {  	s0 =	rddreg [dreg:$0x3];
	s3 =	simm.s32 $0x0;
	s6 =	srdreg.scid  }
0x5: {  	s2 =	stileid.u32;
	s14 =	simm.s32 $0x2800;
	s15 =	simm.s32 $0x5800  }
0x6: {  	s16 =	simm.s32 $0x5000;
	s17 =	simm.s32 $0x10;
	s18 =	simm.s32 $0x5A80  }
0x7: {  	s19 =	simm.s32 $0x5B00;
	s20 =	simm.s32 $0x0;
	s7 =	smul.u32 $0xA00, s2  }
0x8: {  	[smem:$0x7FF] =	sst s3;
	s4 =	sadd.s32 $0xE00, s5;
	s11 =	smul.u32 $0x2710, s2  }
0x9: {  	s6 =	sand.u32 $0x1, s6;
	s5 =	sadd.s32 $0x1E400, s5;
	s13 =	smul.u32 $0x4E20, s2  }
0xa: {  	s9 =	smul.u32 $0x75300, s6;
	s10 =	sshll.u32 s6, $0x4;
	s6 =	ssub.s32 $0x2, s6  }
0xb: {  	_ =	strace $0x80000047;
	s10 =	sor.u32 s2, s10;
	s12 =	sshrl.u32 s6, $0x1  }
0xc: {  	s7 =	sshrl.u32 s7, $0x2;
	s10 =	smul.u32 $0x50, s10;
	s12 =	ssub.s32 s6, s12  }
0xd: {  	s6 =	sadd.s32 s7, s1;
	s11 =	sadd.s32 s9, s11;
	s9 =	sadd.s32 s13, s9  }
0xe: {  	v0 =	vlaneseq.u32;
	s13 =	simm.s32 $0x1;
	s7 =	sadd.s32 $0x2800, s6;
	s8 =	sadd.s32 s8, s10  }
0xf: {  	v2 =	vimm.f32 $1.000000000e+00;
	v1 =	vor.u32 $0x10, v0;
	v3 =	vor.u32 $0x7C0, v0;
	s12 =	smax.u32 s12, $0x1;
	s10 =	sadd.s32 $0x4E200, s11;
	s11 =	sadd.s32 $0xA00, s8  }
.LBB2_1:
0x10: {  	[tilespmem:$0x5A80] =	vst v0  }
0x11: {  	[tilespmem:$0x5B00] =	vst v1  }
0x12: {  	[tilespmem:s3], [sflag:$0x1] =	stream.linear.gather [hbm4b:s5+s3], $0x2800, $0x38;
	[tilespmem:$0x6080] =	vst v63  }
0x13: {  	_ =	swait.ge [sflag:s13], $0x2800  }
0x14: {  	[sflag:s13] =	ssyncset.done $0x0  }
0x15: {  	[sflag:s13] =	ssyncadd.s32 $0xFFFFD800  }
0x16: {  	[tilespmem:s14], [sflag:$0x1] =	stream.linear.gather [hbm4b:s5+s3], $0x2800, $0x38;
	[tilespmem:$0x6080] =	vst v63  }
0x17: {  	_ =	swait.ge [sflag:s13], $0x2800  }
0x18: {  	[sflag:s13] =	ssyncset.done $0x0  }
0x19: {  	[sflag:s13] =	ssyncadd.s32 $0xFFFFD800  }
0x1a: {  	[tilespmem:s15], [sflag:$0x1] =	stream.linear.gather [hbm4b:s5+s3], $0x280, $0x38;
	[tilespmem:$0x6080] =	vst v63  }
0x1b: {  	_ =	swait.ge [sflag:s13], $0x280  }
0x1c: {  	[sflag:s13] =	ssyncset.done $0x0  }
0x1d: {  	[sflag:s13] =	ssyncadd.s32 $0xFFFFFD80  }
0x1e: {  	[spmem:s6] =	stream.linear.scatter [tilespmem:s15], [sflag:$0x1], $0x280, $0x38;
	[tilespmem:$0x6080] =	vst v63  }
0x1f: {  	_ =	swait.ge [sflag:s13], $0x280  }
0x20: {  	[sflag:s13] =	ssyncset.done $0x0  }
0x21: {  	[sflag:s13] =	ssyncadd.s32 $0xFFFFFD80  }
0x22: {  	[spmem:s7] =	stream.linear.scatter [tilespmem:s15], [sflag:$0x1], $0x280, $0x38;
	[tilespmem:$0x6080] =	vst v63  }
0x23: {  	_ =	swait.ge [sflag:s13], $0x280  }
0x24: {  	[sflag:s13] =	ssyncset.done $0x0  }
0x25: {  	[sflag:s13] =	ssyncadd.s32 $0xFFFFFD80  }
0x26: {  	s22 =	simm.s32 $0x0;
	[bflag:$0x0] =	sbarrier.arrive $0xFFFF  }
.LBB2_2:
0x27: {  	s21 =	smul.u32 $0x7D0, s22;
	_ =	sdelay $0x1  }
0x28: {  	s21 =	sadd.s32 s21, s9  }
0x29: {  	s21 =	sshrl.u32 s21, $0x3  }
0x2a: {  	s21 =	sadd.s32 s4, s21  }
0x2b: {  	[tilespmem:s16], [sflag:$0x1] =	stream.linear.gather [hbm4b:s21+s3], $0x7D0, $0x38;
	[tilespmem:$0x6080] =	vst v63  }
0x2c: {  	_ =	swait.ge [sflag:s13], $0x7D0  }
0x2d: {  	[sflag:s13] =	ssyncset.done $0x0  }
0x2e: {  	s23 =	simm.s32 $0x30;
	s21 =	simm.s32 $0xFFFFFFFC;
	[sflag:s13] =	ssyncadd.s32 $0xFFFFF830  }
.LBB2_3:
0x2f: {  	s24 =	sadd.s32 $0xFFFFFFD0, s23  }
0x30: {  	v4 =	vor.u32 s24, v0;
	_ =	sdelay $0x4  }
0x31: {  	v4 =	vld.idx.msk [tilespmem:v4+s16+$0x0], $0xffff;
	_ =	sdelay $0x4  }
0x32: {  	v5 =	vshrl.u32 v4, $0x10  }
0x33: {  	v5 =	vmul.u32 $0x280, v5  }
0x34: {  	v6 =	vand.u32 $0xFF80, v4  }
0x35: {  	v4 =	vand.u32 $0x7F, v4;
	v5 =	vadd.s32 v6, v5  }
0x36: {  	s30 =	sadd.s32 $0xFFFFFFE0, s23;
	v4 =	vor.u32 v4, v5  }
0x37: {  	v5 =	vor.u32 s30, v0;
	_ =	sdelay $0x3  }
0x38: {  	[tilespmem:v4+s3+$0x0] =	vst.idx.add.f32.msk $0xffff, v2  }
0x39: {  	v4 =	vld.idx.msk [tilespmem:v5+s16+$0x0], $0xffff;
	_ =	sdelay $0x4  }
0x3a: {  	v5 =	vshrl.u32 v4, $0x10  }
0x3b: {  	v5 =	vmul.u32 $0x280, v5  }
0x3c: {  	v61 =	vand.u32 $0xFF80, v4  }
0x3d: {  	v4 =	vand.u32 $0x7F, v4;
	v5 =	vadd.s32 v61, v5  }
0x3e: {  	s31 =	sadd.s32 $0xFFFFFFF0, s23;
	v4 =	vor.u32 v4, v5  }
0x3f: {  	v5 =	vor.u32 s31, v0;
	_ =	sdelay $0x3  }
0x40: {  	[tilespmem:v4+s3+$0x0] =	vst.idx.add.f32.msk $0xffff, v2  }
0x41: {  	v4 =	vld.idx.msk [tilespmem:v5+s16+$0x0], $0xffff;
	_ =	sdelay $0x4  }
0x42: {  	v5 =	vshrl.u32 v4, $0x10  }
0x43: {  	v5 =	vmul.u32 $0x280, v5  }
0x44: {  	v62 =	vand.u32 $0xFF80, v4  }
0x45: {  	v4 =	vand.u32 $0x7F, v4;
	v5 =	vadd.s32 v62, v5  }
0x46: {  	v4 =	vor.u32 v4, v5  }
0x47: {  	v5 =	vor.u32 s23, v0;
	_ =	sdelay $0x3  }
0x48: {  	[tilespmem:v4+s3+$0x0] =	vst.idx.add.f32.msk $0xffff, v2  }
0x49: {  	v4 =	vld.idx.msk [tilespmem:v5+s16+$0x0], $0xffff;
	_ =	sdelay $0x4  }
0x4a: {  	v5 =	vshrl.u32 v4, $0x10  }
0x4b: {  	v5 =	vmul.u32 $0x280, v5  }
0x4c: {  	v63 =	vand.u32 $0xFF80, v4  }
0x4d: {  	s21 =	sadd.s32 $0x4, s21;
	v4 =	vand.u32 $0x7F, v4;
	v5 =	vadd.s32 v63, v5  }
0x4e: {  	p0 =	slt.u32 s21, $0x78;
	v4 =	vor.u32 v4, v5  }
.Ltmp0:
0x4f: {  	_ = 	snop;
	(pc) =	sbr.rel @p0 .LBB2_3-.Ltmp0, $2  }
0x50: {  	_ =	sdelay $0x2  }
0x51: {  	s23 =	sadd.s32 $0x40, s23;
	[tilespmem:v4+s3+$0x0] =	vst.idx.add.f32.msk $0xffff, v2  }
0x52: {  	_ =	sdelay $0x3  }
0x53: {  	v4 =	vld.idx.msk [tilespmem:v3+s16+$0x0], $0xffff;
	_ =	sdelay $0x4  }
0x54: {  	v5 =	vshrl.u32 v4, $0x10  }
0x55: {  	v5 =	vmul.u32 $0x280, v5  }
0x56: {  	v6 =	vand.u32 $0xFF80, v4  }
0x57: {  	s22 =	sadd.s32 $0x1, s22;
	v4 =	vand.u32 $0x7F, v4;
	v5 =	vadd.s32 v6, v5  }
0x58: {  	p0 =	sne.s32 s22, $0xA;
	v4 =	vor.u32 v4, v5  }
.Ltmp1:
0x59: {  	_ = 	snop;
	(pc) =	sbr.rel @p0 .LBB2_2-.Ltmp1, $3  }
0x5a: {  	_ =	sdelay $0x1  }
0x5b: {  	s21 =	simm.s32 $0x0  }
0x5c: {  	[tilespmem:v4+s21+$0x0] =	vst.idx.add.f32.msk $0xffff, v2  }
.LBB2_5:
0x5d: {  	s22 =	smul.u32 $0x7D0, s21;
	_ =	sdelay $0x1  }
0x5e: {  	s22 =	sadd.s32 s22, s10  }
0x5f: {  	s22 =	sshrl.u32 s22, $0x3  }
0x60: {  	s22 =	sadd.s32 s4, s22  }
0x61: {  	[tilespmem:s16], [sflag:$0x1] =	stream.linear.gather [hbm4b:s22+s3], $0x7D0, $0x38;
	[tilespmem:$0x6080] =	vst v63  }
0x62: {  	_ =	swait.ge [sflag:s13], $0x7D0  }
0x63: {  	[sflag:s13] =	ssyncset.done $0x0  }
0x64: {  	s23 =	simm.s32 $0x30;
	s22 =	simm.s32 $0xFFFFFFFC;
	[sflag:s13] =	ssyncadd.s32 $0xFFFFF830  }
.LBB2_6:
0x65: {  	s24 =	sadd.s32 $0xFFFFFFD0, s23  }
0x66: {  	v4 =	vor.u32 s24, v0;
	_ =	sdelay $0x4  }
0x67: {  	v4 =	vld.idx.msk [tilespmem:v4+s16+$0x0], $0xffff;
	_ =	sdelay $0x4  }
0x68: {  	v5 =	vshrl.u32 v4, $0x10  }
0x69: {  	v5 =	vmul.u32 $0x280, v5  }
0x6a: {  	v6 =	vand.u32 $0xFF80, v4  }
0x6b: {  	v4 =	vand.u32 $0x7F, v4;
	v5 =	vadd.s32 v6, v5  }
0x6c: {  	s30 =	sadd.s32 $0xFFFFFFE0, s23;
	v4 =	vor.u32 v4, v5  }
0x6d: {  	v5 =	vor.u32 s30, v0;
	_ =	sdelay $0x3  }
0x6e: {  	[tilespmem:v4+s14+$0x0] =	vst.idx.add.f32.msk $0xffff, v2  }
0x6f: {  	v4 =	vld.idx.msk [tilespmem:v5+s16+$0x0], $0xffff;
	_ =	sdelay $0x4  }
0x70: {  	v5 =	vshrl.u32 v4, $0x10  }
0x71: {  	v5 =	vmul.u32 $0x280, v5  }
0x72: {  	v61 =	vand.u32 $0xFF80, v4  }
0x73: {  	v4 =	vand.u32 $0x7F, v4;
	v5 =	vadd.s32 v61, v5  }
0x74: {  	s31 =	sadd.s32 $0xFFFFFFF0, s23;
	v4 =	vor.u32 v4, v5  }
0x75: {  	v5 =	vor.u32 s31, v0;
	_ =	sdelay $0x3  }
0x76: {  	[tilespmem:v4+s14+$0x0] =	vst.idx.add.f32.msk $0xffff, v2  }
0x77: {  	v4 =	vld.idx.msk [tilespmem:v5+s16+$0x0], $0xffff;
	_ =	sdelay $0x4  }
0x78: {  	v5 =	vshrl.u32 v4, $0x10  }
0x79: {  	v5 =	vmul.u32 $0x280, v5  }
0x7a: {  	v62 =	vand.u32 $0xFF80, v4  }
0x7b: {  	v4 =	vand.u32 $0x7F, v4;
	v5 =	vadd.s32 v62, v5  }
0x7c: {  	v4 =	vor.u32 v4, v5  }
0x7d: {  	v5 =	vor.u32 s23, v0;
	_ =	sdelay $0x3  }
0x7e: {  	[tilespmem:v4+s14+$0x0] =	vst.idx.add.f32.msk $0xffff, v2  }
0x7f: {  	v4 =	vld.idx.msk [tilespmem:v5+s16+$0x0], $0xffff;
	_ =	sdelay $0x4  }
0x80: {  	v5 =	vshrl.u32 v4, $0x10  }
0x81: {  	v5 =	vmul.u32 $0x280, v5  }
0x82: {  	v63 =	vand.u32 $0xFF80, v4  }
0x83: {  	s22 =	sadd.s32 $0x4, s22;
	v4 =	vand.u32 $0x7F, v4;
	v5 =	vadd.s32 v63, v5  }
0x84: {  	p0 =	slt.u32 s22, $0x78;
	v4 =	vor.u32 v4, v5  }
.Ltmp2:
0x85: {  	_ = 	snop;
	(pc) =	sbr.rel @p0 .LBB2_6-.Ltmp2, $2  }
0x86: {  	_ =	sdelay $0x2  }
0x87: {  	s23 =	sadd.s32 $0x40, s23;
	[tilespmem:v4+s14+$0x0] =	vst.idx.add.f32.msk $0xffff, v2  }
0x88: {  	_ =	sdelay $0x3  }
0x89: {  	v4 =	vld.idx.msk [tilespmem:v3+s16+$0x0], $0xffff;
	_ =	sdelay $0x4  }
0x8a: {  	v5 =	vshrl.u32 v4, $0x10  }
0x8b: {  	v5 =	vmul.u32 $0x280, v5  }
0x8c: {  	v6 =	vand.u32 $0xFF80, v4  }
0x8d: {  	s21 =	sadd.s32 $0x1, s21;
	v4 =	vand.u32 $0x7F, v4;
	v5 =	vadd.s32 v6, v5  }
0x8e: {  	p0 =	sne.s32 s21, $0x5;
	v4 =	vor.u32 v4, v5  }
.Ltmp3:
0x8f: {  	_ = 	snop;
	(pc) =	sbr.rel @p0 .LBB2_5-.Ltmp3, $2  }
0x90: {  	_ =	sdelay $0x2  }
0x91: {  	[tilespmem:v4+s14+$0x0] =	vst.idx.add.f32.msk $0xffff, v2  }
0x92: {  	[spmem:s1] =	stream.indirect.scatter.add.f32 [tilespmem:s3], [sflag:$0x1], $0x280, s18, s17, $0xb8;
	[tilespmem:$0x6080] =	vst v63  }
0x93: {  	_ =	swait.ge [sflag:s13], $0x2800  }
0x94: {  	[sflag:s13] =	ssyncset.done $0x0  }
0x95: {  	[sflag:s13] =	ssyncadd.s32 $0xFFFFD800  }
0x96: {  	[spmem:s1] =	stream.indirect.scatter.add.f32 [tilespmem:s14], [sflag:$0x1], $0x280, s19, s17, $0xb8;
	[tilespmem:$0x6080] =	vst v63  }
0x97: {  	_ =	swait.ge [sflag:s13], $0x2800  }
0x98: {  	[sflag:s13] =	ssyncset.done $0x0  }
0x99: {  	[sflag:s13] =	ssyncadd.s32 $0xFFFFD800  }
0x9a: {  	[bflag:$0x0] =	sbarrier.arrive $0xFFFF  }
0x9b: {  	[tilespmem:s15], [sflag:$0x1] =	stream.linear.gather [spmem:s6], $0x280, $0x38;
	[tilespmem:$0x6080] =	vst v63  }
0x9c: {  	_ =	swait.ge [sflag:s13], $0x280  }
0x9d: {  	[sflag:s13] =	ssyncset.done $0x0  }
0x9e: {  	[sflag:s13] =	ssyncadd.s32 $0xFFFFFD80  }
0x9f: {  	[hbm4b:s8+s3] =	stream.linear.scatter [tilespmem:s15], [sflag:$0x1], $0x280, $0x38;
	[tilespmem:$0x6080] =	vst v63  }
0xa0: {  	_ =	swait.ge [sflag:s13], $0x280  }
0xa1: {  	[sflag:s13] =	ssyncset.done $0x0  }
0xa2: {  	[sflag:s13] =	ssyncadd.s32 $0xFFFFFD80  }
0xa3: {  	[tilespmem:s15], [sflag:$0x1] =	stream.linear.gather [spmem:s7], $0x280, $0x38;
	[tilespmem:$0x6080] =	vst v63  }
0xa4: {  	s20 =	sadd.s32 $0x1, s20;
	_ =	swait.ge [sflag:s13], $0x280  }
0xa5: {  	p0 =	sne.s32 s20, s12;
	[sflag:s13] =	ssyncset.done $0x0  }
.Ltmp4:
0xa6: {  	[sflag:s13] =	ssyncadd.s32 $0xFFFFFD80;
	(pc) =	sbr.rel @p0 .LBB2_1-.Ltmp4, $4  }
0xa7: {  	[hbm4b:s11+s3] =	stream.linear.scatter [tilespmem:s15], [sflag:$0x1], $0x280, $0x38;
	[tilespmem:$0x6080] =	vst v63  }
0xa8: {  	_ =	swait.ge [sflag:s13], $0x280  }
0xa9: {  	[sflag:s13] =	ssyncset.done $0x0  }
0xaa: {  	[sflag:s13] =	ssyncadd.s32 $0xFFFFFD80  }
0xab: {  	_ =	sfence.sel $0x180000  }
0xac: {  	[bflag:$0x0] =	sbarrier.arrive $0xFFFF  }
0xad: {  	p0 =	sne.s32 s2, $0x0;
	_ =	strace $0x90000047  }
0xae: {  	s0 =	sadd.s32 @!p0 $0x100000, s0;
	[bflag:$0x2] =	sbarrier.arrive $0xFFFF  }
0xaf: {  	[sflag:s0] =	ssyncadd.tile.s32 @!p0 $0x1;
	_ =	shalt  }
.Lfunc_end2:
_tile_overlayer_lowered:
.L_overlay_start_2:
0xb0: {  	(tag) =	ssettag $0x2  }
0xb1: {  	s0 =	rddreg [dreg:$0x0];
	s2 =	stileid.u32  }
0xb2: {  	s1 =	rddreg [dreg:$0x1];
	p0 =	sne.s32 s2, $0x0  }
0xb3: {  	s3 =	rddreg [dreg:$0x2];
	[bflag:$0x3] =	sbarrier.arrive $0xFFFF;
	s2 =	simm.s32 @!p0 $0x1C01  }
0xb4: {  	[timem:s3], [sflag:s2] =	dma.local @!p0 [hbm:s0], s1  }
0xb5: {  	s0 =	simm.s32 @!p0 $0x1  }
0xb6: {  	_ =	swait.ge @!p0 [sflag:s0], s1  }
0xb7: {  	s1 =	ssub.s32 @!p0 $0x0, s1;
	[sflag:s0] =	ssyncset.done @!p0 $0x0  }
0xb8: {  	[sflag:s0] =	ssyncadd.s32 @!p0 s1  }
0xb9: {  	[bflag:$0x3] =	sbarrier.arrive $0xFFFF  }
0xba: {  	_ =	shalt  }

// kernel: kernel.9.cloned.1.call-start
scs
__scs_entry_jumppad:
0x0: {  	(pc) =	sbr.rel $0x88, $3  }
0x1: {  	(tag) =	ssettag $0x0;
	lr =	simm.s32 $0x1  }
0x2: {  	[smem:$0x3F95] =	sst lr;
	_ =	strace $0xD0000000  }
0x3: {  	_ = 	snop  }
0x4: {  	_ = 	snop  }
0x5: {  	_ = 	snop  }
0x6: {  	_ = 	snop  }
0x7: {  	_ = 	snop  }
__scs_overlays_trampoline_lowered:
0x8: {  	[smem:$0x3FA4] =	sst s0  }
0x9: {  	[smem:$0x3FA5] =	sst s1  }
0xa: {  	[smem:$0x3FA6] =	sst s2  }
0xb: {  	[smem:$0x3FA7] =	sst s3  }
0xc: {  	[smem:$0x3FA8] =	sst s4  }
0xd: {  	[smem:$0x3FA9] =	sst s5  }
0xe: {  	[smem:$0x3FAA] =	sst s6  }
0xf: {  	[smem:$0x3FAB] =	sst s7  }
0x10: {  	[smem:$0x3FAC] =	sst s8  }
0x11: {  	[smem:$0x3FAD] =	sst s9;
	s0 =	simm.s32 @!p0 $0x0  }
0x12: {  	s1 =	sld [smem:$0x3F93];
	s0 =	simm.s32 @p0 $0x1  }
0x13: {  	[smem:$0x3FAE] =	sst s0;
	s0 =	simm.s32 @!p1 $0x0  }
0x14: {  	s2 =	sld [smem:$0x3F92];
	s0 =	simm.s32 @p1 $0x1  }
0x15: {  	[smem:$0x3FAF] =	sst s0;
	s0 =	simm.s32 @!p2 $0x0  }
0x16: {  	s3 =	sld [smem:$0x3FDB];
	s0 =	simm.s32 @p2 $0x1  }
0x17: {  	s4 =	simm.s32 $0x1BF5;
	[smem:$0x3FB1] =	sst s0  }
0x18: {  	s0 =	sld [smem:$0x3F94];
	_ =	swait.ge [sflag:s4], $0x0  }
0x19: {  	s7 =	sld [smem:$0x3F95]  }
0x1a: {  	s8 =	sadd.s32 $0xFFFFE003, lr  }
0x1b: {  	s9 =	sadd.s32 $0xFFFFFEF7, lr;
	s5 =	simm.s32 $0xFFFFFFFF;
	p2 =	slt.u32 s8, $0xFFFFF086  }
0x1c: {  	p1 =	slt.u32 s9, $0xF7A;
	s5 =	simm.s32 @!p2 $0x0  }
0x1d: {  	s5 =	simm.s32 @p1 $0x1;
	p0 =	seq.s32 s7, s2  }
0x1e: {  	s7 =	smul.u32 @!p0 $0xF7A, s2;
	p2 =	seq.s32 @!p0 s5, $0x0  }
0x1f: {  	s9 =	smul.u32 $0xF7A, s1;
	s8 =	simm.s32 @!p0 $0x1BF5;
	p2 =	por !p2, p0  }
0x20: {  	[sflag:s8] =	ssyncset.s32 @!p0 $0xFFFFF086;
	s6 =	sadd.s32 @!p0 s3, s7;
	s7 =	simm.s32 @!p0 $0x108  }
0x21: {  	s3 =	sadd.s32 s3, s9;
	s6 =	sadd.s32 @!p0 $0x88, s6;
	s7 =	simm.s32 @p2 $0x1082  }
0x22: {  	[simem:s7], [sflag:s8] =	dma.local @!p0 [hbm:s6], $0xF7A  }
0x23: {  	s9 =	sor.u32 $0xD0000000, s2;
	s6 =	simm.s32 $0x108;
	_ =	swait.ge @!p0 [sflag:s8], $0x0  }
0x24: {  	s3 =	sadd.s32 $0x88, s3;
	s6 =	simm.s32 @!p1 $0x1082;
	[sflag:s4] =	ssyncset.s32 $0xFFFFF086  }
0x25: {  	[simem:s6], [sflag:s4] =	dma.local [hbm:s3], $0xF7A  }
0x26: {  	[smem:$0x3F95] =	sst s1;
	(tag) =	ssettag s2;
	_ =	strace s9  }
0x27: {  	s1 =	sld [smem:$0x3FA5]  }
0x28: {  	s2 =	sld [smem:$0x3FA6]  }
0x29: {  	s4 =	sld [smem:$0x3FA8]  }
0x2a: {  	p0 =	seq.s32 s5, $0x0;
	s5 =	sld [smem:$0x3FA9]  }
0x2b: {  	s6 =	sld [smem:$0x3FAA]  }
0x2c: {  	s7 =	sld [smem:$0x3FAB]  }
0x2d: {  	s3 =	simm.s32 $0x108;
	s8 =	sld [smem:$0x3FAC]  }
0x2e: {  	s3 =	simm.s32 @!p0 $0x1082;
	s9 =	sld [smem:$0x3FAD]  }
0x2f: {  	lr =	sadd.s32 s0, s3;
	s0 =	sld [smem:$0x3FA4]  }
0x30: {  	s3 =	sld [smem:$0x3FA7]  }
0x31: {  	[smem:$0x3FB0] =	sst s10  }
0x32: {  	s10 =	sld [smem:$0x3FAE];
	_ =	sdelay $0x3  }
0x33: {  	p0 =	seq.s32 s10, $0x1;
	s10 =	sld [smem:$0x3FB0];
	_ =	sdelay $0x3  }
0x34: {  	[smem:$0x3FB0] =	sst s10  }
0x35: {  	s10 =	sld [smem:$0x3FAF];
	_ =	sdelay $0x3  }
0x36: {  	p1 =	seq.s32 s10, $0x1;
	s10 =	sld [smem:$0x3FB0];
	_ =	sdelay $0x3  }
0x37: {  	[smem:$0x3FB0] =	sst s10  }
0x38: {  	s10 =	sld [smem:$0x3FB1]  }
0x39: {  	_ = 	snop;
	(pc) =	sbr.ind lr, $3  }
0x3a: {  	_ = 	snop  }
0x3b: {  	_ = 	snop  }
0x3c: {  	p2 =	seq.s32 s10, $0x1;
	s10 =	sld [smem:$0x3FB0]  }
0x3d: {  	_ =	shalt  }
0x3e: {  	_ =	shalt  }
0x3f: {  	_ =	shalt  }
0x40: {  	_ =	shalt  }
0x41: {  	_ =	shalt  }
0x42: {  	_ =	shalt  }
0x43: {  	_ =	shalt  }
0x44: {  	_ =	shalt  }
0x45: {  	_ =	shalt  }
0x46: {  	_ =	shalt  }
0x47: {  	_ =	shalt  }
0x48: {  	_ =	shalt  }
0x49: {  	_ =	shalt  }
0x4a: {  	_ =	shalt  }
0x4b: {  	_ =	shalt  }
0x4c: {  	_ =	shalt  }
0x4d: {  	_ =	shalt  }
0x4e: {  	_ =	shalt  }
0x4f: {  	_ =	shalt  }
0x50: {  	_ =	shalt  }
0x51: {  	_ =	shalt  }
0x52: {  	_ =	shalt  }
0x53: {  	_ =	shalt  }
0x54: {  	_ =	shalt  }
0x55: {  	_ =	shalt  }
0x56: {  	_ =	shalt  }
0x57: {  	_ =	shalt  }
0x58: {  	_ =	shalt  }
0x59: {  	_ =	shalt  }
0x5a: {  	_ =	shalt  }
0x5b: {  	_ =	shalt  }
0x5c: {  	_ =	shalt  }
0x5d: {  	_ =	shalt  }
0x5e: {  	_ =	shalt  }
0x5f: {  	_ =	shalt  }
0x60: {  	_ =	shalt  }
0x61: {  	_ =	shalt  }
0x62: {  	_ =	shalt  }
0x63: {  	_ =	shalt  }
0x64: {  	_ =	shalt  }
0x65: {  	_ =	shalt  }
0x66: {  	_ =	shalt  }
0x67: {  	_ =	shalt  }
0x68: {  	_ =	shalt  }
0x69: {  	_ =	shalt  }
0x6a: {  	_ =	shalt  }
0x6b: {  	_ =	shalt  }
0x6c: {  	_ =	shalt  }
0x6d: {  	_ =	shalt  }
0x6e: {  	_ =	shalt  }
0x6f: {  	_ =	shalt  }
0x70: {  	_ =	shalt  }
0x71: {  	_ =	shalt  }
0x72: {  	_ =	shalt  }
0x73: {  	_ =	shalt  }
0x74: {  	_ =	shalt  }
0x75: {  	_ =	shalt  }
0x76: {  	_ =	shalt  }
0x77: {  	_ =	shalt  }
0x78: {  	_ =	shalt  }
0x79: {  	_ =	shalt  }
0x7a: {  	_ =	shalt  }
0x7b: {  	_ =	shalt  }
0x7c: {  	_ =	shalt  }
0x7d: {  	_ =	shalt  }
0x7e: {  	_ =	shalt  }
0x7f: {  	_ =	shalt  }
0x80: {  	_ =	shalt  }
0x81: {  	_ =	shalt  }
0x82: {  	_ =	shalt  }
0x83: {  	_ =	shalt  }
0x84: {  	_ =	shalt  }
0x85: {  	_ =	shalt  }
0x86: {  	_ =	shalt  }
0x87: {  	_ =	shalt  }
.Lfunc_end0:
.L_simem_size_0:
called_computation.1_lowered:
.L_overlay_start_0:
0x88: {  	s2 =	sld [smem:$0x3FD9]  }
0x89: {  	s3 =	sld [smem:$0x3FFE];
	_ =	sdelay $0x1  }
0x8a: {  	s1 =	srdreg.scid  }
0x8b: {  	s0 =	sand.u32 $0x1, s1  }
0x8c: {  	s17 =	sshll.u32 s0, $0xA;
	s2 =	sadd.s32 s3, s2  }
0x8d: {  	s2 =	sadd.s32 s2, s17  }
0x8e: {  	[smem:$0x3FBC] =	sst s2  }
0x8f: {  	_ = 	snop  }
0x90: {  	s2 =	sld [smem:$0x3FD0];
	(tm) =	ssettm $0x1  }
0x91: {  	s18 =	sld [smem:$0x3FFB];
	_ =	sdelay $0x3  }
0x92: {  	_ =	strace s18  }
0x93: {  	s3 =	sld [smem:$0x3FFC];
	_ =	sdelay $0x3  }
0x94: {  	_ =	strace s3  }
0x95: {  	s3 =	sld [smem:$0x3FFD];
	_ =	sdelay $0x3  }
0x96: {  	_ =	strace s3  }
0x97: {  	_ =	strace $0x8FFFFFFF  }
0x98: {  	s19 =	sld [smem:$0x3FDB];
	_ =	sdelay $0x1  }
0x99: {  	s4 =	simm.s32 $_scs_section_size  }
0x9a: {  	s5 =	simm.s32 $_size__tile_overlayer_lowered;
	s6 =	simm.s32 $_tile_overlayer_lowered  }
0x9b: {  	s22 =	simm.s32 $0x1BFF;
	s21 =	sshll.u32 s6, $0x1;
	s3 =	sadd.s32 s4, s19  }
0x9c: {  	s7 =	simm.s32 $0x0;
	s20 =	sshll.u32 s5, $0x1;
	s5 =	sadd.s32 s21, s3  }
0x9d: {  	[timem:s7], [sflag:s22] =	dma.local [hbm:s5], s20  }
0x9e: {  	_ =	swait.ge [sflag:s22], s20  }
0x9f: {  	s4 =	ssub.s32 $0x0, s20;
	[sflag:s22] =	ssyncset.done $0x0  }
0xa0: {  	[sflag:s22] =	ssyncadd.s32 s4;
	_ =	sdelay $0x1  }
0xa1: {  	s23 =	simm.s32 $0x1B8B  }
0xa2: {  	_ =	swait.ge [sflag:s23], $0x1  }
0xa3: {  	[sflag:s23] =	ssyncset.done $0x0  }
0xa4: {  	s25 =	simm.s32 $0x1B8E;
	s24 =	sld [smem:$0x3FFE];
	[sflag:s23] =	ssyncadd.s32 $0xFFFFFFFF  }
0xa5: {  	s26 =	simm.s32 $execute0_lowered;
	[smem:$0x3FD2] =	sst s25  }
0xa6: {  	s5 =	sshll.u32 s26, $0x1;
	_ =	strace $0x80000049;
	[dreg:$0x1] =	wrdreg $0xFFFFFFFF  }
0xa7: {  	s28 =	simm.s32 $_size_execute0_lowered;
	s3 =	sadd.s32 s3, s5;
	[dreg:$0x0] =	wrdreg $0x0  }
0xa8: {  	s5 =	sshll.u32 s28, $0x1;
	[dreg:$0x2] =	wrdreg s3  }
0xa9: {  	[dreg:$0x3] =	wrdreg s5  }
0xaa: {  	[dreg:$0x4] =	wrdreg $0xC0  }
0xab: {  	_ =	task [dreg:s7], $0x5FFFF  }
0xac: {  	[dreg:$0x1] =	wrdreg $0xFFFFFFFF  }
0xad: {  	[dreg:$0x0] =	wrdreg $0x60  }
0xae: {  	[dreg:$0x2] =	wrdreg s24  }
0xaf: {  	[dreg:$0x3] =	wrdreg s2  }
0xb0: {  	[dreg:$0x4] =	wrdreg $0x52000  }
0xb1: {  	[dreg:$0x5] =	wrdreg $0x9  }
0xb2: {  	_ =	task.clear_ibuf [dreg:s7], $0x6FFFF;
	_ =	strace $0x90000049  }
0xb3: {  	s29 =	simm.s32 $0x9;
	_ =	strace $0x8000004B  }
0xb4: {  	_ =	swait.ge [sflag:s29], $0x1  }
0xb5: {  	[sflag:s29] =	ssyncadd.s32 $0xFFFFFFFF  }
0xb6: {  	_ =	strace $0x9000004B  }
0xb7: {  	_ =	sfence  }
0xb8: {  	s30 =	sld [smem:$0x0];
	_ =	sdelay $0x2  }
0xb9: {  	s31 =	sshll.u32 s1, $0xD;
	s1 =	sshrl.u32 s1, $0x2  }
0xba: {  	s3 =	sand.u32 $0x4000, s31;
	s1 =	sadd.s32 s1, s30  }
0xbb: {  	s0 =	sor.u32 s3, s0;
	s1 =	sshll.u32 s1, $0x11  }
0xbc: {  	s0 =	sor.u32 s1, s0  }
0xbd: {  	s0 =	sadd.s32 $0x8F2B, s0  }
0xbe: {  	[sflag:s0] =	ssyncadd.remote.s32 $0x1  }
0xbf: {  	_ =	sfence.sel $0xFFFF  }
0xc0: {  	[dreg:$0x0] =	wrdreg $0xFFFFFFFF;
	(pc) =	sbr.abs _section_cstart, $3  }
0xc1: {  	[dreg:$0x1] =	wrdreg $0xFFFFFFFF  }
0xc2: {  	_ =	task.clear_ibuf [dreg:s7], $0x2FFFF;
	_ =	strace $0x9FFFFFFF  }
0xc3: {  	(tm) =	ssettm $0x7FFFFFFF  }
tec
execute0_lowered:
.L_overlay_start_1:
0x0: {  	(tag) =	ssettag $0x1  }
0x1: {  	s18 =	stileid.u32  }
0x2: {  	s1 =	srdreg.scid;
	s11 =	smul.u32 $0x14000, s18  }
0x3: {  	s0 =	rddreg [dreg:$0x0];
	s2 =	sand.u32 $0x1, s1;
	s17 =	smul.u32 $0xFA, s18  }
0x4: {  	s1 =	simm.s32 $0x0;
	s12 =	sadd.s32 $0x149600, s0;
	s13 =	smul.u32 $0x1780, s2  }
0x5: {  	s3 =	ssub.s32 $0x2, s2;
	[smem:$0x7FF] =	sst s1;
	s14 =	smul.u32 $0x140000, s2  }
0x6: {  	s4 =	sshrl.u32 s3, $0x1;
	s5 =	sadd.s32 $0x5000, s11;
	s6 =	sadd.s32 $0x7800, s11  }
0x7: {  	s7 =	sadd.s32 $0xA000, s11;
	s8 =	sadd.s32 $0xC800, s11;
	s9 =	sadd.s32 $0xF000, s11  }
0x8: {  	s10 =	sadd.s32 $0x11800, s11;
	s4 =	ssub.s32 s3, s4;
	s3 =	sor.u32 $0x2800, s11  }
0x9: {  	s15 =	sadd.s32 s11, s14;
	s2 =	sadd.s32 s17, s13;
	s20 =	sadd.s32 s14, s5  }
0xa: {  	s22 =	sadd.s32 s14, s6;
	s24 =	sadd.s32 s14, s7;
	s26 =	sadd.s32 s14, s8  }
0xb: {  	s17 =	sadd.s32 s14, s9;
	s15 =	sshrl.u32 s15, $0x3;
	s16 =	sadd.s32 s14, s3  }
0xc: {  	s21 =	sshrl.u32 s20, $0x3;
	s23 =	sshrl.u32 s22, $0x3;
	s25 =	sshrl.u32 s24, $0x3  }
0xd: {  	s20 =	sadd.s32 s14, s10;
	s14 =	sadd.s32 $0x280000, s14;
	s4 =	smax.u32 s4, $0x1  }
0xe: {  	s29 =	sadd.s32 $0xF9, s2;
	s15 =	sadd.s32 s12, s15;
	s19 =	sshrl.u32 s16, $0x3  }
0xf: {  	s16 =	sshrl.u32 s26, $0x3;
	s22 =	sadd.s32 s11, s14;
	s24 =	sadd.s32 s14, s3  }
0x10: {  	[dreg:$0x4] =	wrdreg s15;
	s15 =	sadd.s32 s12, s19;
	s19 =	sshrl.u32 s17, $0x3  }
0x11: {  	s17 =	smul.u32 $0x7E, s18;
	[dreg:$0x5] =	wrdreg s15;
	s15 =	sadd.s32 s12, s21  }
0x12: {  	s26 =	sadd.s32 s14, s5;
	[dreg:$0x6] =	wrdreg s15;
	s15 =	sadd.s32 s12, s23  }
0x13: {  	s11 =	sadd.s32 s17, s13;
	s23 =	sshrl.u32 s22, $0x3;
	[dreg:$0x7] =	wrdreg s15  }
0x14: {  	s15 =	sadd.s32 s12, s25;
	s13 =	sadd.s32 s12, s23;
	s25 =	sshrl.u32 s24, $0x3  }
0x15: {  	s23 =	sadd.s32 s14, s9;
	[dreg:$0x8] =	wrdreg s15;
	s15 =	sadd.s32 s12, s16  }
0x16: {  	s16 =	sshrl.u32 s20, $0x3;
	[dreg:$0xc] =	wrdreg s13;
	s13 =	sadd.s32 s12, s25  }
0x17: {  	s24 =	sshrl.u32 s23, $0x3;
	s25 =	sadd.s32 s14, s10;
	[dreg:$0x9] =	wrdreg s15  }
0x18: {  	s23 =	sadd.s32 $0x59600, s0;
	s15 =	sadd.s32 s12, s19;
	[dreg:$0xd] =	wrdreg s13  }
0x19: {  	s21 =	sadd.s32 s12, s16;
	s16 =	sadd.s32 s14, s6;
	[dreg:$0xa] =	wrdreg s15  }
0x1a: {  	s19 =	sadd.s32 s14, s7;
	[dreg:$0xb] =	wrdreg s21;
	s15 =	sshrl.u32 s26, $0x3  }
0x1b: {  	s17 =	sshrl.u32 s16, $0x3;
	s21 =	sadd.s32 s14, s8;
	s26 =	smul.u32 $0x50000, s18  }
0x1c: {  	s13 =	sadd.s32 s12, s15;
	s22 =	sshrl.u32 s21, $0x3;
	s21 =	rddreg [dreg:$0x2]  }
0x1d: {  	s20 =	sshrl.u32 s19, $0x3;
	s15 =	smul.u32 $0xA, s2;
	[dreg:$0xe] =	wrdreg s13  }
0x1e: {  	s13 =	sadd.s32 s12, s17;
	s14 =	sshrl.u32 s26, $0x2;
	s28 =	sadd.s32 s3, s21  }
0x1f: {  	s30 =	sadd.s32 s5, s21;
	s16 =	sadd.s32 s6, s21;
	s17 =	smul.u32 $0xA, s11  }
0x20: {  	s31 =	sadd.s32 s7, s21;
	s18 =	sadd.s32 s8, s21;
	s3 =	sadd.s32 s10, s21  }
0x21: {  	s10 =	sadd.s32 $0x101D, s11;
	[dreg:$0xf] =	wrdreg s13;
	s13 =	sadd.s32 s12, s20  }
0x22: {  	s6 =	simm.s32 $0x0;
	[dreg:$0x10] =	wrdreg s13;
	s13 =	sadd.s32 s12, s22  }
0x23: {  	s26 =	sadd.s32 s14, s21;
	[dreg:$0x11] =	wrdreg s13;
	s13 =	sadd.s32 s12, s24  }
0x24: {  	s8 =	smov.u32 s16;
	[dreg:$0x12] =	wrdreg s13;
	s13 =	sshrl.u32 s25, $0x3  }
0x25: {  	s5 =	sadd.s32 $0x9C40, s17;
	s24 =	sadd.s32 $0x1EA00, s0;
	s12 =	sadd.s32 s12, s13  }
0x26: {  	s25 =	sadd.s32 $0x3C000, s0;
	s19 =	sadd.s32 s24, s15;
	[dreg:$0x13] =	wrdreg s12  }
0x27: {  	s20 =	sadd.s32 s25, s15;
	_ =	strace $0x8000004A;
	[dreg:$0x17] =	wrdreg s19  }
0x28: {  	s14 =	simm.s32 $0x2A00;
	s22 =	sadd.s32 s24, s5;
	[dreg:$0x18] =	wrdreg s20  }
0x29: {  	s16 =	simm.s32 $0x50;
	s5 =	sadd.s32 s25, s5;
	[dreg:$0x19] =	wrdreg s22  }
0x2a: {  	s17 =	simm.s32 $0x80;
	s0 =	sadd.s32 s9, s21;
	[dreg:$0x1a] =	wrdreg s5  }
0x2b: {  	s13 =	simm.s32 $0x5;
	s15 =	simm.s32 $0x1;
	[dreg:$0x1b] =	wrdreg s4  }
0x2c: {  	s12 =	simm.s32 $0x200;
	s19 =	simm.s32 $0x100;
	[dreg:$0x14] =	wrdreg s28  }
0x2d: {  	s20 =	simm.s32 $0x180;
	s22 =	simm.s32 $0x3;
	[dreg:$0x15] =	wrdreg s30  }
0x2e: {  	s4 =	simm.s32 $0x2;
	s5 =	simm.s32 $0x4;
	[dreg:$0x16] =	wrdreg s8  }
.LBB2_1:
0x2f: {  	s7 =	rddreg [dreg:$0x1]  }
0x30: {  	[tilespmem:s12], [sflag:$0x5] =	stream.linear.gather [hbm4b:s7+s1], $0x2800, $0x38;
	[tilespmem:$0x19200] =	vst v63  }
0x31: {  	_ =	swait.ge [sflag:s13], $0x2800  }
0x32: {  	[sflag:s13] =	ssyncset.done $0x0  }
0x33: {  	[sflag:s13] =	ssyncadd.s32 $0xFFFFD800  }
0x34: {  	[spmem:s26] =	stream.linear.scatter [tilespmem:s12], [sflag:$0x5], $0x2800, $0x38;
	[tilespmem:$0x19200] =	vst v63  }
0x35: {  	_ =	swait.ge [sflag:s13], $0x2800  }
0x36: {  	[sflag:s13] =	ssyncset.done $0x0  }
0x37: {  	[sflag:s13] =	ssyncadd.s32 $0xFFFFD800  }
0x38: {  	[spmem:s28] =	stream.linear.scatter [tilespmem:s12], [sflag:$0x5], $0x2800, $0x38;
	[tilespmem:$0x19200] =	vst v63  }
0x39: {  	_ =	swait.ge [sflag:s13], $0x2800  }
0x3a: {  	[sflag:s13] =	ssyncset.done $0x0  }
0x3b: {  	[sflag:s13] =	ssyncadd.s32 $0xFFFFD800  }
0x3c: {  	[spmem:s30] =	stream.linear.scatter [tilespmem:s12], [sflag:$0x5], $0x2800, $0x38;
	[tilespmem:$0x19200] =	vst v63  }
0x3d: {  	_ =	swait.ge [sflag:s13], $0x2800  }
0x3e: {  	[sflag:s13] =	ssyncset.done $0x0  }
0x3f: {  	[sflag:s13] =	ssyncadd.s32 $0xFFFFD800  }
0x40: {  	[spmem:s8] =	stream.linear.scatter [tilespmem:s12], [sflag:$0x5], $0x2800, $0x38;
	[tilespmem:$0x19200] =	vst v63  }
0x41: {  	_ =	swait.ge [sflag:s13], $0x2800  }
0x42: {  	[sflag:s13] =	ssyncset.done $0x0  }
0x43: {  	[sflag:s13] =	ssyncadd.s32 $0xFFFFD800  }
0x44: {  	[spmem:s31] =	stream.linear.scatter [tilespmem:s12], [sflag:$0x5], $0x2800, $0x38;
	[tilespmem:$0x19200] =	vst v63  }
0x45: {  	_ =	swait.ge [sflag:s13], $0x2800  }
0x46: {  	[sflag:s13] =	ssyncset.done $0x0  }
0x47: {  	[sflag:s13] =	ssyncadd.s32 $0xFFFFD800  }
0x48: {  	[spmem:s18] =	stream.linear.scatter [tilespmem:s12], [sflag:$0x5], $0x2800, $0x38;
	[tilespmem:$0x19200] =	vst v63  }
0x49: {  	_ =	swait.ge [sflag:s13], $0x2800  }
0x4a: {  	[sflag:s13] =	ssyncset.done $0x0  }
0x4b: {  	[sflag:s13] =	ssyncadd.s32 $0xFFFFD800  }
0x4c: {  	[spmem:s0] =	stream.linear.scatter [tilespmem:s12], [sflag:$0x5], $0x2800, $0x38;
	[tilespmem:$0x19200] =	vst v63  }
0x4d: {  	_ =	swait.ge [sflag:s13], $0x2800  }
0x4e: {  	[sflag:s13] =	ssyncset.done $0x0  }
0x4f: {  	[sflag:s13] =	ssyncadd.s32 $0xFFFFD800  }
0x50: {  	[spmem:s3] =	stream.linear.scatter [tilespmem:s12], [sflag:$0x5], $0x2800, $0x38;
	[tilespmem:$0x19200] =	vst v63  }
0x51: {  	_ =	swait.ge [sflag:s13], $0x2800  }
0x52: {  	[sflag:s13] =	ssyncset.done $0x0  }
0x53: {  	[sflag:s13] =	ssyncadd.s32 $0xFFFFD800  }
0x54: {  	[bflag:$0x0] =	sbarrier.arrive $0xFFFF  }
0x55: {  	[tilespmem:s14], [sflag:$0x5] =	stream.linear.gather [spmem:s26], $0x2800, $0x38;
	[tilespmem:$0x19200] =	vst v63  }
0x56: {  	_ =	swait.ge [sflag:s13], $0x2800  }
0x57: {  	[sflag:s13] =	ssyncset.done $0x0  }
0x58: {  	[sflag:s13] =	ssyncadd.s32 $0xFFFFD800  }
0x59: {  	[bflag:$0x0] =	sbarrier.arrive $0xFFFF  }
0x5a: {  	s8 =	rddreg [dreg:$0x17]  }
0x5b: {  	[tilespmem:s1], [sflag:$0x1] =	stream.linear.gather [hbm4b:s8+s1], $0x50, $0x38;
	[tilespmem:$0x19200] =	vst v63  }
0x5c: {  	s9 =	rddreg [dreg:$0x18]  }
0x5d: {  	[tilespmem:s19], [sflag:$0x1] =	stream.linear.gather [hbm4b:s9+s1], $0x50, $0x38;
	[tilespmem:$0x19200] =	vst v63  }
0x5e: {  	_ =	swait.ge [sflag:s15], $0x50  }
0x5f: {  	s28 =	sadd.s32 $0xFFFFFF06, s2;
	[sflag:s15] =	ssyncset.done $0x0  }
0x60: {  	s8 =	sadd.s32 $0xFB, s28;
	[sflag:s15] =	ssyncadd.s32 $0xFFFFFFB0  }
0x61: {  	p0 =	slt.s32 s8, s29;
	s9 =	smov.u32 s29;
	_ =	swait.ge [sflag:s15], $0x50  }
0x62: {  	s9 =	smov.u32 @p0 s8;
	[sflag:s15] =	ssyncset.done $0x0  }
0x63: {  	s8 =	smul.u32 $0xA, s9;
	[sflag:s15] =	ssyncadd.s32 $0xFFFFFFB0  }
0x64: {  	[tilespmem:s12], [sflag:$0x3] =	stream.indirect.gather [hbm4b:s23+s16], $0x80, s1, s16, $0xb8;
	[tilespmem:$0x19200] =	vst v63  }
0x65: {  	s9 =	sadd.s32 s24, s8  }
0x66: {  	[tilespmem:s17], [sflag:$0x2] =	stream.linear.gather [hbm4b:s9+s1], $0x50, $0x38;
	[tilespmem:$0x19200] =	vst v63  }
0x67: {  	s8 =	sadd.s32 s25, s8  }
0x68: {  	[tilespmem:s20], [sflag:$0x2] =	stream.linear.gather [hbm4b:s8+s1], $0x50, $0x38;
	[tilespmem:$0x19200] =	vst v63  }
0x69: {  	_ =	swait.ge [sflag:s22], $0x2800  }
0x6a: {  	[sflag:s22] =	ssyncset.done $0x0  }
0x6b: {  	[sflag:s22] =	ssyncadd.s32 $0xFFFFD800  }
0x6c: {  	_ =	swait.ge [sflag:s4], $0x50  }
0x6d: {  	[sflag:s4] =	ssyncset.done $0x0  }
0x6e: {  	[sflag:s4] =	ssyncadd.s32 $0xFFFFFFB0  }
0x6f: {  	_ =	swait.ge [sflag:s4], $0x50  }
0x70: {  	s7 =	sadd.s32 $0xFC, s28;
	[sflag:s4] =	ssyncset.done $0x0  }
0x71: {  	p0 =	slt.s32 s7, s29;
	s8 =	smov.u32 s29;
	[sflag:s4] =	ssyncadd.s32 $0xFFFFFFB0  }
0x72: {  	[tilespmem:s14], [sflag:$0x4] =	stream.indirect.gather [hbm4b:s23+s16], $0x80, s17, s16, $0xb8;
	[tilespmem:$0x19200] =	vst v63  }
0x73: {  	s8 =	smov.u32 @p0 s7  }
0x74: {  	[spmem:s21] =	stream.indirect.scatter.add.f32 [tilespmem:s12], [sflag:$0x5], $0x80, s19, s16, $0xb8;
	[tilespmem:$0x19200] =	vst v63  }
0x75: {  	s7 =	smul.u32 $0xA, s8;
	_ =	swait.ge [sflag:s13], $0x2800  }
0x76: {  	[sflag:s13] =	ssyncset.done $0x0  }
0x77: {  	s8 =	sadd.s32 s24, s7;
	[sflag:s13] =	ssyncadd.s32 $0xFFFFD800  }
0x78: {  	[tilespmem:s1], [sflag:$0x1] =	stream.linear.gather [hbm4b:s8+s1], $0x50, $0x38;
	[tilespmem:$0x19200] =	vst v63  }
0x79: {  	s7 =	sadd.s32 s25, s7  }
0x7a: {  	[tilespmem:s19], [sflag:$0x1] =	stream.linear.gather [hbm4b:s7+s1], $0x50, $0x38;
	[tilespmem:$0x19200] =	vst v63  }
0x7b: {  	_ =	swait.ge [sflag:s5], $0x2800  }
0x7c: {  	[sflag:s5] =	ssyncset.done $0x0  }
0x7d: {  	[sflag:s5] =	ssyncadd.s32 $0xFFFFD800  }
0x7e: {  	s30 =	sadd.s32 $0xFFFFFF08, s2;
	_ =	swait.ge [sflag:s15], $0x50  }
0x7f: {  	s28 =	sadd.s32 $0xFB, s30;
	[sflag:s15] =	ssyncset.done $0x0  }
0x80: {  	s9 =	smov.u32 s29;
	p0 =	slt.s32 s28, s29;
	[sflag:s15] =	ssyncadd.s32 $0xFFFFFFB0  }
0x81: {  	s8 =	smov.u32 s29;
	s7 =	sadd.s32 $0xFC, s30;
	_ =	swait.ge [sflag:s15], $0x50  }
0x82: {  	s8 =	smov.u32 @p0 s28;
	p1 =	slt.s32 s7, s29;
	[sflag:s15] =	ssyncset.done $0x0  }
0x83: {  	s9 =	smov.u32 @p1 s7;
	s7 =	simm.s32 $0xFFFFFF0A;
	[sflag:s15] =	ssyncadd.s32 $0xFFFFFFB0  }
0x84: {  	[tilespmem:s12], [sflag:$0x3] =	stream.indirect.gather [hbm4b:s23+s16], $0x80, s1, s16, $0xb8;
	[tilespmem:$0x19200] =	vst v63  }
.LBB2_2:
0x85: {  	[spmem:s21] =	stream.indirect.scatter.add.f32 [tilespmem:s14], [sflag:$0x5], $0x80, s20, s16, $0xb8;
	[tilespmem:$0x19200] =	vst v63  }
0x86: {  	s28 =	smov.u32 s7  }
0x87: {  	p0 =	sne.s32 s7, $0xFFFFFFFE;
	s7 =	sadd.s32 $0x2, s7;
	_ =	swait.ge [sflag:s13], $0x2800  }
0x88: {  	s8 =	smul.u32 $0xA, s8;
	[sflag:s13] =	ssyncset.done $0x0  }
0x89: {  	[sflag:s13] =	ssyncadd.s32 $0xFFFFD800  }
0x8a: {  	s30 =	sadd.s32 s24, s8  }
0x8b: {  	[tilespmem:s17], [sflag:$0x2] =	stream.linear.gather [hbm4b:s30+s1], $0x50, $0x38;
	[tilespmem:$0x19200] =	vst v63  }
0x8c: {  	s8 =	sadd.s32 s25, s8  }
0x8d: {  	[tilespmem:s20], [sflag:$0x2] =	stream.linear.gather [hbm4b:s8+s1], $0x50, $0x38;
	[tilespmem:$0x19200] =	vst v63  }
0x8e: {  	_ =	swait.ge [sflag:s22], $0x2800  }
0x8f: {  	[sflag:s22] =	ssyncset.done $0x0  }
0x90: {  	[sflag:s22] =	ssyncadd.s32 $0xFFFFD800  }
0x91: {  	_ =	swait.ge [sflag:s4], $0x50  }
0x92: {  	[sflag:s4] =	ssyncset.done $0x0  }
0x93: {  	[sflag:s4] =	ssyncadd.s32 $0xFFFFFFB0  }
0x94: {  	_ =	swait.ge [sflag:s4], $0x50  }
0x95: {  	[sflag:s4] =	ssyncset.done $0x0  }
0x96: {  	[sflag:s4] =	ssyncadd.s32 $0xFFFFFFB0  }
0x97: {  	[tilespmem:s14], [sflag:$0x4] =	stream.indirect.gather [hbm4b:s23+s16], $0x80, s17, s16, $0xb8;
	[tilespmem:$0x19200] =	vst v63  }
0x98: {  	_ = 	snop  }
0x99: {  	[spmem:s21] =	stream.indirect.scatter.add.f32 [tilespmem:s12], [sflag:$0x5], $0x80, s19, s16, $0xb8;
	[tilespmem:$0x19200] =	vst v63  }
0x9a: {  	s8 =	smul.u32 $0xA, s9;
	_ =	swait.ge [sflag:s13], $0x2800  }
0x9b: {  	[sflag:s13] =	ssyncset.done $0x0  }
0x9c: {  	s9 =	sadd.s32 s24, s8;
	[sflag:s13] =	ssyncadd.s32 $0xFFFFD800  }
0x9d: {  	[tilespmem:s1], [sflag:$0x1] =	stream.linear.gather [hbm4b:s9+s1], $0x50, $0x38;
	[tilespmem:$0x19200] =	vst v63  }
0x9e: {  	s8 =	sadd.s32 s25, s8  }
0x9f: {  	[tilespmem:s19], [sflag:$0x1] =	stream.linear.gather [hbm4b:s8+s1], $0x50, $0x38;
	[tilespmem:$0x19200] =	vst v63  }
0xa0: {  	_ =	swait.ge [sflag:s5], $0x2800  }
0xa1: {  	[sflag:s5] =	ssyncset.done $0x0  }
0xa2: {  	[sflag:s5] =	ssyncadd.s32 $0xFFFFD800  }
0xa3: {  	_ =	swait.ge [sflag:s15], $0x50  }
0xa4: {  	s8 =	sadd.s32 s28, s2;
	[sflag:s15] =	ssyncset.done $0x0  }
0xa5: {  	s9 =	sadd.s32 $0xFB, s8;
	s28 =	sadd.s32 $0xFC, s8;
	[sflag:s15] =	ssyncadd.s32 $0xFFFFFFB0  }
.Ltmp0:
0xa6: {  	s8 =	smov.u32 s29;
	_ =	swait.ge [sflag:s15], $0x50;
	(pc) =	sbr.rel @p0 .LBB2_2-.Ltmp0, $4  }
0xa7: {  	p1 =	slt.s32 s9, s29;
	p2 =	slt.s32 s28, s29;
	[sflag:s15] =	ssyncset.done $0x0  }
0xa8: {  	s8 =	smov.u32 @p1 s9;
	s9 =	smov.u32 s29;
	[sflag:s15] =	ssyncadd.s32 $0xFFFFFFB0  }
0xa9: {  	[tilespmem:s12], [sflag:$0x3] =	stream.indirect.gather [hbm4b:s23+s16], $0x80, s1, s16, $0xb8;
	[tilespmem:$0x19200] =	vst v63  }
0xaa: {  	s9 =	smov.u32 @p2 s28  }
0xab: {  	[spmem:s21] =	stream.indirect.scatter.add.f32 [tilespmem:s14], [sflag:$0x5], $0x80, s20, s16, $0xb8;
	[tilespmem:$0x19200] =	vst v63  }
0xac: {  	s7 =	smul.u32 $0xA, s8;
	_ =	swait.ge [sflag:s13], $0x2800  }
0xad: {  	[sflag:s13] =	ssyncset.done $0x0  }
0xae: {  	s8 =	sadd.s32 s24, s7;
	[sflag:s13] =	ssyncadd.s32 $0xFFFFD800  }
0xaf: {  	[tilespmem:s17], [sflag:$0x2] =	stream.linear.gather [hbm4b:s8+s1], $0x50, $0x38;
	[tilespmem:$0x19200] =	vst v63  }
0xb0: {  	s7 =	sadd.s32 s25, s7  }
0xb1: {  	[tilespmem:s20], [sflag:$0x2] =	stream.linear.gather [hbm4b:s7+s1], $0x50, $0x38;
	[tilespmem:$0x19200] =	vst v63  }
0xb2: {  	_ =	swait.ge [sflag:s22], $0x2800  }
0xb3: {  	[sflag:s22] =	ssyncset.done $0x0  }
0xb4: {  	[sflag:s22] =	ssyncadd.s32 $0xFFFFD800  }
0xb5: {  	_ =	swait.ge [sflag:s4], $0x50  }
0xb6: {  	[sflag:s4] =	ssyncset.done $0x0  }
0xb7: {  	[sflag:s4] =	ssyncadd.s32 $0xFFFFFFB0  }
0xb8: {  	_ =	swait.ge [sflag:s4], $0x50  }
0xb9: {  	[sflag:s4] =	ssyncset.done $0x0  }
0xba: {  	[sflag:s4] =	ssyncadd.s32 $0xFFFFFFB0  }
0xbb: {  	[tilespmem:s14], [sflag:$0x4] =	stream.indirect.gather [hbm4b:s23+s16], $0x80, s17, s16, $0xb8;
	[tilespmem:$0x19200] =	vst v63  }
0xbc: {  	_ = 	snop  }
0xbd: {  	[spmem:s21] =	stream.indirect.scatter.add.f32 [tilespmem:s12], [sflag:$0x5], $0x80, s19, s16, $0xb8;
	[tilespmem:$0x19200] =	vst v63  }
0xbe: {  	s28 =	smul.u32 $0xA, s9;
	_ =	swait.ge [sflag:s13], $0x2800  }
0xbf: {  	[sflag:s13] =	ssyncset.done $0x0  }
0xc0: {  	s30 =	sadd.s32 s24, s28;
	[sflag:s13] =	ssyncadd.s32 $0xFFFFD800  }
0xc1: {  	[tilespmem:s1], [sflag:$0x1] =	stream.linear.gather [hbm4b:s30+s1], $0x50, $0x38;
	[tilespmem:$0x19200] =	vst v63  }
0xc2: {  	s7 =	sadd.s32 s25, s28  }
0xc3: {  	[tilespmem:s19], [sflag:$0x1] =	stream.linear.gather [hbm4b:s7+s1], $0x50, $0x38;
	[tilespmem:$0x19200] =	vst v63  }
0xc4: {  	_ =	swait.ge [sflag:s5], $0x2800  }
0xc5: {  	[sflag:s5] =	ssyncset.done $0x0  }
0xc6: {  	[sflag:s5] =	ssyncadd.s32 $0xFFFFD800  }
0xc7: {  	_ =	swait.ge [sflag:s15], $0x50  }
0xc8: {  	[sflag:s15] =	ssyncset.done $0x0  }
0xc9: {  	[sflag:s15] =	ssyncadd.s32 $0xFFFFFFB0  }
0xca: {  	_ =	swait.ge [sflag:s15], $0x50  }
0xcb: {  	[sflag:s15] =	ssyncset.done $0x0  }
0xcc: {  	[sflag:s15] =	ssyncadd.s32 $0xFFFFFFB0  }
0xcd: {  	[tilespmem:s12], [sflag:$0x3] =	stream.indirect.gather [hbm4b:s23+s16], $0x80, s1, s16, $0xb8;
	[tilespmem:$0x19200] =	vst v63  }
0xce: {  	_ = 	snop  }
0xcf: {  	[spmem:s21] =	stream.indirect.scatter.add.f32 [tilespmem:s14], [sflag:$0x5], $0x80, s20, s16, $0xb8;
	[tilespmem:$0x19200] =	vst v63  }
0xd0: {  	_ =	swait.ge [sflag:s13], $0x2800  }
0xd1: {  	[sflag:s13] =	ssyncset.done $0x0  }
0xd2: {  	[sflag:s13] =	ssyncadd.s32 $0xFFFFD800  }
0xd3: {  	_ =	swait.ge [sflag:s22], $0x2800  }
0xd4: {  	[sflag:s22] =	ssyncset.done $0x0  }
0xd5: {  	[sflag:s22] =	ssyncadd.s32 $0xFFFFD800  }
0xd6: {  	[bflag:$0x0] =	sbarrier.arrive $0xFFFF  }
0xd7: {  	[tilespmem:s14], [sflag:$0x5] =	stream.linear.gather [spmem:s26], $0x2800, $0x38;
	[tilespmem:$0x19200] =	vst v63  }
0xd8: {  	_ =	swait.ge [sflag:s13], $0x2800  }
0xd9: {  	[sflag:s13] =	ssyncset.done $0x0  }
0xda: {  	[sflag:s13] =	ssyncadd.s32 $0xFFFFD800  }
0xdb: {  	[bflag:$0x0] =	sbarrier.arrive $0xFFFF  }
0xdc: {  	[tilespmem:s12], [sflag:$0x5] =	stream.linear.gather [spmem:s26], $0x2800, $0x38;
	[tilespmem:$0x19200] =	vst v63  }
0xdd: {  	_ =	swait.ge [sflag:s13], $0x2800  }
0xde: {  	[sflag:s13] =	ssyncset.done $0x0  }
0xdf: {  	s8 =	rddreg [dreg:$0x4];
	[sflag:s13] =	ssyncadd.s32 $0xFFFFD800  }
0xe0: {  	[hbm4b:s8+s1] =	stream.linear.scatter [tilespmem:s12], [sflag:$0x5], $0x2800, $0x38;
	[tilespmem:$0x19200] =	vst v63  }
0xe1: {  	_ =	swait.ge [sflag:s13], $0x2800  }
0xe2: {  	[sflag:s13] =	ssyncset.done $0x0  }
0xe3: {  	s8 =	rddreg [dreg:$0x14];
	[sflag:s13] =	ssyncadd.s32 $0xFFFFD800  }
0xe4: {  	[tilespmem:s12], [sflag:$0x5] =	stream.linear.gather [spmem:s8], $0x2800, $0x38;
	[tilespmem:$0x19200] =	vst v63  }
0xe5: {  	_ =	swait.ge [sflag:s13], $0x2800  }
0xe6: {  	[sflag:s13] =	ssyncset.done $0x0  }
0xe7: {  	s9 =	rddreg [dreg:$0x5];
	[sflag:s13] =	ssyncadd.s32 $0xFFFFD800  }
0xe8: {  	[hbm4b:s9+s1] =	stream.linear.scatter [tilespmem:s12], [sflag:$0x5], $0x2800, $0x38;
	[tilespmem:$0x19200] =	vst v63  }
0xe9: {  	_ =	swait.ge [sflag:s13], $0x2800  }
0xea: {  	[sflag:s13] =	ssyncset.done $0x0  }
0xeb: {  	s9 =	rddreg [dreg:$0x15];
	[sflag:s13] =	ssyncadd.s32 $0xFFFFD800  }
0xec: {  	[tilespmem:s12], [sflag:$0x5] =	stream.linear.gather [spmem:s9], $0x2800, $0x38;
	[tilespmem:$0x19200] =	vst v63  }
0xed: {  	_ =	swait.ge [sflag:s13], $0x2800  }
0xee: {  	[sflag:s13] =	ssyncset.done $0x0  }
0xef: {  	s28 =	rddreg [dreg:$0x6];
	[sflag:s13] =	ssyncadd.s32 $0xFFFFD800  }
0xf0: {  	[hbm4b:s28+s1] =	stream.linear.scatter [tilespmem:s12], [sflag:$0x5], $0x2800, $0x38;
	[tilespmem:$0x19200] =	vst v63  }
0xf1: {  	_ =	swait.ge [sflag:s13], $0x2800  }
0xf2: {  	[sflag:s13] =	ssyncset.done $0x0  }
0xf3: {  	s28 =	rddreg [dreg:$0x16];
	[sflag:s13] =	ssyncadd.s32 $0xFFFFD800  }
0xf4: {  	[tilespmem:s12], [sflag:$0x5] =	stream.linear.gather [spmem:s28], $0x2800, $0x38;
	[tilespmem:$0x19200] =	vst v63  }
0xf5: {  	_ =	swait.ge [sflag:s13], $0x2800  }
0xf6: {  	[sflag:s13] =	ssyncset.done $0x0  }
0xf7: {  	s30 =	rddreg [dreg:$0x7];
	[sflag:s13] =	ssyncadd.s32 $0xFFFFD800  }
0xf8: {  	[hbm4b:s30+s1] =	stream.linear.scatter [tilespmem:s12], [sflag:$0x5], $0x2800, $0x38;
	[tilespmem:$0x19200] =	vst v63  }
0xf9: {  	_ =	swait.ge [sflag:s13], $0x2800  }
0xfa: {  	[sflag:s13] =	ssyncset.done $0x0  }
0xfb: {  	[sflag:s13] =	ssyncadd.s32 $0xFFFFD800  }
0xfc: {  	[tilespmem:s12], [sflag:$0x5] =	stream.linear.gather [spmem:s31], $0x2800, $0x38;
	[tilespmem:$0x19200] =	vst v63  }
0xfd: {  	_ =	swait.ge [sflag:s13], $0x2800  }
0xfe: {  	[sflag:s13] =	ssyncset.done $0x0  }
0xff: {  	s30 =	rddreg [dreg:$0x8];
	[sflag:s13] =	ssyncadd.s32 $0xFFFFD800  }
0x100: {  	[hbm4b:s30+s1] =	stream.linear.scatter [tilespmem:s12], [sflag:$0x5], $0x2800, $0x38;
	[tilespmem:$0x19200] =	vst v63  }
0x101: {  	_ =	swait.ge [sflag:s13], $0x2800  }
0x102: {  	[sflag:s13] =	ssyncset.done $0x0  }
0x103: {  	[sflag:s13] =	ssyncadd.s32 $0xFFFFD800  }
0x104: {  	[tilespmem:s12], [sflag:$0x5] =	stream.linear.gather [spmem:s18], $0x2800, $0x38;
	[tilespmem:$0x19200] =	vst v63  }
0x105: {  	_ =	swait.ge [sflag:s13], $0x2800  }
0x106: {  	[sflag:s13] =	ssyncset.done $0x0  }
0x107: {  	s30 =	rddreg [dreg:$0x9];
	[sflag:s13] =	ssyncadd.s32 $0xFFFFD800  }
0x108: {  	[hbm4b:s30+s1] =	stream.linear.scatter [tilespmem:s12], [sflag:$0x5], $0x2800, $0x38;
	[tilespmem:$0x19200] =	vst v63  }
0x109: {  	_ =	swait.ge [sflag:s13], $0x2800  }
0x10a: {  	[sflag:s13] =	ssyncset.done $0x0  }
0x10b: {  	[sflag:s13] =	ssyncadd.s32 $0xFFFFD800  }
0x10c: {  	[tilespmem:s12], [sflag:$0x5] =	stream.linear.gather [spmem:s0], $0x2800, $0x38;
	[tilespmem:$0x19200] =	vst v63  }
0x10d: {  	_ =	swait.ge [sflag:s13], $0x2800  }
0x10e: {  	[sflag:s13] =	ssyncset.done $0x0  }
0x10f: {  	s30 =	rddreg [dreg:$0xa];
	[sflag:s13] =	ssyncadd.s32 $0xFFFFD800  }
0x110: {  	[hbm4b:s30+s1] =	stream.linear.scatter [tilespmem:s12], [sflag:$0x5], $0x2800, $0x38;
	[tilespmem:$0x19200] =	vst v63  }
0x111: {  	_ =	swait.ge [sflag:s13], $0x2800  }
0x112: {  	[sflag:s13] =	ssyncset.done $0x0  }
0x113: {  	[sflag:s13] =	ssyncadd.s32 $0xFFFFD800  }
0x114: {  	[tilespmem:s12], [sflag:$0x5] =	stream.linear.gather [spmem:s3], $0x2800, $0x38;
	[tilespmem:$0x19200] =	vst v63  }
0x115: {  	_ =	swait.ge [sflag:s13], $0x2800  }
0x116: {  	[sflag:s13] =	ssyncset.done $0x0  }
0x117: {  	s30 =	rddreg [dreg:$0xb];
	[sflag:s13] =	ssyncadd.s32 $0xFFFFD800  }
0x118: {  	[hbm4b:s30+s1] =	stream.linear.scatter [tilespmem:s12], [sflag:$0x5], $0x2800, $0x38;
	[tilespmem:$0x19200] =	vst v63  }
0x119: {  	_ =	swait.ge [sflag:s13], $0x2800  }
0x11a: {  	[sflag:s13] =	ssyncset.done $0x0  }
0x11b: {  	[sflag:s13] =	ssyncadd.s32 $0xFFFFD800  }
0x11c: {  	s30 =	rddreg [dreg:$0x1]  }
0x11d: {  	[tilespmem:s12], [sflag:$0x5] =	stream.linear.gather [hbm4b:s30+s1], $0x2800, $0x38;
	[tilespmem:$0x19200] =	vst v63  }
0x11e: {  	_ =	swait.ge [sflag:s13], $0x2800  }
0x11f: {  	[sflag:s13] =	ssyncset.done $0x0  }
0x120: {  	[sflag:s13] =	ssyncadd.s32 $0xFFFFD800  }
0x121: {  	[spmem:s26] =	stream.linear.scatter [tilespmem:s12], [sflag:$0x5], $0x2800, $0x38;
	[tilespmem:$0x19200] =	vst v63  }
0x122: {  	_ =	swait.ge [sflag:s13], $0x2800  }
0x123: {  	[sflag:s13] =	ssyncset.done $0x0  }
0x124: {  	[sflag:s13] =	ssyncadd.s32 $0xFFFFD800  }
0x125: {  	[spmem:s8] =	stream.linear.scatter [tilespmem:s12], [sflag:$0x5], $0x2800, $0x38;
	[tilespmem:$0x19200] =	vst v63  }
0x126: {  	_ =	swait.ge [sflag:s13], $0x2800  }
0x127: {  	[sflag:s13] =	ssyncset.done $0x0  }
0x128: {  	[sflag:s13] =	ssyncadd.s32 $0xFFFFD800  }
0x129: {  	[spmem:s9] =	stream.linear.scatter [tilespmem:s12], [sflag:$0x5], $0x2800, $0x38;
	[tilespmem:$0x19200] =	vst v63  }
0x12a: {  	_ =	swait.ge [sflag:s13], $0x2800  }
0x12b: {  	[sflag:s13] =	ssyncset.done $0x0  }
0x12c: {  	[sflag:s13] =	ssyncadd.s32 $0xFFFFD800  }
0x12d: {  	[spmem:s28] =	stream.linear.scatter [tilespmem:s12], [sflag:$0x5], $0x2800, $0x38;
	[tilespmem:$0x19200] =	vst v63  }
0x12e: {  	_ =	swait.ge [sflag:s13], $0x2800  }
0x12f: {  	[sflag:s13] =	ssyncset.done $0x0  }
0x130: {  	[sflag:s13] =	ssyncadd.s32 $0xFFFFD800  }
0x131: {  	[spmem:s31] =	stream.linear.scatter [tilespmem:s12], [sflag:$0x5], $0x2800, $0x38;
	[tilespmem:$0x19200] =	vst v63  }
0x132: {  	_ =	swait.ge [sflag:s13], $0x2800  }
0x133: {  	[sflag:s13] =	ssyncset.done $0x0  }
0x134: {  	[sflag:s13] =	ssyncadd.s32 $0xFFFFD800  }
0x135: {  	[spmem:s18] =	stream.linear.scatter [tilespmem:s12], [sflag:$0x5], $0x2800, $0x38;
	[tilespmem:$0x19200] =	vst v63  }
0x136: {  	_ =	swait.ge [sflag:s13], $0x2800  }
0x137: {  	[sflag:s13] =	ssyncset.done $0x0  }
0x138: {  	[sflag:s13] =	ssyncadd.s32 $0xFFFFD800  }
0x139: {  	[spmem:s0] =	stream.linear.scatter [tilespmem:s12], [sflag:$0x5], $0x2800, $0x38;
	[tilespmem:$0x19200] =	vst v63  }
0x13a: {  	_ =	swait.ge [sflag:s13], $0x2800  }
0x13b: {  	[sflag:s13] =	ssyncset.done $0x0  }
0x13c: {  	[sflag:s13] =	ssyncadd.s32 $0xFFFFD800  }
0x13d: {  	[spmem:s3] =	stream.linear.scatter [tilespmem:s12], [sflag:$0x5], $0x2800, $0x38;
	[tilespmem:$0x19200] =	vst v63  }
0x13e: {  	_ =	swait.ge [sflag:s13], $0x2800  }
0x13f: {  	[sflag:s13] =	ssyncset.done $0x0  }
0x140: {  	[sflag:s13] =	ssyncadd.s32 $0xFFFFD800  }
0x141: {  	[bflag:$0x0] =	sbarrier.arrive $0xFFFF  }
0x142: {  	[tilespmem:s14], [sflag:$0x5] =	stream.linear.gather [spmem:s26], $0x2800, $0x38;
	[tilespmem:$0x19200] =	vst v63  }
0x143: {  	_ =	swait.ge [sflag:s13], $0x2800  }
0x144: {  	[sflag:s13] =	ssyncset.done $0x0  }
0x145: {  	[sflag:s13] =	ssyncadd.s32 $0xFFFFD800  }
0x146: {  	[bflag:$0x0] =	sbarrier.arrive $0xFFFF  }
0x147: {  	s8 =	rddreg [dreg:$0x19]  }
0x148: {  	[tilespmem:s1], [sflag:$0x1] =	stream.linear.gather [hbm4b:s8+s1], $0x50, $0x38;
	[tilespmem:$0x19200] =	vst v63  }
0x149: {  	s9 =	rddreg [dreg:$0x1a]  }
0x14a: {  	[tilespmem:s19], [sflag:$0x1] =	stream.linear.gather [hbm4b:s9+s1], $0x50, $0x38;
	[tilespmem:$0x19200] =	vst v63  }
0x14b: {  	_ =	swait.ge [sflag:s15], $0x50  }
0x14c: {  	s28 =	sadd.s32 $0xFFFFFF82, s11;
	[sflag:s15] =	ssyncset.done $0x0  }
0x14d: {  	s8 =	sadd.s32 $0x101F, s28;
	[sflag:s15] =	ssyncadd.s32 $0xFFFFFFB0  }
0x14e: {  	p0 =	slt.s32 s8, s10;
	s9 =	smov.u32 s10;
	_ =	swait.ge [sflag:s15], $0x50  }
0x14f: {  	s9 =	smov.u32 @p0 s8;
	[sflag:s15] =	ssyncset.done $0x0  }
0x150: {  	s8 =	smul.u32 $0xA, s9;
	[sflag:s15] =	ssyncadd.s32 $0xFFFFFFB0  }
0x151: {  	[tilespmem:s12], [sflag:$0x3] =	stream.indirect.gather [hbm4b:s23+s16], $0x80, s1, s16, $0xb8;
	[tilespmem:$0x19200] =	vst v63  }
0x152: {  	s9 =	sadd.s32 s24, s8  }
0x153: {  	[tilespmem:s17], [sflag:$0x2] =	stream.linear.gather [hbm4b:s9+s1], $0x50, $0x38;
	[tilespmem:$0x19200] =	vst v63  }
0x154: {  	s8 =	sadd.s32 s25, s8  }
0x155: {  	[tilespmem:s20], [sflag:$0x2] =	stream.linear.gather [hbm4b:s8+s1], $0x50, $0x38;
	[tilespmem:$0x19200] =	vst v63  }
0x156: {  	_ =	swait.ge [sflag:s22], $0x2800  }
0x157: {  	[sflag:s22] =	ssyncset.done $0x0  }
0x158: {  	[sflag:s22] =	ssyncadd.s32 $0xFFFFD800  }
0x159: {  	_ =	swait.ge [sflag:s4], $0x50  }
0x15a: {  	[sflag:s4] =	ssyncset.done $0x0  }
0x15b: {  	[sflag:s4] =	ssyncadd.s32 $0xFFFFFFB0  }
0x15c: {  	_ =	swait.ge [sflag:s4], $0x50  }
0x15d: {  	s7 =	sadd.s32 $0x1020, s28;
	[sflag:s4] =	ssyncset.done $0x0  }
0x15e: {  	p0 =	slt.s32 s7, s10;
	s8 =	smov.u32 s10;
	[sflag:s4] =	ssyncadd.s32 $0xFFFFFFB0  }
0x15f: {  	[tilespmem:s14], [sflag:$0x4] =	stream.indirect.gather [hbm4b:s23+s16], $0x80, s17, s16, $0xb8;
	[tilespmem:$0x19200] =	vst v63  }
0x160: {  	s8 =	smov.u32 @p0 s7  }
0x161: {  	[spmem:s21] =	stream.indirect.scatter.add.f32 [tilespmem:s12], [sflag:$0x5], $0x80, s19, s16, $0xb8;
	[tilespmem:$0x19200] =	vst v63  }
0x162: {  	s7 =	smul.u32 $0xA, s8;
	_ =	swait.ge [sflag:s13], $0x2800  }
0x163: {  	[sflag:s13] =	ssyncset.done $0x0  }
0x164: {  	s8 =	sadd.s32 s24, s7;
	[sflag:s13] =	ssyncadd.s32 $0xFFFFD800  }
0x165: {  	[tilespmem:s1], [sflag:$0x1] =	stream.linear.gather [hbm4b:s8+s1], $0x50, $0x38;
	[tilespmem:$0x19200] =	vst v63  }
0x166: {  	s7 =	sadd.s32 s25, s7  }
0x167: {  	[tilespmem:s19], [sflag:$0x1] =	stream.linear.gather [hbm4b:s7+s1], $0x50, $0x38;
	[tilespmem:$0x19200] =	vst v63  }
0x168: {  	_ =	swait.ge [sflag:s5], $0x2800  }
0x169: {  	[sflag:s5] =	ssyncset.done $0x0  }
0x16a: {  	[sflag:s5] =	ssyncadd.s32 $0xFFFFD800  }
0x16b: {  	s30 =	sadd.s32 $0xFFFFFF84, s11;
	_ =	swait.ge [sflag:s15], $0x50  }
0x16c: {  	s28 =	sadd.s32 $0x101F, s30;
	[sflag:s15] =	ssyncset.done $0x0  }
0x16d: {  	s9 =	smov.u32 s10;
	p0 =	slt.s32 s28, s10;
	[sflag:s15] =	ssyncadd.s32 $0xFFFFFFB0  }
0x16e: {  	s8 =	smov.u32 s10;
	s7 =	sadd.s32 $0x1020, s30;
	_ =	swait.ge [sflag:s15], $0x50  }
0x16f: {  	s8 =	smov.u32 @p0 s28;
	p1 =	slt.s32 s7, s10;
	[sflag:s15] =	ssyncset.done $0x0  }
0x170: {  	s9 =	smov.u32 @p1 s7;
	s7 =	simm.s32 $0xFFFFFF86;
	[sflag:s15] =	ssyncadd.s32 $0xFFFFFFB0  }
0x171: {  	[tilespmem:s12], [sflag:$0x3] =	stream.indirect.gather [hbm4b:s23+s16], $0x80, s1, s16, $0xb8;
	[tilespmem:$0x19200] =	vst v63  }
.LBB2_4:
0x172: {  	[spmem:s21] =	stream.indirect.scatter.add.f32 [tilespmem:s14], [sflag:$0x5], $0x80, s20, s16, $0xb8;
	[tilespmem:$0x19200] =	vst v63  }
0x173: {  	s28 =	smov.u32 s7  }
0x174: {  	p0 =	sne.s32 s7, $0xFFFFFFFE;
	s7 =	sadd.s32 $0x2, s7;
	_ =	swait.ge [sflag:s13], $0x2800  }
0x175: {  	s8 =	smul.u32 $0xA, s8;
	[sflag:s13] =	ssyncset.done $0x0  }
0x176: {  	[sflag:s13] =	ssyncadd.s32 $0xFFFFD800  }
0x177: {  	s30 =	sadd.s32 s24, s8  }
0x178: {  	[tilespmem:s17], [sflag:$0x2] =	stream.linear.gather [hbm4b:s30+s1], $0x50, $0x38;
	[tilespmem:$0x19200] =	vst v63  }
0x179: {  	s8 =	sadd.s32 s25, s8  }
0x17a: {  	[tilespmem:s20], [sflag:$0x2] =	stream.linear.gather [hbm4b:s8+s1], $0x50, $0x38;
	[tilespmem:$0x19200] =	vst v63  }
0x17b: {  	_ =	swait.ge [sflag:s22], $0x2800  }
0x17c: {  	[sflag:s22] =	ssyncset.done $0x0  }
0x17d: {  	[sflag:s22] =	ssyncadd.s32 $0xFFFFD800  }
0x17e: {  	_ =	swait.ge [sflag:s4], $0x50  }
0x17f: {  	[sflag:s4] =	ssyncset.done $0x0  }
0x180: {  	[sflag:s4] =	ssyncadd.s32 $0xFFFFFFB0  }
0x181: {  	_ =	swait.ge [sflag:s4], $0x50  }
0x182: {  	[sflag:s4] =	ssyncset.done $0x0  }
0x183: {  	[sflag:s4] =	ssyncadd.s32 $0xFFFFFFB0  }
0x184: {  	[tilespmem:s14], [sflag:$0x4] =	stream.indirect.gather [hbm4b:s23+s16], $0x80, s17, s16, $0xb8;
	[tilespmem:$0x19200] =	vst v63  }
0x185: {  	_ = 	snop  }
0x186: {  	[spmem:s21] =	stream.indirect.scatter.add.f32 [tilespmem:s12], [sflag:$0x5], $0x80, s19, s16, $0xb8;
	[tilespmem:$0x19200] =	vst v63  }
0x187: {  	s8 =	smul.u32 $0xA, s9;
	_ =	swait.ge [sflag:s13], $0x2800  }
0x188: {  	[sflag:s13] =	ssyncset.done $0x0  }
0x189: {  	s9 =	sadd.s32 s24, s8;
	[sflag:s13] =	ssyncadd.s32 $0xFFFFD800  }
0x18a: {  	[tilespmem:s1], [sflag:$0x1] =	stream.linear.gather [hbm4b:s9+s1], $0x50, $0x38;
	[tilespmem:$0x19200] =	vst v63  }
0x18b: {  	s8 =	sadd.s32 s25, s8  }
0x18c: {  	[tilespmem:s19], [sflag:$0x1] =	stream.linear.gather [hbm4b:s8+s1], $0x50, $0x38;
	[tilespmem:$0x19200] =	vst v63  }
0x18d: {  	_ =	swait.ge [sflag:s5], $0x2800  }
0x18e: {  	[sflag:s5] =	ssyncset.done $0x0  }
0x18f: {  	[sflag:s5] =	ssyncadd.s32 $0xFFFFD800  }
0x190: {  	_ =	swait.ge [sflag:s15], $0x50  }
0x191: {  	s8 =	sadd.s32 s28, s11;
	[sflag:s15] =	ssyncset.done $0x0  }
0x192: {  	s9 =	sadd.s32 $0x101F, s8;
	s28 =	sadd.s32 $0x1020, s8;
	[sflag:s15] =	ssyncadd.s32 $0xFFFFFFB0  }
.Ltmp1:
0x193: {  	s8 =	smov.u32 s10;
	_ =	swait.ge [sflag:s15], $0x50;
	(pc) =	sbr.rel @p0 .LBB2_4-.Ltmp1, $4  }
0x194: {  	p1 =	slt.s32 s9, s10;
	p2 =	slt.s32 s28, s10;
	[sflag:s15] =	ssyncset.done $0x0  }
0x195: {  	s8 =	smov.u32 @p1 s9;
	s9 =	smov.u32 s10;
	[sflag:s15] =	ssyncadd.s32 $0xFFFFFFB0  }
0x196: {  	[tilespmem:s12], [sflag:$0x3] =	stream.indirect.gather [hbm4b:s23+s16], $0x80, s1, s16, $0xb8;
	[tilespmem:$0x19200] =	vst v63  }
0x197: {  	s9 =	smov.u32 @p2 s28  }
0x198: {  	[spmem:s21] =	stream.indirect.scatter.add.f32 [tilespmem:s14], [sflag:$0x5], $0x80, s20, s16, $0xb8;
	[tilespmem:$0x19200] =	vst v63  }
0x199: {  	s7 =	smul.u32 $0xA, s8;
	_ =	swait.ge [sflag:s13], $0x2800  }
0x19a: {  	[sflag:s13] =	ssyncset.done $0x0  }
0x19b: {  	s8 =	sadd.s32 s24, s7;
	[sflag:s13] =	ssyncadd.s32 $0xFFFFD800  }
0x19c: {  	[tilespmem:s17], [sflag:$0x2] =	stream.linear.gather [hbm4b:s8+s1], $0x50, $0x38;
	[tilespmem:$0x19200] =	vst v63  }
0x19d: {  	s7 =	sadd.s32 s25, s7  }
0x19e: {  	[tilespmem:s20], [sflag:$0x2] =	stream.linear.gather [hbm4b:s7+s1], $0x50, $0x38;
	[tilespmem:$0x19200] =	vst v63  }
0x19f: {  	_ =	swait.ge [sflag:s22], $0x2800  }
0x1a0: {  	[sflag:s22] =	ssyncset.done $0x0  }
0x1a1: {  	[sflag:s22] =	ssyncadd.s32 $0xFFFFD800  }
0x1a2: {  	_ =	swait.ge [sflag:s4], $0x50  }
0x1a3: {  	[sflag:s4] =	ssyncset.done $0x0  }
0x1a4: {  	[sflag:s4] =	ssyncadd.s32 $0xFFFFFFB0  }
0x1a5: {  	_ =	swait.ge [sflag:s4], $0x50  }
0x1a6: {  	[sflag:s4] =	ssyncset.done $0x0  }
0x1a7: {  	[sflag:s4] =	ssyncadd.s32 $0xFFFFFFB0  }
0x1a8: {  	[tilespmem:s14], [sflag:$0x4] =	stream.indirect.gather [hbm4b:s23+s16], $0x80, s17, s16, $0xb8;
	[tilespmem:$0x19200] =	vst v63  }
0x1a9: {  	_ = 	snop  }
0x1aa: {  	[spmem:s21] =	stream.indirect.scatter.add.f32 [tilespmem:s12], [sflag:$0x5], $0x80, s19, s16, $0xb8;
	[tilespmem:$0x19200] =	vst v63  }
0x1ab: {  	s7 =	smul.u32 $0xA, s9;
	_ =	swait.ge [sflag:s13], $0x2800  }
0x1ac: {  	[sflag:s13] =	ssyncset.done $0x0  }
0x1ad: {  	s9 =	sadd.s32 s24, s7;
	[sflag:s13] =	ssyncadd.s32 $0xFFFFD800  }
0x1ae: {  	[tilespmem:s1], [sflag:$0x1] =	stream.linear.gather [hbm4b:s9+s1], $0x50, $0x38;
	[tilespmem:$0x19200] =	vst v63  }
0x1af: {  	s7 =	sadd.s32 s25, s7  }
0x1b0: {  	[tilespmem:s19], [sflag:$0x1] =	stream.linear.gather [hbm4b:s7+s1], $0x50, $0x38;
	[tilespmem:$0x19200] =	vst v63  }
0x1b1: {  	_ =	swait.ge [sflag:s5], $0x2800  }
0x1b2: {  	[sflag:s5] =	ssyncset.done $0x0  }
0x1b3: {  	[sflag:s5] =	ssyncadd.s32 $0xFFFFD800  }
0x1b4: {  	_ =	swait.ge [sflag:s15], $0x50  }
0x1b5: {  	[sflag:s15] =	ssyncset.done $0x0  }
0x1b6: {  	[sflag:s15] =	ssyncadd.s32 $0xFFFFFFB0  }
0x1b7: {  	_ =	swait.ge [sflag:s15], $0x50  }
0x1b8: {  	[sflag:s15] =	ssyncset.done $0x0  }
0x1b9: {  	[sflag:s15] =	ssyncadd.s32 $0xFFFFFFB0  }
0x1ba: {  	[tilespmem:s12], [sflag:$0x3] =	stream.indirect.gather [hbm4b:s23+s16], $0x80, s1, s16, $0xb8;
	[tilespmem:$0x19200] =	vst v63  }
0x1bb: {  	_ = 	snop  }
0x1bc: {  	[spmem:s21] =	stream.indirect.scatter.add.f32 [tilespmem:s14], [sflag:$0x5], $0x80, s20, s16, $0xb8;
	[tilespmem:$0x19200] =	vst v63  }
0x1bd: {  	_ =	swait.ge [sflag:s13], $0x2800  }
0x1be: {  	[sflag:s13] =	ssyncset.done $0x0  }
0x1bf: {  	[sflag:s13] =	ssyncadd.s32 $0xFFFFD800  }
0x1c0: {  	_ =	swait.ge [sflag:s22], $0x2800  }
0x1c1: {  	[sflag:s22] =	ssyncset.done $0x0  }
0x1c2: {  	[sflag:s22] =	ssyncadd.s32 $0xFFFFD800  }
0x1c3: {  	[bflag:$0x0] =	sbarrier.arrive $0xFFFF  }
0x1c4: {  	[tilespmem:s14], [sflag:$0x5] =	stream.linear.gather [spmem:s26], $0x2800, $0x38;
	[tilespmem:$0x19200] =	vst v63  }
0x1c5: {  	_ =	swait.ge [sflag:s13], $0x2800  }
0x1c6: {  	[sflag:s13] =	ssyncset.done $0x0  }
0x1c7: {  	[sflag:s13] =	ssyncadd.s32 $0xFFFFD800  }
0x1c8: {  	[bflag:$0x0] =	sbarrier.arrive $0xFFFF  }
0x1c9: {  	[tilespmem:s12], [sflag:$0x5] =	stream.linear.gather [spmem:s26], $0x2800, $0x38;
	[tilespmem:$0x19200] =	vst v63  }
0x1ca: {  	_ =	swait.ge [sflag:s13], $0x2800  }
0x1cb: {  	[sflag:s13] =	ssyncset.done $0x0  }
0x1cc: {  	s8 =	rddreg [dreg:$0xc];
	[sflag:s13] =	ssyncadd.s32 $0xFFFFD800  }
0x1cd: {  	[hbm4b:s8+s1] =	stream.linear.scatter [tilespmem:s12], [sflag:$0x5], $0x2800, $0x38;
	[tilespmem:$0x19200] =	vst v63  }
0x1ce: {  	_ =	swait.ge [sflag:s13], $0x2800  }
0x1cf: {  	[sflag:s13] =	ssyncset.done $0x0  }
0x1d0: {  	s28 =	rddreg [dreg:$0x14];
	[sflag:s13] =	ssyncadd.s32 $0xFFFFD800  }
0x1d1: {  	[tilespmem:s12], [sflag:$0x5] =	stream.linear.gather [spmem:s28], $0x2800, $0x38;
	[tilespmem:$0x19200] =	vst v63  }
0x1d2: {  	_ =	swait.ge [sflag:s13], $0x2800  }
0x1d3: {  	[sflag:s13] =	ssyncset.done $0x0  }
0x1d4: {  	s9 =	rddreg [dreg:$0xd];
	[sflag:s13] =	ssyncadd.s32 $0xFFFFD800  }
0x1d5: {  	[hbm4b:s9+s1] =	stream.linear.scatter [tilespmem:s12], [sflag:$0x5], $0x2800, $0x38;
	[tilespmem:$0x19200] =	vst v63  }
0x1d6: {  	_ =	swait.ge [sflag:s13], $0x2800  }
0x1d7: {  	[sflag:s13] =	ssyncset.done $0x0  }
0x1d8: {  	s30 =	rddreg [dreg:$0x15];
	[sflag:s13] =	ssyncadd.s32 $0xFFFFD800  }
0x1d9: {  	[tilespmem:s12], [sflag:$0x5] =	stream.linear.gather [spmem:s30], $0x2800, $0x38;
	[tilespmem:$0x19200] =	vst v63  }
0x1da: {  	_ =	swait.ge [sflag:s13], $0x2800  }
0x1db: {  	[sflag:s13] =	ssyncset.done $0x0  }
0x1dc: {  	s8 =	rddreg [dreg:$0xe];
	[sflag:s13] =	ssyncadd.s32 $0xFFFFD800  }
0x1dd: {  	[hbm4b:s8+s1] =	stream.linear.scatter [tilespmem:s12], [sflag:$0x5], $0x2800, $0x38;
	[tilespmem:$0x19200] =	vst v63  }
0x1de: {  	_ =	swait.ge [sflag:s13], $0x2800  }
0x1df: {  	[sflag:s13] =	ssyncset.done $0x0  }
0x1e0: {  	s8 =	rddreg [dreg:$0x16];
	[sflag:s13] =	ssyncadd.s32 $0xFFFFD800  }
0x1e1: {  	[tilespmem:s12], [sflag:$0x5] =	stream.linear.gather [spmem:s8], $0x2800, $0x38;
	[tilespmem:$0x19200] =	vst v63  }
0x1e2: {  	_ =	swait.ge [sflag:s13], $0x2800  }
0x1e3: {  	[sflag:s13] =	ssyncset.done $0x0  }
0x1e4: {  	s9 =	rddreg [dreg:$0xf];
	[sflag:s13] =	ssyncadd.s32 $0xFFFFD800  }
0x1e5: {  	[hbm4b:s9+s1] =	stream.linear.scatter [tilespmem:s12], [sflag:$0x5], $0x2800, $0x38;
	[tilespmem:$0x19200] =	vst v63  }
0x1e6: {  	_ =	swait.ge [sflag:s13], $0x2800  }
0x1e7: {  	[sflag:s13] =	ssyncset.done $0x0  }
0x1e8: {  	[sflag:s13] =	ssyncadd.s32 $0xFFFFD800  }
0x1e9: {  	[tilespmem:s12], [sflag:$0x5] =	stream.linear.gather [spmem:s31], $0x2800, $0x38;
	[tilespmem:$0x19200] =	vst v63  }
0x1ea: {  	_ =	swait.ge [sflag:s13], $0x2800  }
0x1eb: {  	[sflag:s13] =	ssyncset.done $0x0  }
0x1ec: {  	s9 =	rddreg [dreg:$0x10];
	[sflag:s13] =	ssyncadd.s32 $0xFFFFD800  }
0x1ed: {  	[hbm4b:s9+s1] =	stream.linear.scatter [tilespmem:s12], [sflag:$0x5], $0x2800, $0x38;
	[tilespmem:$0x19200] =	vst v63  }
0x1ee: {  	_ =	swait.ge [sflag:s13], $0x2800  }
0x1ef: {  	[sflag:s13] =	ssyncset.done $0x0  }
0x1f0: {  	[sflag:s13] =	ssyncadd.s32 $0xFFFFD800  }
0x1f1: {  	[tilespmem:s12], [sflag:$0x5] =	stream.linear.gather [spmem:s18], $0x2800, $0x38;
	[tilespmem:$0x19200] =	vst v63  }
0x1f2: {  	_ =	swait.ge [sflag:s13], $0x2800  }
0x1f3: {  	[sflag:s13] =	ssyncset.done $0x0  }
0x1f4: {  	s9 =	rddreg [dreg:$0x11];
	[sflag:s13] =	ssyncadd.s32 $0xFFFFD800  }
0x1f5: {  	[hbm4b:s9+s1] =	stream.linear.scatter [tilespmem:s12], [sflag:$0x5], $0x2800, $0x38;
	[tilespmem:$0x19200] =	vst v63  }
0x1f6: {  	_ =	swait.ge [sflag:s13], $0x2800  }
0x1f7: {  	[sflag:s13] =	ssyncset.done $0x0  }
0x1f8: {  	[sflag:s13] =	ssyncadd.s32 $0xFFFFD800  }
0x1f9: {  	[tilespmem:s12], [sflag:$0x5] =	stream.linear.gather [spmem:s0], $0x2800, $0x38;
	[tilespmem:$0x19200] =	vst v63  }
0x1fa: {  	_ =	swait.ge [sflag:s13], $0x2800  }
0x1fb: {  	[sflag:s13] =	ssyncset.done $0x0  }
0x1fc: {  	s9 =	rddreg [dreg:$0x12];
	[sflag:s13] =	ssyncadd.s32 $0xFFFFD800  }
0x1fd: {  	[hbm4b:s9+s1] =	stream.linear.scatter [tilespmem:s12], [sflag:$0x5], $0x2800, $0x38;
	[tilespmem:$0x19200] =	vst v63  }
0x1fe: {  	_ =	swait.ge [sflag:s13], $0x2800  }
0x1ff: {  	[sflag:s13] =	ssyncset.done $0x0  }
0x200: {  	[sflag:s13] =	ssyncadd.s32 $0xFFFFD800  }
0x201: {  	[tilespmem:s12], [sflag:$0x5] =	stream.linear.gather [spmem:s3], $0x2800, $0x38;
	[tilespmem:$0x19200] =	vst v63  }
0x202: {  	_ =	swait.ge [sflag:s13], $0x2800  }
0x203: {  	[sflag:s13] =	ssyncset.done $0x0  }
0x204: {  	s9 =	rddreg [dreg:$0x13];
	[sflag:s13] =	ssyncadd.s32 $0xFFFFD800  }
0x205: {  	[hbm4b:s9+s1] =	stream.linear.scatter [tilespmem:s12], [sflag:$0x5], $0x2800, $0x38;
	[tilespmem:$0x19200] =	vst v63  }
0x206: {  	_ =	swait.ge [sflag:s13], $0x2800  }
0x207: {  	s6 =	sadd.s32 $0x1, s6;
	s9 =	rddreg [dreg:$0x1b]  }
0x208: {  	p0 =	sne.s32 s6, s9  }
.Ltmp2:
0x209: {  	_ = 	snop;
	(pc) =	sbr.rel @p0 .LBB2_1-.Ltmp2, $3  }
0x20a: {  	_ =	sdelay $0x1  }
0x20b: {  	[sflag:s13] =	ssyncset.done $0x0  }
0x20c: {  	[sflag:s13] =	ssyncadd.s32 $0xFFFFD800  }
0x20d: {  	_ =	sfence.sel $0x180000  }
0x20e: {  	[bflag:$0x0] =	sbarrier.arrive $0xFFFF  }
0x20f: {  	_ =	strace $0x9000004A  }
0x210: {  	s0 =	stileid.u32;
	[bflag:$0x2] =	sbarrier.arrive $0xFFFF  }
0x211: {  	p0 =	sne.s32 s0, $0x0;
	s0 =	rddreg [dreg:$0x3]  }
0x212: {  	s0 =	sadd.s32 @!p0 $0x100000, s0  }
0x213: {  	[sflag:s0] =	ssyncadd.tile.s32 @!p0 $0x1;
	_ =	shalt  }
.Lfunc_end2:
_tile_overlayer_lowered:
.L_overlay_start_2:
0x214: {  	(tag) =	ssettag $0x2  }
0x215: {  	s0 =	rddreg [dreg:$0x0];
	s2 =	stileid.u32  }
0x216: {  	s1 =	rddreg [dreg:$0x1];
	p0 =	sne.s32 s2, $0x0  }
0x217: {  	s3 =	rddreg [dreg:$0x2];
	[bflag:$0x3] =	sbarrier.arrive $0xFFFF;
	s2 =	simm.s32 @!p0 $0x1C05  }
0x218: {  	[timem:s3], [sflag:s2] =	dma.local @!p0 [hbm:s0], s1  }
0x219: {  	s0 =	simm.s32 @!p0 $0x5  }
0x21a: {  	_ =	swait.ge @!p0 [sflag:s0], s1  }
0x21b: {  	s1 =	ssub.s32 @!p0 $0x0, s1;
	[sflag:s0] =	ssyncset.done @!p0 $0x0  }
0x21c: {  	[sflag:s0] =	ssyncadd.s32 @!p0 s1  }
0x21d: {  	[bflag:$0x3] =	sbarrier.arrive $0xFFFF  }
0x21e: {  	_ =	shalt  }

</sc_bundles>
